<compile_context>
chip_gen: v7x
topology: tpu7x:2x2x1
jax: 0.10.2.dev20260603
libtpu: 0.0.44.dev20260713+nightly
codegen_flags: <defaults>
</compile_context>

<pallas_src>
import functools

import jax
import jax.numpy as jnp
from jax import lax
from jax.experimental import pallas as pl
from jax.experimental.pallas import tpu as pltpu
from jax.experimental.pallas import tpu_sc as plsc

N = 10000
E = 160000
DIN = 256
DOUT = 256
MULHEAD = 4
DH = 64

_BN = 1000

_NC = 2
_NS = 16
_L = 16

_NW = _NC * _NS
_EPT = E // _NW
_K = 40
_NCHUNK = _EPT // _K


def _dense_body(feat_ref, w_ref, b_ref, ast_ref, h0_ref, h1_ref, st_ref):
    x = feat_ref[...]
    h = jnp.dot(x, w_ref[...], preferred_element_type=jnp.float32) + b_ref[...]
    h = jnp.maximum(h, 0.0)
    h0_ref[...] = h[:, :DOUT]
    h1_ref[...] = h[:, DOUT:]
    st = jnp.dot(h, ast_ref[...], preferred_element_type=jnp.float32)
    st_ref[...] = jnp.where(st >= 0, st, 0.2 * st)[:, :8]


def _dense_stage(feat, wcat, bcat, ast):
    return pl.pallas_call(
        _dense_body,
        grid=(N // _BN,),
        in_specs=[
            pl.BlockSpec((_BN, DIN), lambda i: (i, 0)),
            pl.BlockSpec((DIN, 2 * DOUT), lambda i: (0, 0)),
            pl.BlockSpec((1, 2 * DOUT), lambda i: (0, 0)),
            pl.BlockSpec((2 * DOUT, 128), lambda i: (0, 0)),
        ],
        out_specs=[
            pl.BlockSpec((_BN, DOUT), lambda i: (i, 0)),
            pl.BlockSpec((_BN, DOUT), lambda i: (i, 0)),
            pl.BlockSpec((_BN, 8), lambda i: (i, 0)),
        ],
        out_shape=[
            jax.ShapeDtypeStruct((N, DOUT), jnp.float32),
            jax.ShapeDtypeStruct((N, DOUT), jnp.float32),
            jax.ShapeDtypeStruct((N, 8), jnp.float32),
        ],
    )(feat, wcat, bcat, ast)


def _sc_scale_body(h1_hbm, row_hbm, col_hbm, ev_hbm, stt_hbm, v_hbm,
                   s0, s1, s2, s3, t0, t1, t2, t3,
                   rbuf, cbuf, evbuf, a0buf, a1buf, a2buf, a3buf,
                   gbuf, sem):
    c = lax.axis_index("c")
    w = lax.axis_index("s")
    for i, tab in enumerate((s0, s1, s2, s3, t0, t1, t2, t3)):
        pltpu.sync_copy(stt_hbm.at[pl.ds(i * N, N)], tab)

    base = (w * _NC + c) * _EPT
    stabs = (s0, s1, s2, s3)
    ttabs = (t0, t1, t2, t3)
    abufs = (a0buf, a1buf, a2buf, a3buf)

    def chunk(kk, carry):
        off = base + kk * _K
        pltpu.sync_copy(row_hbm.at[pl.ds(off, _K)], rbuf)
        pltpu.sync_copy(col_hbm.at[pl.ds(off, _K)], cbuf)
        pltpu.sync_copy(ev_hbm.at[pl.ds(off, _K)], evbuf)
        gcopy = pltpu.make_async_copy(h1_hbm.at[cbuf], gbuf, sem)
        gcopy.start()
        gofs = list(range(0, _K - _L + 1, _L))
        if _K % _L:
            gofs.append(_K - _L)
        for go in gofs:
            sl = pl.ds(go, _L)
            r16 = rbuf[sl]
            c16 = cbuf[sl]
            e16 = evbuf[sl]
            for h in range(MULHEAD):
                abufs[h][sl] = (plsc.load_gather(stabs[h], [r16])
                                + plsc.load_gather(ttabs[h], [c16])) * e16
        gcopy.wait()

        def scale_e(e, carry2):
            idxv = jnp.full((_L,), e, jnp.int32)
            for h in range(MULHEAD):
                vh = plsc.load_gather(abufs[h], [idxv])
                for j in range(DH // _L):
                    slj = pl.ds(h * DH + j * _L, _L)
                    gbuf[e, slj] = gbuf[e, slj] * vh
            return carry2

        lax.fori_loop(0, _K, scale_e, 0, unroll=8)
        pltpu.sync_copy(gbuf, v_hbm.at[pl.ds(off, _K)])
        return carry

    lax.fori_loop(0, _NCHUNK, chunk, 0)


def _sc_scale_stage(h1, row, col, ev, stt):
    mesh = plsc.VectorSubcoreMesh(core_axis_name="c", subcore_axis_name="s")
    return pl.kernel(
        _sc_scale_body,
        out_type=jax.ShapeDtypeStruct((E, DOUT), jnp.float32),
        mesh=mesh,
        compiler_params=pltpu.CompilerParams(needs_layout_passes=False),
        scratch_types=(
            [pltpu.VMEM((N,), jnp.float32)] * 8
            + [
                pltpu.VMEM((_K,), jnp.int32),
                pltpu.VMEM((_K,), jnp.int32),
                pltpu.VMEM((_K,), jnp.float32),
                pltpu.VMEM((_K,), jnp.float32),
                pltpu.VMEM((_K,), jnp.float32),
                pltpu.VMEM((_K,), jnp.float32),
                pltpu.VMEM((_K,), jnp.float32),
                pltpu.VMEM((_K, DOUT), jnp.float32),
                pltpu.SemaphoreType.DMA,
            ]
        ),
    )(h1, row, col, ev, stt)


def _reduce_body(h0_ref, y_ref, out_ref):
    i = pl.program_id(0)
    f = jnp.concatenate([h0_ref[...], y_ref[...]], axis=1)
    ssum = jnp.sum(f, axis=0, keepdims=True)
    ssq = jnp.sum(f * f, axis=0, keepdims=True)
    acc = jnp.concatenate(
        [ssum, ssq, jnp.zeros((6, 2 * DOUT), jnp.float32)], axis=0)

    @pl.when(i == 0)
    def _():
        out_ref[...] = acc

    @pl.when(i > 0)
    def _():
        out_ref[...] = out_ref[...] + acc


def _reduce_stage(h0, y):
    return pl.pallas_call(
        _reduce_body,
        grid=(N // _BN,),
        in_specs=[
            pl.BlockSpec((_BN, DOUT), lambda i: (i, 0)),
            pl.BlockSpec((_BN, DOUT), lambda i: (i, 0)),
        ],
        out_specs=pl.BlockSpec((8, 2 * DOUT), lambda i: (0, 0)),
        out_shape=jax.ShapeDtypeStruct((8, 2 * DOUT), jnp.float32),
    )(h0, y)


def _norm_body(h0_ref, y_ref, scale_ref, shift_ref, out_ref):
    f = jnp.concatenate([h0_ref[...], y_ref[...]], axis=1)
    out_ref[...] = f * scale_ref[...] + shift_ref[...]


def _norm_stage(h0, y, scale, shift):
    return pl.pallas_call(
        _norm_body,
        grid=(N // _BN,),
        in_specs=[
            pl.BlockSpec((_BN, DOUT), lambda i: (i, 0)),
            pl.BlockSpec((_BN, DOUT), lambda i: (i, 0)),
            pl.BlockSpec((1, 2 * DOUT), lambda i: (0, 0)),
            pl.BlockSpec((1, 2 * DOUT), lambda i: (0, 0)),
        ],
        out_specs=pl.BlockSpec((_BN, 2 * DOUT), lambda i: (i, 0)),
        out_shape=jax.ShapeDtypeStruct((N, 2 * DOUT), jnp.float32),
    )(h0, y, scale, shift)


def kernel(feat, edge_index, edge_values, W, b, att, gamma, beta):
    wcat = jnp.transpose(W, (2, 0, 1, 3)).reshape(DIN, 2 * DOUT)
    bcat = b.reshape(1, 2 * DOUT)
    a_self = att[0, :, :DH]
    a_neigh = att[0, :, DH:]
    ast = jnp.zeros((2 * DOUT, 128), jnp.float32)
    for i in range(MULHEAD):
        ast = ast.at[i * DH:(i + 1) * DH, i].set(a_self[i])
        ast = ast.at[DOUT + i * DH:DOUT + (i + 1) * DH, MULHEAD + i].set(a_neigh[i])

    h0, h1, st = _dense_stage(feat, wcat, bcat, ast)
    stt = st.T.reshape(8 * N)

    row = edge_index[0]
    col = edge_index[1]
    v = _sc_scale_stage(h1, row, col, edge_values, stt)
    y = jax.ops.segment_sum(v, row, num_segments=N)

    stats = _reduce_stage(h0, y)
    ssum = stats[0]
    ssq = stats[1]
    mean = ssum / N
    var = ssq / N - mean * mean
    scale = gamma / jnp.sqrt(var + 1e-09)
    shift = beta - mean * scale
    return _norm_stage(h0, y, scale.reshape(1, -1), shift.reshape(1, -1))

# --- scband reference (transcript-rebuilt; emitter-appended) ---
"""Pipeline reference for scband-attention-aggregator-35742717837625 (READ-ONLY COPY).

The authoritative reference and input builder live on the scoring server;
editing this copy changes nothing except your own understanding.
"""

import jax, jax.numpy as jnp
import numpy as np

N = 10000
E = 160000
DIN = 256
DOUT = 256
MULHEAD = 4
ORDER = 1
DH = DOUT // MULHEAD


def _leaky(x):
    return jnp.where(x >= 0, x, 0.2 * x)


def setup_inputs(seed: int = 0):
    key = jax.random.key(seed)
    ks = jax.random.split(key, 8)
    feat = jax.random.normal(ks[0], (N, DIN), dtype=jnp.float32)
    edge_index = jax.random.randint(ks[1], (2, E), 0, N, dtype=jnp.int32)
    edge_values = jax.random.uniform(ks[2], (E,), dtype=jnp.float32)
    W = jax.random.normal(ks[3], (ORDER + 1, MULHEAD, DIN, DH), dtype=jnp.float32) * (1.0 / np.sqrt(DIN))
    b = jnp.zeros((ORDER + 1, MULHEAD, DH), dtype=jnp.float32)
    att = jax.random.normal(ks[4], (ORDER, MULHEAD, 2 * DH), dtype=jnp.float32) * 0.1
    gamma = jnp.ones((DOUT * (ORDER + 1),), dtype=jnp.float32)
    beta = jnp.zeros((DOUT * (ORDER + 1),), dtype=jnp.float32)
    return {"feat": feat, "edge_index": edge_index, "edge_values": edge_values, "W": W, "b": b, "att": att, "gamma": gamma, "beta": beta}


def _forward(feat, edge_values, W, b, att, gamma, beta, edge_index):
    row = edge_index[0]
    col = edge_index[1]
    # per-order, per-head linear transform + relu (dropout p=0.0 -> identity)
    feat_partial = []
    for o in range(ORDER + 1):
        heads = []
        for i in range(MULHEAD):
            heads.append(jax.nn.relu(feat @ W[o, i] + b[o, i]))
        feat_partial.append(heads)
    # attention-weighted aggregation (no softmax, per GraphSAINT)
    for o in range(1, ORDER + 1):
        for s in range(o):
            for i in range(MULHEAD):
                fn = feat_partial[o][i]
                fs = feat_partial[s][i]
                a = att[s, i]
                att_self = _leaky(fs @ a[:DH])
                att_neigh = _leaky(fn @ a[DH:])
                vals = (att_self[row] + att_neigh[col]) * edge_values
                feat_partial[o][i] = jax.ops.segment_sum(vals[:, None] * fn[col], row, num_segments=N)
    feat_cat = [jnp.concatenate(h, axis=1) for h in feat_partial]
    # aggr == 'concat'
    feat_out = jnp.concatenate(feat_cat, axis=1)
    # bias == 'norm-nn': BatchNorm1d in training mode (batch statistics)
    mean = feat_out.mean(axis=0)
    var = feat_out.var(axis=0)
    feat_out = (feat_out - mean) / jnp.sqrt(var + 1e-09) * gamma + beta
    return feat_out


def reference(feat, edge_index, edge_values, W, b, att, gamma, beta):
    return _forward(feat, edge_values, W, b, att, gamma, beta, edge_index)

if __name__ == "__main__":
    import jax
    _d = setup_inputs()
    print(jax.jit(kernel)(*tuple(_d.values())))

</pallas_src>

<mosaic_0001>
#map = affine_map<(d0, d1) -> (0, 0)>
#map1 = affine_map<(d0, d1) -> (0)>
module attributes {stable_mosaic.version = 14 : i64} {
  func.func @_sc_scale_body(%arg0: i32, %arg1: i32, %arg2: memref<10000x256xf32, #tpu.memory_space<hbm>>, %arg3: memref<160000xi32, #tpu.memory_space<hbm>>, %arg4: memref<160000xi32, #tpu.memory_space<hbm>>, %arg5: memref<160000xf32, #tpu.memory_space<hbm>>, %arg6: memref<80000xf32, #tpu.memory_space<hbm>>, %arg7: memref<160000x256xf32, #tpu.memory_space<hbm>>, %arg8: memref<10000xf32, #tpu.memory_space<vmem>>, %arg9: memref<10000xf32, #tpu.memory_space<vmem>>, %arg10: memref<10000xf32, #tpu.memory_space<vmem>>, %arg11: memref<10000xf32, #tpu.memory_space<vmem>>, %arg12: memref<10000xf32, #tpu.memory_space<vmem>>, %arg13: memref<10000xf32, #tpu.memory_space<vmem>>, %arg14: memref<10000xf32, #tpu.memory_space<vmem>>, %arg15: memref<10000xf32, #tpu.memory_space<vmem>>, %arg16: memref<40xi32, #tpu.memory_space<vmem>>, %arg17: memref<40xi32, #tpu.memory_space<vmem>>, %arg18: memref<40xf32, #tpu.memory_space<vmem>>, %arg19: memref<40xf32, #tpu.memory_space<vmem>>, %arg20: memref<40xf32, #tpu.memory_space<vmem>>, %arg21: memref<40xf32, #tpu.memory_space<vmem>>, %arg22: memref<40xf32, #tpu.memory_space<vmem>>, %arg23: memref<40x256xf32, #tpu.memory_space<vmem>>, %arg24: memref<!tpu.dma_semaphore, #tpu.memory_space<semaphore_mem>>) attributes {dimension_semantics = [#tpu.dimension_semantics<core_parallel>, #tpu.dimension_semantics<subcore_parallel>], iteration_bounds = array<i64: 2, 16>, scalar_prefetch = 0 : i64, scratch_operands = 17 : i64, tpu.core_type = #tpu.core_type<sc_vector_subcore>, window_params = [{transform_indices = #map}, {transform_indices = #map1}, {transform_indices = #map1}, {transform_indices = #map1}, {transform_indices = #map1}, {transform_indices = #map}]} {
    "tpu.region"() ({
      %run_scoped3A = tpu.sem_alloc : memref<!tpu.dma_semaphore, #tpu.memory_space<semaphore_mem>>
      %dma_start3A = arith.constant 0 : i32
      %dma_start3A_8 = tpu.memref_slice %arg6[%dma_start3A] : memref<80000xf32, #tpu.memory_space<hbm>> -> memref<10000xf32, #tpu.memory_space<hbm>>
      %dma_start3A_9 = arith.constant 0 : i32
      %dma_start3A_10 = tpu.memref_slice %arg6[%dma_start3A_9] : memref<80000xf32, #tpu.memory_space<hbm>> -> memref<10000xf32, #tpu.memory_space<hbm>>
      tpu.enqueue_dma source(%dma_start3A_10 : memref<10000xf32, #tpu.memory_space<hbm>>) target(%arg8 : memref<10000xf32, #tpu.memory_space<vmem>>) target_semaphore(%run_scoped3A : memref<!tpu.dma_semaphore, #tpu.memory_space<semaphore_mem>>)
      %dma_wait3A = arith.constant 0 : i32
      %dma_wait3A_11 = tpu.memref_slice %arg6[%dma_wait3A] : memref<80000xf32, #tpu.memory_space<hbm>> -> memref<10000xf32, #tpu.memory_space<hbm>>
      %dma_wait3A_12 = arith.constant 0 : i32
      %dma_wait3A_13 = tpu.memref_slice %arg6[%dma_wait3A_12] : memref<80000xf32, #tpu.memory_space<hbm>> -> memref<10000xf32, #tpu.memory_space<hbm>>
      tpu.wait_dma2 semaphore(%run_scoped3A : memref<!tpu.dma_semaphore, #tpu.memory_space<semaphore_mem>>) src(%dma_wait3A_13 : memref<10000xf32, #tpu.memory_space<hbm>>) dst(%arg8 : memref<10000xf32, #tpu.memory_space<vmem>>)
      tpu.yield
    }) : () -> ()
    "tpu.region"() ({
      %run_scoped3A = tpu.sem_alloc : memref<!tpu.dma_semaphore, #tpu.memory_space<semaphore_mem>>
      %dma_start3A = arith.constant 10000 : i32
      %dma_start3A_8 = tpu.memref_slice %arg6[%dma_start3A] : memref<80000xf32, #tpu.memory_space<hbm>> -> memref<10000xf32, #tpu.memory_space<hbm>>
      %dma_start3A_9 = arith.constant 10000 : i32
      %dma_start3A_10 = tpu.memref_slice %arg6[%dma_start3A_9] : memref<80000xf32, #tpu.memory_space<hbm>> -> memref<10000xf32, #tpu.memory_space<hbm>>
      tpu.enqueue_dma source(%dma_start3A_10 : memref<10000xf32, #tpu.memory_space<hbm>>) target(%arg9 : memref<10000xf32, #tpu.memory_space<vmem>>) target_semaphore(%run_scoped3A : memref<!tpu.dma_semaphore, #tpu.memory_space<semaphore_mem>>)
      %dma_wait3A = arith.constant 10000 : i32
      %dma_wait3A_11 = tpu.memref_slice %arg6[%dma_wait3A] : memref<80000xf32, #tpu.memory_space<hbm>> -> memref<10000xf32, #tpu.memory_space<hbm>>
      %dma_wait3A_12 = arith.constant 10000 : i32
      %dma_wait3A_13 = tpu.memref_slice %arg6[%dma_wait3A_12] : memref<80000xf32, #tpu.memory_space<hbm>> -> memref<10000xf32, #tpu.memory_space<hbm>>
      tpu.wait_dma2 semaphore(%run_scoped3A : memref<!tpu.dma_semaphore, #tpu.memory_space<semaphore_mem>>) src(%dma_wait3A_13 : memref<10000xf32, #tpu.memory_space<hbm>>) dst(%arg9 : memref<10000xf32, #tpu.memory_space<vmem>>)
      tpu.yield
    }) : () -> ()
    "tpu.region"() ({
      %run_scoped3A = tpu.sem_alloc : memref<!tpu.dma_semaphore, #tpu.memory_space<semaphore_mem>>
      %dma_start3A = arith.constant 20000 : i32
      %dma_start3A_8 = tpu.memref_slice %arg6[%dma_start3A] : memref<80000xf32, #tpu.memory_space<hbm>> -> memref<10000xf32, #tpu.memory_space<hbm>>
      %dma_start3A_9 = arith.constant 20000 : i32
      %dma_start3A_10 = tpu.memref_slice %arg6[%dma_start3A_9] : memref<80000xf32, #tpu.memory_space<hbm>> -> memref<10000xf32, #tpu.memory_space<hbm>>
      tpu.enqueue_dma source(%dma_start3A_10 : memref<10000xf32, #tpu.memory_space<hbm>>) target(%arg10 : memref<10000xf32, #tpu.memory_space<vmem>>) target_semaphore(%run_scoped3A : memref<!tpu.dma_semaphore, #tpu.memory_space<semaphore_mem>>)
      %dma_wait3A = arith.constant 20000 : i32
      %dma_wait3A_11 = tpu.memref_slice %arg6[%dma_wait3A] : memref<80000xf32, #tpu.memory_space<hbm>> -> memref<10000xf32, #tpu.memory_space<hbm>>
      %dma_wait3A_12 = arith.constant 20000 : i32
      %dma_wait3A_13 = tpu.memref_slice %arg6[%dma_wait3A_12] : memref<80000xf32, #tpu.memory_space<hbm>> -> memref<10000xf32, #tpu.memory_space<hbm>>
      tpu.wait_dma2 semaphore(%run_scoped3A : memref<!tpu.dma_semaphore, #tpu.memory_space<semaphore_mem>>) src(%dma_wait3A_13 : memref<10000xf32, #tpu.memory_space<hbm>>) dst(%arg10 : memref<10000xf32, #tpu.memory_space<vmem>>)
      tpu.yield
    }) : () -> ()
    "tpu.region"() ({
      %run_scoped3A = tpu.sem_alloc : memref<!tpu.dma_semaphore, #tpu.memory_space<semaphore_mem>>
      %dma_start3A = arith.constant 30000 : i32
      %dma_start3A_8 = tpu.memref_slice %arg6[%dma_start3A] : memref<80000xf32, #tpu.memory_space<hbm>> -> memref<10000xf32, #tpu.memory_space<hbm>>
      %dma_start3A_9 = arith.constant 30000 : i32
      %dma_start3A_10 = tpu.memref_slice %arg6[%dma_start3A_9] : memref<80000xf32, #tpu.memory_space<hbm>> -> memref<10000xf32, #tpu.memory_space<hbm>>
      tpu.enqueue_dma source(%dma_start3A_10 : memref<10000xf32, #tpu.memory_space<hbm>>) target(%arg11 : memref<10000xf32, #tpu.memory_space<vmem>>) target_semaphore(%run_scoped3A : memref<!tpu.dma_semaphore, #tpu.memory_space<semaphore_mem>>)
      %dma_wait3A = arith.constant 30000 : i32
      %dma_wait3A_11 = tpu.memref_slice %arg6[%dma_wait3A] : memref<80000xf32, #tpu.memory_space<hbm>> -> memref<10000xf32, #tpu.memory_space<hbm>>
      %dma_wait3A_12 = arith.constant 30000 : i32
      %dma_wait3A_13 = tpu.memref_slice %arg6[%dma_wait3A_12] : memref<80000xf32, #tpu.memory_space<hbm>> -> memref<10000xf32, #tpu.memory_space<hbm>>
      tpu.wait_dma2 semaphore(%run_scoped3A : memref<!tpu.dma_semaphore, #tpu.memory_space<semaphore_mem>>) src(%dma_wait3A_13 : memref<10000xf32, #tpu.memory_space<hbm>>) dst(%arg11 : memref<10000xf32, #tpu.memory_space<vmem>>)
      tpu.yield
    }) : () -> ()
    "tpu.region"() ({
      %run_scoped3A = tpu.sem_alloc : memref<!tpu.dma_semaphore, #tpu.memory_space<semaphore_mem>>
      %dma_start3A = arith.constant 40000 : i32
      %dma_start3A_8 = tpu.memref_slice %arg6[%dma_start3A] : memref<80000xf32, #tpu.memory_space<hbm>> -> memref<10000xf32, #tpu.memory_space<hbm>>
      %dma_start3A_9 = arith.constant 40000 : i32
      %dma_start3A_10 = tpu.memref_slice %arg6[%dma_start3A_9] : memref<80000xf32, #tpu.memory_space<hbm>> -> memref<10000xf32, #tpu.memory_space<hbm>>
      tpu.enqueue_dma source(%dma_start3A_10 : memref<10000xf32, #tpu.memory_space<hbm>>) target(%arg12 : memref<10000xf32, #tpu.memory_space<vmem>>) target_semaphore(%run_scoped3A : memref<!tpu.dma_semaphore, #tpu.memory_space<semaphore_mem>>)
      %dma_wait3A = arith.constant 40000 : i32
      %dma_wait3A_11 = tpu.memref_slice %arg6[%dma_wait3A] : memref<80000xf32, #tpu.memory_space<hbm>> -> memref<10000xf32, #tpu.memory_space<hbm>>
      %dma_wait3A_12 = arith.constant 40000 : i32
      %dma_wait3A_13 = tpu.memref_slice %arg6[%dma_wait3A_12] : memref<80000xf32, #tpu.memory_space<hbm>> -> memref<10000xf32, #tpu.memory_space<hbm>>
      tpu.wait_dma2 semaphore(%run_scoped3A : memref<!tpu.dma_semaphore, #tpu.memory_space<semaphore_mem>>) src(%dma_wait3A_13 : memref<10000xf32, #tpu.memory_space<hbm>>) dst(%arg12 : memref<10000xf32, #tpu.memory_space<vmem>>)
      tpu.yield
    }) : () -> ()
    "tpu.region"() ({
      %run_scoped3A = tpu.sem_alloc : memref<!tpu.dma_semaphore, #tpu.memory_space<semaphore_mem>>
      %dma_start3A = arith.constant 50000 : i32
      %dma_start3A_8 = tpu.memref_slice %arg6[%dma_start3A] : memref<80000xf32, #tpu.memory_space<hbm>> -> memref<10000xf32, #tpu.memory_space<hbm>>
      %dma_start3A_9 = arith.constant 50000 : i32
      %dma_start3A_10 = tpu.memref_slice %arg6[%dma_start3A_9] : memref<80000xf32, #tpu.memory_space<hbm>> -> memref<10000xf32, #tpu.memory_space<hbm>>
      tpu.enqueue_dma source(%dma_start3A_10 : memref<10000xf32, #tpu.memory_space<hbm>>) target(%arg13 : memref<10000xf32, #tpu.memory_space<vmem>>) target_semaphore(%run_scoped3A : memref<!tpu.dma_semaphore, #tpu.memory_space<semaphore_mem>>)
      %dma_wait3A = arith.constant 50000 : i32
      %dma_wait3A_11 = tpu.memref_slice %arg6[%dma_wait3A] : memref<80000xf32, #tpu.memory_space<hbm>> -> memref<10000xf32, #tpu.memory_space<hbm>>
      %dma_wait3A_12 = arith.constant 50000 : i32
      %dma_wait3A_13 = tpu.memref_slice %arg6[%dma_wait3A_12] : memref<80000xf32, #tpu.memory_space<hbm>> -> memref<10000xf32, #tpu.memory_space<hbm>>
      tpu.wait_dma2 semaphore(%run_scoped3A : memref<!tpu.dma_semaphore, #tpu.memory_space<semaphore_mem>>) src(%dma_wait3A_13 : memref<10000xf32, #tpu.memory_space<hbm>>) dst(%arg13 : memref<10000xf32, #tpu.memory_space<vmem>>)
      tpu.yield
    }) : () -> ()
    "tpu.region"() ({
      %run_scoped3A = tpu.sem_alloc : memref<!tpu.dma_semaphore, #tpu.memory_space<semaphore_mem>>
      %dma_start3A = arith.constant 60000 : i32
      %dma_start3A_8 = tpu.memref_slice %arg6[%dma_start3A] : memref<80000xf32, #tpu.memory_space<hbm>> -> memref<10000xf32, #tpu.memory_space<hbm>>
      %dma_start3A_9 = arith.constant 60000 : i32
      %dma_start3A_10 = tpu.memref_slice %arg6[%dma_start3A_9] : memref<80000xf32, #tpu.memory_space<hbm>> -> memref<10000xf32, #tpu.memory_space<hbm>>
      tpu.enqueue_dma source(%dma_start3A_10 : memref<10000xf32, #tpu.memory_space<hbm>>) target(%arg14 : memref<10000xf32, #tpu.memory_space<vmem>>) target_semaphore(%run_scoped3A : memref<!tpu.dma_semaphore, #tpu.memory_space<semaphore_mem>>)
      %dma_wait3A = arith.constant 60000 : i32
      %dma_wait3A_11 = tpu.memref_slice %arg6[%dma_wait3A] : memref<80000xf32, #tpu.memory_space<hbm>> -> memref<10000xf32, #tpu.memory_space<hbm>>
      %dma_wait3A_12 = arith.constant 60000 : i32
      %dma_wait3A_13 = tpu.memref_slice %arg6[%dma_wait3A_12] : memref<80000xf32, #tpu.memory_space<hbm>> -> memref<10000xf32, #tpu.memory_space<hbm>>
      tpu.wait_dma2 semaphore(%run_scoped3A : memref<!tpu.dma_semaphore, #tpu.memory_space<semaphore_mem>>) src(%dma_wait3A_13 : memref<10000xf32, #tpu.memory_space<hbm>>) dst(%arg14 : memref<10000xf32, #tpu.memory_space<vmem>>)
      tpu.yield
    }) : () -> ()
    "tpu.region"() ({
      %run_scoped3A = tpu.sem_alloc : memref<!tpu.dma_semaphore, #tpu.memory_space<semaphore_mem>>
      %dma_start3A = arith.constant 70000 : i32
      %dma_start3A_8 = tpu.memref_slice %arg6[%dma_start3A] : memref<80000xf32, #tpu.memory_space<hbm>> -> memref<10000xf32, #tpu.memory_space<hbm>>
      %dma_start3A_9 = arith.constant 70000 : i32
      %dma_start3A_10 = tpu.memref_slice %arg6[%dma_start3A_9] : memref<80000xf32, #tpu.memory_space<hbm>> -> memref<10000xf32, #tpu.memory_space<hbm>>
      tpu.enqueue_dma source(%dma_start3A_10 : memref<10000xf32, #tpu.memory_space<hbm>>) target(%arg15 : memref<10000xf32, #tpu.memory_space<vmem>>) target_semaphore(%run_scoped3A : memref<!tpu.dma_semaphore, #tpu.memory_space<semaphore_mem>>)
      %dma_wait3A = arith.constant 70000 : i32
      %dma_wait3A_11 = tpu.memref_slice %arg6[%dma_wait3A] : memref<80000xf32, #tpu.memory_space<hbm>> -> memref<10000xf32, #tpu.memory_space<hbm>>
      %dma_wait3A_12 = arith.constant 70000 : i32
      %dma_wait3A_13 = tpu.memref_slice %arg6[%dma_wait3A_12] : memref<80000xf32, #tpu.memory_space<hbm>> -> memref<10000xf32, #tpu.memory_space<hbm>>
      tpu.wait_dma2 semaphore(%run_scoped3A : memref<!tpu.dma_semaphore, #tpu.memory_space<semaphore_mem>>) src(%dma_wait3A_13 : memref<10000xf32, #tpu.memory_space<hbm>>) dst(%arg15 : memref<10000xf32, #tpu.memory_space<vmem>>)
      tpu.yield
    }) : () -> ()
    %mul3A = arith.constant 2 : i32
    %mul3A_0 = arith.muli %arg1, %mul3A : i32
    %add3A = arith.addi %mul3A_0, %arg0 : i32
    %mul3A_1 = arith.constant 5000 : i32
    %mul3A_2 = arith.muli %add3A, %mul3A_1 : i32
    %scan3A = arith.constant 0 : i32
    %scan3A_3 = arith.constant 0 : i32
    %scan3A_4 = arith.constant 125 : i32
    %scan3A_5 = arith.addi %scan3A_3, %scan3A_4 : i32
    %scan3A_6 = arith.constant 1 : i32
    scf.for %scan3A_8 = %scan3A_3 to %scan3A_5 step %scan3A_6  : i32 {
      %mul3A_9 = arith.constant 40 : i32
      %mul3A_10 = arith.muli %scan3A_8, %mul3A_9 : i32
      %add3A_11 = arith.addi %mul3A_2, %mul3A_10 : i32
      "tpu.region"() ({
        %run_scoped3A = tpu.sem_alloc : memref<!tpu.dma_semaphore, #tpu.memory_space<semaphore_mem>>
        %dma_start3A_109 = tpu.memref_slice %arg3[%add3A_11] : memref<160000xi32, #tpu.memory_space<hbm>> -> memref<40xi32, #tpu.memory_space<hbm>>
        %dma_start3A_110 = tpu.memref_slice %arg3[%add3A_11] : memref<160000xi32, #tpu.memory_space<hbm>> -> memref<40xi32, #tpu.memory_space<hbm>>
        tpu.enqueue_dma source(%dma_start3A_110 : memref<40xi32, #tpu.memory_space<hbm>>) target(%arg16 : memref<40xi32, #tpu.memory_space<vmem>>) target_semaphore(%run_scoped3A : memref<!tpu.dma_semaphore, #tpu.memory_space<semaphore_mem>>)
        %dma_wait3A_111 = tpu.memref_slice %arg3[%add3A_11] : memref<160000xi32, #tpu.memory_space<hbm>> -> memref<40xi32, #tpu.memory_space<hbm>>
        %dma_wait3A_112 = tpu.memref_slice %arg3[%add3A_11] : memref<160000xi32, #tpu.memory_space<hbm>> -> memref<40xi32, #tpu.memory_space<hbm>>
        tpu.wait_dma2 semaphore(%run_scoped3A : memref<!tpu.dma_semaphore, #tpu.memory_space<semaphore_mem>>) src(%dma_wait3A_112 : memref<40xi32, #tpu.memory_space<hbm>>) dst(%arg16 : memref<40xi32, #tpu.memory_space<vmem>>)
        tpu.yield
      }) : () -> ()
      "tpu.region"() ({
        %run_scoped3A = tpu.sem_alloc : memref<!tpu.dma_semaphore, #tpu.memory_space<semaphore_mem>>
        %dma_start3A_109 = tpu.memref_slice %arg4[%add3A_11] : memref<160000xi32, #tpu.memory_space<hbm>> -> memref<40xi32, #tpu.memory_space<hbm>>
        %dma_start3A_110 = tpu.memref_slice %arg4[%add3A_11] : memref<160000xi32, #tpu.memory_space<hbm>> -> memref<40xi32, #tpu.memory_space<hbm>>
        tpu.enqueue_dma source(%dma_start3A_110 : memref<40xi32, #tpu.memory_space<hbm>>) target(%arg17 : memref<40xi32, #tpu.memory_space<vmem>>) target_semaphore(%run_scoped3A : memref<!tpu.dma_semaphore, #tpu.memory_space<semaphore_mem>>)
        %dma_wait3A_111 = tpu.memref_slice %arg4[%add3A_11] : memref<160000xi32, #tpu.memory_space<hbm>> -> memref<40xi32, #tpu.memory_space<hbm>>
        %dma_wait3A_112 = tpu.memref_slice %arg4[%add3A_11] : memref<160000xi32, #tpu.memory_space<hbm>> -> memref<40xi32, #tpu.memory_space<hbm>>
        tpu.wait_dma2 semaphore(%run_scoped3A : memref<!tpu.dma_semaphore, #tpu.memory_space<semaphore_mem>>) src(%dma_wait3A_112 : memref<40xi32, #tpu.memory_space<hbm>>) dst(%arg17 : memref<40xi32, #tpu.memory_space<vmem>>)
        tpu.yield
      }) : () -> ()
      "tpu.region"() ({
        %run_scoped3A = tpu.sem_alloc : memref<!tpu.dma_semaphore, #tpu.memory_space<semaphore_mem>>
        %dma_start3A_109 = tpu.memref_slice %arg5[%add3A_11] : memref<160000xf32, #tpu.memory_space<hbm>> -> memref<40xf32, #tpu.memory_space<hbm>>
        %dma_start3A_110 = tpu.memref_slice %arg5[%add3A_11] : memref<160000xf32, #tpu.memory_space<hbm>> -> memref<40xf32, #tpu.memory_space<hbm>>
        tpu.enqueue_dma source(%dma_start3A_110 : memref<40xf32, #tpu.memory_space<hbm>>) target(%arg18 : memref<40xf32, #tpu.memory_space<vmem>>) target_semaphore(%run_scoped3A : memref<!tpu.dma_semaphore, #tpu.memory_space<semaphore_mem>>)
        %dma_wait3A_111 = tpu.memref_slice %arg5[%add3A_11] : memref<160000xf32, #tpu.memory_space<hbm>> -> memref<40xf32, #tpu.memory_space<hbm>>
        %dma_wait3A_112 = tpu.memref_slice %arg5[%add3A_11] : memref<160000xf32, #tpu.memory_space<hbm>> -> memref<40xf32, #tpu.memory_space<hbm>>
        tpu.wait_dma2 semaphore(%run_scoped3A : memref<!tpu.dma_semaphore, #tpu.memory_space<semaphore_mem>>) src(%dma_wait3A_112 : memref<40xf32, #tpu.memory_space<hbm>>) dst(%arg18 : memref<40xf32, #tpu.memory_space<vmem>>)
        tpu.yield
      }) : () -> ()
      %dma_start3A = arith.constant 0 : i32
      %dma_start3A_12 = arith.constant 0 : i32
      %dma_start3A_13 = tpu.memref_slice %arg2[%dma_start3A, %dma_start3A_12] : memref<10000x256xf32, #tpu.memory_space<hbm>> -> memref<10000x256xf32, #tpu.memory_space<hbm>>
      tpu.enqueue_indirect_dma source(%dma_start3A_13 : memref<10000x256xf32, #tpu.memory_space<hbm>>) target(%arg23 : memref<40x256xf32, #tpu.memory_space<vmem>>) offsets(%arg17 : memref<40xi32, #tpu.memory_space<vmem>>) semaphore(%arg24 : memref<!tpu.dma_semaphore, #tpu.memory_space<semaphore_mem>>)
      %get3A = arith.constant 0 : index
      %get3A_14 = tpu.vector_load %arg16[%get3A] {strides = array<i32>} : memref<40xi32, #tpu.memory_space<vmem>>, vector<16xi32>,
      %get3A_15 = arith.constant 0 : index
      %get3A_16 = tpu.vector_load %arg17[%get3A_15] {strides = array<i32>} : memref<40xi32, #tpu.memory_space<vmem>>, vector<16xi32>,
      %get3A_17 = arith.constant 0 : index
      %get3A_18 = tpu.vector_load %arg18[%get3A_17] {strides = array<i32>} : memref<40xf32, #tpu.memory_space<vmem>>, vector<16xf32>,
      %gather3A = tpu.vector_load_idx %arg8[%get3A_14] : memref<10000xf32, #tpu.memory_space<vmem>>[vector<16xi32>], vector<16xf32>,
      %gather3A_19 = tpu.vector_load_idx %arg12[%get3A_16] : memref<10000xf32, #tpu.memory_space<vmem>>[vector<16xi32>], vector<16xf32>,
      %add3A_20 = arith.addf %gather3A, %gather3A_19 : vector<16xf32>
      %mul3A_21 = arith.mulf %add3A_20, %get3A_18 : vector<16xf32>
      %swap3A = arith.constant 0 : index
      %swap3A_22 = tpu.vector_load %arg19[%swap3A] {strides = array<i32>} : memref<40xf32, #tpu.memory_space<vmem>>, vector<16xf32>,
      tpu.vector_store %arg19[%swap3A], %mul3A_21 {strides = array<i32>} : memref<40xf32, #tpu.memory_space<vmem>>, vector<16xf32>,
      %gather3A_23 = tpu.vector_load_idx %arg9[%get3A_14] : memref<10000xf32, #tpu.memory_space<vmem>>[vector<16xi32>], vector<16xf32>,
      %gather3A_24 = tpu.vector_load_idx %arg13[%get3A_16] : memref<10000xf32, #tpu.memory_space<vmem>>[vector<16xi32>], vector<16xf32>,
      %add3A_25 = arith.addf %gather3A_23, %gather3A_24 : vector<16xf32>
      %mul3A_26 = arith.mulf %add3A_25, %get3A_18 : vector<16xf32>
      %swap3A_27 = arith.constant 0 : index
      %swap3A_28 = tpu.vector_load %arg20[%swap3A_27] {strides = array<i32>} : memref<40xf32, #tpu.memory_space<vmem>>, vector<16xf32>,
      tpu.vector_store %arg20[%swap3A_27], %mul3A_26 {strides = array<i32>} : memref<40xf32, #tpu.memory_space<vmem>>, vector<16xf32>,
      %gather3A_29 = tpu.vector_load_idx %arg10[%get3A_14] : memref<10000xf32, #tpu.memory_space<vmem>>[vector<16xi32>], vector<16xf32>,
      %gather3A_30 = tpu.vector_load_idx %arg14[%get3A_16] : memref<10000xf32, #tpu.memory_space<vmem>>[vector<16xi32>], vector<16xf32>,
      %add3A_31 = arith.addf %gather3A_29, %gather3A_30 : vector<16xf32>
      %mul3A_32 = arith.mulf %add3A_31, %get3A_18 : vector<16xf32>
      %swap3A_33 = arith.constant 0 : index
      %swap3A_34 = tpu.vector_load %arg21[%swap3A_33] {strides = array<i32>} : memref<40xf32, #tpu.memory_space<vmem>>, vector<16xf32>,
      tpu.vector_store %arg21[%swap3A_33], %mul3A_32 {strides = array<i32>} : memref<40xf32, #tpu.memory_space<vmem>>, vector<16xf32>,
      %gather3A_35 = tpu.vector_load_idx %arg11[%get3A_14] : memref<10000xf32, #tpu.memory_space<vmem>>[vector<16xi32>], vector<16xf32>,
      %gather3A_36 = tpu.vector_load_idx %arg15[%get3A_16] : memref<10000xf32, #tpu.memory_space<vmem>>[vector<16xi32>], vector<16xf32>,
      %add3A_37 = arith.addf %gather3A_35, %gather3A_36 : vector<16xf32>
      %mul3A_38 = arith.mulf %add3A_37, %get3A_18 : vector<16xf32>
      %swap3A_39 = arith.constant 0 : index
      %swap3A_40 = tpu.vector_load %arg22[%swap3A_39] {strides = array<i32>} : memref<40xf32, #tpu.memory_space<vmem>>, vector<16xf32>,
      tpu.vector_store %arg22[%swap3A_39], %mul3A_38 {strides = array<i32>} : memref<40xf32, #tpu.memory_space<vmem>>, vector<16xf32>,
      %get3A_41 = arith.constant 16 : index
      %get3A_42 = tpu.vector_load %arg16[%get3A_41] {strides = array<i32>} : memref<40xi32, #tpu.memory_space<vmem>>, vector<16xi32>,
      %get3A_43 = arith.constant 16 : index
      %get3A_44 = tpu.vector_load %arg17[%get3A_43] {strides = array<i32>} : memref<40xi32, #tpu.memory_space<vmem>>, vector<16xi32>,
      %get3A_45 = arith.constant 16 : index
      %get3A_46 = tpu.vector_load %arg18[%get3A_45] {strides = array<i32>} : memref<40xf32, #tpu.memory_space<vmem>>, vector<16xf32>,
      %gather3A_47 = tpu.vector_load_idx %arg8[%get3A_42] : memref<10000xf32, #tpu.memory_space<vmem>>[vector<16xi32>], vector<16xf32>,
      %gather3A_48 = tpu.vector_load_idx %arg12[%get3A_44] : memref<10000xf32, #tpu.memory_space<vmem>>[vector<16xi32>], vector<16xf32>,
      %add3A_49 = arith.addf %gather3A_47, %gather3A_48 : vector<16xf32>
      %mul3A_50 = arith.mulf %add3A_49, %get3A_46 : vector<16xf32>
      %swap3A_51 = arith.constant 16 : index
      %swap3A_52 = tpu.vector_load %arg19[%swap3A_51] {strides = array<i32>} : memref<40xf32, #tpu.memory_space<vmem>>, vector<16xf32>,
      tpu.vector_store %arg19[%swap3A_51], %mul3A_50 {strides = array<i32>} : memref<40xf32, #tpu.memory_space<vmem>>, vector<16xf32>,
      %gather3A_53 = tpu.vector_load_idx %arg9[%get3A_42] : memref<10000xf32, #tpu.memory_space<vmem>>[vector<16xi32>], vector<16xf32>,
      %gather3A_54 = tpu.vector_load_idx %arg13[%get3A_44] : memref<10000xf32, #tpu.memory_space<vmem>>[vector<16xi32>], vector<16xf32>,
      %add3A_55 = arith.addf %gather3A_53, %gather3A_54 : vector<16xf32>
      %mul3A_56 = arith.mulf %add3A_55, %get3A_46 : vector<16xf32>
      %swap3A_57 = arith.constant 16 : index
      %swap3A_58 = tpu.vector_load %arg20[%swap3A_57] {strides = array<i32>} : memref<40xf32, #tpu.memory_space<vmem>>, vector<16xf32>,
      tpu.vector_store %arg20[%swap3A_57], %mul3A_56 {strides = array<i32>} : memref<40xf32, #tpu.memory_space<vmem>>, vector<16xf32>,
      %gather3A_59 = tpu.vector_load_idx %arg10[%get3A_42] : memref<10000xf32, #tpu.memory_space<vmem>>[vector<16xi32>], vector<16xf32>,
      %gather3A_60 = tpu.vector_load_idx %arg14[%get3A_44] : memref<10000xf32, #tpu.memory_space<vmem>>[vector<16xi32>], vector<16xf32>,
      %add3A_61 = arith.addf %gather3A_59, %gather3A_60 : vector<16xf32>
      %mul3A_62 = arith.mulf %add3A_61, %get3A_46 : vector<16xf32>
      %swap3A_63 = arith.constant 16 : index
      %swap3A_64 = tpu.vector_load %arg21[%swap3A_63] {strides = array<i32>} : memref<40xf32, #tpu.memory_space<vmem>>, vector<16xf32>,
      tpu.vector_store %arg21[%swap3A_63], %mul3A_62 {strides = array<i32>} : memref<40xf32, #tpu.memory_space<vmem>>, vector<16xf32>,
      %gather3A_65 = tpu.vector_load_idx %arg11[%get3A_42] : memref<10000xf32, #tpu.memory_space<vmem>>[vector<16xi32>], vector<16xf32>,
      %gather3A_66 = tpu.vector_load_idx %arg15[%get3A_44] : memref<10000xf32, #tpu.memory_space<vmem>>[vector<16xi32>], vector<16xf32>,
      %add3A_67 = arith.addf %gather3A_65, %gather3A_66 : vector<16xf32>
      %mul3A_68 = arith.mulf %add3A_67, %get3A_46 : vector<16xf32>
      %swap3A_69 = arith.constant 16 : index
      %swap3A_70 = tpu.vector_load %arg22[%swap3A_69] {strides = array<i32>} : memref<40xf32, #tpu.memory_space<vmem>>, vector<16xf32>,
      tpu.vector_store %arg22[%swap3A_69], %mul3A_68 {strides = array<i32>} : memref<40xf32, #tpu.memory_space<vmem>>, vector<16xf32>,
      %get3A_71 = arith.constant 24 : index
      %get3A_72 = tpu.vector_load %arg16[%get3A_71] {strides = array<i32>} : memref<40xi32, #tpu.memory_space<vmem>>, vector<16xi32>,
      %get3A_73 = arith.constant 24 : index
      %get3A_74 = tpu.vector_load %arg17[%get3A_73] {strides = array<i32>} : memref<40xi32, #tpu.memory_space<vmem>>, vector<16xi32>,
      %get3A_75 = arith.constant 24 : index
      %get3A_76 = tpu.vector_load %arg18[%get3A_75] {strides = array<i32>} : memref<40xf32, #tpu.memory_space<vmem>>, vector<16xf32>,
      %gather3A_77 = tpu.vector_load_idx %arg8[%get3A_72] : memref<10000xf32, #tpu.memory_space<vmem>>[vector<16xi32>], vector<16xf32>,
      %gather3A_78 = tpu.vector_load_idx %arg12[%get3A_74] : memref<10000xf32, #tpu.memory_space<vmem>>[vector<16xi32>], vector<16xf32>,
      %add3A_79 = arith.addf %gather3A_77, %gather3A_78 : vector<16xf32>
      %mul3A_80 = arith.mulf %add3A_79, %get3A_76 : vector<16xf32>
      %swap3A_81 = arith.constant 24 : index
      %swap3A_82 = tpu.vector_load %arg19[%swap3A_81] {strides = array<i32>} : memref<40xf32, #tpu.memory_space<vmem>>, vector<16xf32>,
      tpu.vector_store %arg19[%swap3A_81], %mul3A_80 {strides = array<i32>} : memref<40xf32, #tpu.memory_space<vmem>>, vector<16xf32>,
      %gather3A_83 = tpu.vector_load_idx %arg9[%get3A_72] : memref<10000xf32, #tpu.memory_space<vmem>>[vector<16xi32>], vector<16xf32>,
      %gather3A_84 = tpu.vector_load_idx %arg13[%get3A_74] : memref<10000xf32, #tpu.memory_space<vmem>>[vector<16xi32>], vector<16xf32>,
      %add3A_85 = arith.addf %gather3A_83, %gather3A_84 : vector<16xf32>
      %mul3A_86 = arith.mulf %add3A_85, %get3A_76 : vector<16xf32>
      %swap3A_87 = arith.constant 24 : index
      %swap3A_88 = tpu.vector_load %arg20[%swap3A_87] {strides = array<i32>} : memref<40xf32, #tpu.memory_space<vmem>>, vector<16xf32>,
      tpu.vector_store %arg20[%swap3A_87], %mul3A_86 {strides = array<i32>} : memref<40xf32, #tpu.memory_space<vmem>>, vector<16xf32>,
      %gather3A_89 = tpu.vector_load_idx %arg10[%get3A_72] : memref<10000xf32, #tpu.memory_space<vmem>>[vector<16xi32>], vector<16xf32>,
      %gather3A_90 = tpu.vector_load_idx %arg14[%get3A_74] : memref<10000xf32, #tpu.memory_space<vmem>>[vector<16xi32>], vector<16xf32>,
      %add3A_91 = arith.addf %gather3A_89, %gather3A_90 : vector<16xf32>
      %mul3A_92 = arith.mulf %add3A_91, %get3A_76 : vector<16xf32>
      %swap3A_93 = arith.constant 24 : index
      %swap3A_94 = tpu.vector_load %arg21[%swap3A_93] {strides = array<i32>} : memref<40xf32, #tpu.memory_space<vmem>>, vector<16xf32>,
      tpu.vector_store %arg21[%swap3A_93], %mul3A_92 {strides = array<i32>} : memref<40xf32, #tpu.memory_space<vmem>>, vector<16xf32>,
      %gather3A_95 = tpu.vector_load_idx %arg11[%get3A_72] : memref<10000xf32, #tpu.memory_space<vmem>>[vector<16xi32>], vector<16xf32>,
      %gather3A_96 = tpu.vector_load_idx %arg15[%get3A_74] : memref<10000xf32, #tpu.memory_space<vmem>>[vector<16xi32>], vector<16xf32>,
      %add3A_97 = arith.addf %gather3A_95, %gather3A_96 : vector<16xf32>
      %mul3A_98 = arith.mulf %add3A_97, %get3A_76 : vector<16xf32>
      %swap3A_99 = arith.constant 24 : index
      %swap3A_100 = tpu.vector_load %arg22[%swap3A_99] {strides = array<i32>} : memref<40xf32, #tpu.memory_space<vmem>>, vector<16xf32>,
      tpu.vector_store %arg22[%swap3A_99], %mul3A_98 {strides = array<i32>} : memref<40xf32, #tpu.memory_space<vmem>>, vector<16xf32>,
      %dma_wait3A = arith.constant 0 : i32
      %dma_wait3A_101 = arith.constant 0 : i32
      %dma_wait3A_102 = tpu.memref_slice %arg2[%dma_wait3A, %dma_wait3A_101] : memref<10000x256xf32, #tpu.memory_space<hbm>> -> memref<10000x256xf32, #tpu.memory_space<hbm>>
      tpu.wait_indirect_dma semaphore(%arg24 : memref<!tpu.dma_semaphore, #tpu.memory_space<semaphore_mem>>) src(%dma_wait3A_102 : memref<10000x256xf32, #tpu.memory_space<hbm>>) dst(%arg23 : memref<40x256xf32, #tpu.memory_space<vmem>>)
      %scan3A_103 = arith.constant 0 : i32
      %scan3A_104 = arith.constant 0 : i32
      %scan3A_105 = arith.constant 40 : i32
      %scan3A_106 = arith.addi %scan3A_104, %scan3A_105 : i32
      %scan3A_107 = arith.constant 8 : i32
      scf.for %scan3A_109 = %scan3A_104 to %scan3A_106 step %scan3A_107  : i32 {
        %broadcast_in_dim3A = vector.broadcast %scan3A_109 : i32 to vector<16xi32>
        %gather3A_110 = tpu.vector_load_idx %arg19[%broadcast_in_dim3A] : memref<40xf32, #tpu.memory_space<vmem>>[vector<16xi32>], vector<16xf32>,
        %get3A_111 = arith.index_cast %scan3A_109 : i32 to index
        %get3A_112 = arith.constant 0 : index
        %get3A_113 = tpu.vector_load %arg23[%get3A_111, %get3A_112] {strides = array<i32>} : memref<40x256xf32, #tpu.memory_space<vmem>>, vector<16xf32>,
        %mul3A_114 = arith.mulf %get3A_113, %gather3A_110 : vector<16xf32>
        %swap3A_115 = arith.index_cast %scan3A_109 : i32 to index
        %swap3A_116 = arith.constant 0 : index
        %swap3A_117 = tpu.vector_load %arg23[%swap3A_115, %swap3A_116] {strides = array<i32>} : memref<40x256xf32, #tpu.memory_space<vmem>>, vector<16xf32>,
        tpu.vector_store %arg23[%swap3A_115, %swap3A_116], %mul3A_114 {strides = array<i32>} : memref<40x256xf32, #tpu.memory_space<vmem>>, vector<16xf32>,
        %get3A_118 = arith.index_cast %scan3A_109 : i32 to index
        %get3A_119 = arith.constant 16 : index
        %get3A_120 = tpu.vector_load %arg23[%get3A_118, %get3A_119] {strides = array<i32>} : memref<40x256xf32, #tpu.memory_space<vmem>>, vector<16xf32>,
        %mul3A_121 = arith.mulf %get3A_120, %gather3A_110 : vector<16xf32>
        %swap3A_122 = arith.index_cast %scan3A_109 : i32 to index
        %swap3A_123 = arith.constant 16 : index
        %swap3A_124 = tpu.vector_load %arg23[%swap3A_122, %swap3A_123] {strides = array<i32>} : memref<40x256xf32, #tpu.memory_space<vmem>>, vector<16xf32>,
        tpu.vector_store %arg23[%swap3A_122, %swap3A_123], %mul3A_121 {strides = array<i32>} : memref<40x256xf32, #tpu.memory_space<vmem>>, vector<16xf32>,
        %get3A_125 = arith.index_cast %scan3A_109 : i32 to index
        %get3A_126 = arith.constant 32 : index
        %get3A_127 = tpu.vector_load %arg23[%get3A_125, %get3A_126] {strides = array<i32>} : memref<40x256xf32, #tpu.memory_space<vmem>>, vector<16xf32>,
        %mul3A_128 = arith.mulf %get3A_127, %gather3A_110 : vector<16xf32>
        %swap3A_129 = arith.index_cast %scan3A_109 : i32 to index
        %swap3A_130 = arith.constant 32 : index
        %swap3A_131 = tpu.vector_load %arg23[%swap3A_129, %swap3A_130] {strides = array<i32>} : memref<40x256xf32, #tpu.memory_space<vmem>>, vector<16xf32>,
        tpu.vector_store %arg23[%swap3A_129, %swap3A_130], %mul3A_128 {strides = array<i32>} : memref<40x256xf32, #tpu.memory_space<vmem>>, vector<16xf32>,
        %get3A_132 = arith.index_cast %scan3A_109 : i32 to index
        %get3A_133 = arith.constant 48 : index
        %get3A_134 = tpu.vector_load %arg23[%get3A_132, %get3A_133] {strides = array<i32>} : memref<40x256xf32, #tpu.memory_space<vmem>>, vector<16xf32>,
        %mul3A_135 = arith.mulf %get3A_134, %gather3A_110 : vector<16xf32>
        %swap3A_136 = arith.index_cast %scan3A_109 : i32 to index
        %swap3A_137 = arith.constant 48 : index
        %swap3A_138 = tpu.vector_load %arg23[%swap3A_136, %swap3A_137] {strides = array<i32>} : memref<40x256xf32, #tpu.memory_space<vmem>>, vector<16xf32>,
        tpu.vector_store %arg23[%swap3A_136, %swap3A_137], %mul3A_135 {strides = array<i32>} : memref<40x256xf32, #tpu.memory_space<vmem>>, vector<16xf32>,
        %gather3A_139 = tpu.vector_load_idx %arg20[%broadcast_in_dim3A] : memref<40xf32, #tpu.memory_space<vmem>>[vector<16xi32>], vector<16xf32>,
        %get3A_140 = arith.index_cast %scan3A_109 : i32 to index
        %get3A_141 = arith.constant 64 : index
        %get3A_142 = tpu.vector_load %arg23[%get3A_140, %get3A_141] {strides = array<i32>} : memref<40x256xf32, #tpu.memory_space<vmem>>, vector<16xf32>,
        %mul3A_143 = arith.mulf %get3A_142, %gather3A_139 : vector<16xf32>
        %swap3A_144 = arith.index_cast %scan3A_109 : i32 to index
        %swap3A_145 = arith.constant 64 : index
        %swap3A_146 = tpu.vector_load %arg23[%swap3A_144, %swap3A_145] {strides = array<i32>} : memref<40x256xf32, #tpu.memory_space<vmem>>, vector<16xf32>,
        tpu.vector_store %arg23[%swap3A_144, %swap3A_145], %mul3A_143 {strides = array<i32>} : memref<40x256xf32, #tpu.memory_space<vmem>>, vector<16xf32>,
        %get3A_147 = arith.index_cast %scan3A_109 : i32 to index
        %get3A_148 = arith.constant 80 : index
        %get3A_149 = tpu.vector_load %arg23[%get3A_147, %get3A_148] {strides = array<i32>} : memref<40x256xf32, #tpu.memory_space<vmem>>, vector<16xf32>,
        %mul3A_150 = arith.mulf %get3A_149, %gather3A_139 : vector<16xf32>
        %swap3A_151 = arith.index_cast %scan3A_109 : i32 to index
        %swap3A_152 = arith.constant 80 : index
        %swap3A_153 = tpu.vector_load %arg23[%swap3A_151, %swap3A_152] {strides = array<i32>} : memref<40x256xf32, #tpu.memory_space<vmem>>, vector<16xf32>,
        tpu.vector_store %arg23[%swap3A_151, %swap3A_152], %mul3A_150 {strides = array<i32>} : memref<40x256xf32, #tpu.memory_space<vmem>>, vector<16xf32>,
        %get3A_154 = arith.index_cast %scan3A_109 : i32 to index
        %get3A_155 = arith.constant 96 : index
        %get3A_156 = tpu.vector_load %arg23[%get3A_154, %get3A_155] {strides = array<i32>} : memref<40x256xf32, #tpu.memory_space<vmem>>, vector<16xf32>,
        %mul3A_157 = arith.mulf %get3A_156, %gather3A_139 : vector<16xf32>
        %swap3A_158 = arith.index_cast %scan3A_109 : i32 to index
        %swap3A_159 = arith.constant 96 : index
        %swap3A_160 = tpu.vector_load %arg23[%swap3A_158, %swap3A_159] {strides = array<i32>} : memref<40x256xf32, #tpu.memory_space<vmem>>, vector<16xf32>,
        tpu.vector_store %arg23[%swap3A_158, %swap3A_159], %mul3A_157 {strides = array<i32>} : memref<40x256xf32, #tpu.memory_space<vmem>>, vector<16xf32>,
        %get3A_161 = arith.index_cast %scan3A_109 : i32 to index
        %get3A_162 = arith.constant 112 : index
        %get3A_163 = tpu.vector_load %arg23[%get3A_161, %get3A_162] {strides = array<i32>} : memref<40x256xf32, #tpu.memory_space<vmem>>, vector<16xf32>,
        %mul3A_164 = arith.mulf %get3A_163, %gather3A_139 : vector<16xf32>
        %swap3A_165 = arith.index_cast %scan3A_109 : i32 to index
        %swap3A_166 = arith.constant 112 : index
        %swap3A_167 = tpu.vector_load %arg23[%swap3A_165, %swap3A_166] {strides = array<i32>} : memref<40x256xf32, #tpu.memory_space<vmem>>, vector<16xf32>,
        tpu.vector_store %arg23[%swap3A_165, %swap3A_166], %mul3A_164 {strides = array<i32>} : memref<40x256xf32, #tpu.memory_space<vmem>>, vector<16xf32>,
        %gather3A_168 = tpu.vector_load_idx %arg21[%broadcast_in_dim3A] : memref<40xf32, #tpu.memory_space<vmem>>[vector<16xi32>], vector<16xf32>,
        %get3A_169 = arith.index_cast %scan3A_109 : i32 to index
        %get3A_170 = arith.constant 128 : index
        %get3A_171 = tpu.vector_load %arg23[%get3A_169, %get3A_170] {strides = array<i32>} : memref<40x256xf32, #tpu.memory_space<vmem>>, vector<16xf32>,
        %mul3A_172 = arith.mulf %get3A_171, %gather3A_168 : vector<16xf32>
        %swap3A_173 = arith.index_cast %scan3A_109 : i32 to index
        %swap3A_174 = arith.constant 128 : index
        %swap3A_175 = tpu.vector_load %arg23[%swap3A_173, %swap3A_174] {strides = array<i32>} : memref<40x256xf32, #tpu.memory_space<vmem>>, vector<16xf32>,
        tpu.vector_store %arg23[%swap3A_173, %swap3A_174], %mul3A_172 {strides = array<i32>} : memref<40x256xf32, #tpu.memory_space<vmem>>, vector<16xf32>,
        %get3A_176 = arith.index_cast %scan3A_109 : i32 to index
        %get3A_177 = arith.constant 144 : index
        %get3A_178 = tpu.vector_load %arg23[%get3A_176, %get3A_177] {strides = array<i32>} : memref<40x256xf32, #tpu.memory_space<vmem>>, vector<16xf32>,
        %mul3A_179 = arith.mulf %get3A_178, %gather3A_168 : vector<16xf32>
        %swap3A_180 = arith.index_cast %scan3A_109 : i32 to index
        %swap3A_181 = arith.constant 144 : index
        %swap3A_182 = tpu.vector_load %arg23[%swap3A_180, %swap3A_181] {strides = array<i32>} : memref<40x256xf32, #tpu.memory_space<vmem>>, vector<16xf32>,
        tpu.vector_store %arg23[%swap3A_180, %swap3A_181], %mul3A_179 {strides = array<i32>} : memref<40x256xf32, #tpu.memory_space<vmem>>, vector<16xf32>,
        %get3A_183 = arith.index_cast %scan3A_109 : i32 to index
        %get3A_184 = arith.constant 160 : index
        %get3A_185 = tpu.vector_load %arg23[%get3A_183, %get3A_184] {strides = array<i32>} : memref<40x256xf32, #tpu.memory_space<vmem>>, vector<16xf32>,
        %mul3A_186 = arith.mulf %get3A_185, %gather3A_168 : vector<16xf32>
        %swap3A_187 = arith.index_cast %scan3A_109 : i32 to index
        %swap3A_188 = arith.constant 160 : index
        %swap3A_189 = tpu.vector_load %arg23[%swap3A_187, %swap3A_188] {strides = array<i32>} : memref<40x256xf32, #tpu.memory_space<vmem>>, vector<16xf32>,
        tpu.vector_store %arg23[%swap3A_187, %swap3A_188], %mul3A_186 {strides = array<i32>} : memref<40x256xf32, #tpu.memory_space<vmem>>, vector<16xf32>,
        %get3A_190 = arith.index_cast %scan3A_109 : i32 to index
        %get3A_191 = arith.constant 176 : index
        %get3A_192 = tpu.vector_load %arg23[%get3A_190, %get3A_191] {strides = array<i32>} : memref<40x256xf32, #tpu.memory_space<vmem>>, vector<16xf32>,
        %mul3A_193 = arith.mulf %get3A_192, %gather3A_168 : vector<16xf32>
        %swap3A_194 = arith.index_cast %scan3A_109 : i32 to index
        %swap3A_195 = arith.constant 176 : index
        %swap3A_196 = tpu.vector_load %arg23[%swap3A_194, %swap3A_195] {strides = array<i32>} : memref<40x256xf32, #tpu.memory_space<vmem>>, vector<16xf32>,
        tpu.vector_store %arg23[%swap3A_194, %swap3A_195], %mul3A_193 {strides = array<i32>} : memref<40x256xf32, #tpu.memory_space<vmem>>, vector<16xf32>,
        %gather3A_197 = tpu.vector_load_idx %arg22[%broadcast_in_dim3A] : memref<40xf32, #tpu.memory_space<vmem>>[vector<16xi32>], vector<16xf32>,
        %get3A_198 = arith.index_cast %scan3A_109 : i32 to index
        %get3A_199 = arith.constant 192 : index
        %get3A_200 = tpu.vector_load %arg23[%get3A_198, %get3A_199] {strides = array<i32>} : memref<40x256xf32, #tpu.memory_space<vmem>>, vector<16xf32>,
        %mul3A_201 = arith.mulf %get3A_200, %gather3A_197 : vector<16xf32>
        %swap3A_202 = arith.index_cast %scan3A_109 : i32 to index
        %swap3A_203 = arith.constant 192 : index
        %swap3A_204 = tpu.vector_load %arg23[%swap3A_202, %swap3A_203] {strides = array<i32>} : memref<40x256xf32, #tpu.memory_space<vmem>>, vector<16xf32>,
        tpu.vector_store %arg23[%swap3A_202, %swap3A_203], %mul3A_201 {strides = array<i32>} : memref<40x256xf32, #tpu.memory_space<vmem>>, vector<16xf32>,
        %get3A_205 = arith.index_cast %scan3A_109 : i32 to index
        %get3A_206 = arith.constant 208 : index
        %get3A_207 = tpu.vector_load %arg23[%get3A_205, %get3A_206] {strides = array<i32>} : memref<40x256xf32, #tpu.memory_space<vmem>>, vector<16xf32>,
        %mul3A_208 = arith.mulf %get3A_207, %gather3A_197 : vector<16xf32>
        %swap3A_209 = arith.index_cast %scan3A_109 : i32 to index
        %swap3A_210 = arith.constant 208 : index
        %swap3A_211 = tpu.vector_load %arg23[%swap3A_209, %swap3A_210] {strides = array<i32>} : memref<40x256xf32, #tpu.memory_space<vmem>>, vector<16xf32>,
        tpu.vector_store %arg23[%swap3A_209, %swap3A_210], %mul3A_208 {strides = array<i32>} : memref<40x256xf32, #tpu.memory_space<vmem>>, vector<16xf32>,
        %get3A_212 = arith.index_cast %scan3A_109 : i32 to index
        %get3A_213 = arith.constant 224 : index
        %get3A_214 = tpu.vector_load %arg23[%get3A_212, %get3A_213] {strides = array<i32>} : memref<40x256xf32, #tpu.memory_space<vmem>>, vector<16xf32>,
        %mul3A_215 = arith.mulf %get3A_214, %gather3A_197 : vector<16xf32>
        %swap3A_216 = arith.index_cast %scan3A_109 : i32 to index
        %swap3A_217 = arith.constant 224 : index
        %swap3A_218 = tpu.vector_load %arg23[%swap3A_216, %swap3A_217] {strides = array<i32>} : memref<40x256xf32, #tpu.memory_space<vmem>>, vector<16xf32>,
        tpu.vector_store %arg23[%swap3A_216, %swap3A_217], %mul3A_215 {strides = array<i32>} : memref<40x256xf32, #tpu.memory_space<vmem>>, vector<16xf32>,
        %get3A_219 = arith.index_cast %scan3A_109 : i32 to index
        %get3A_220 = arith.constant 240 : index
        %get3A_221 = tpu.vector_load %arg23[%get3A_219, %get3A_220] {strides = array<i32>} : memref<40x256xf32, #tpu.memory_space<vmem>>, vector<16xf32>,
        %mul3A_222 = arith.mulf %get3A_221, %gather3A_197 : vector<16xf32>
        %swap3A_223 = arith.index_cast %scan3A_109 : i32 to index
        %swap3A_224 = arith.constant 240 : index
        %swap3A_225 = tpu.vector_load %arg23[%swap3A_223, %swap3A_224] {strides = array<i32>} : memref<40x256xf32, #tpu.memory_space<vmem>>, vector<16xf32>,
        tpu.vector_store %arg23[%swap3A_223, %swap3A_224], %mul3A_222 {strides = array<i32>} : memref<40x256xf32, #tpu.memory_space<vmem>>, vector<16xf32>,
        %scan3A_226 = arith.constant 1 : i32
        %scan3A_227 = arith.addi %scan3A_109, %scan3A_226 : i32
        %broadcast_in_dim3A_228 = vector.broadcast %scan3A_227 : i32 to vector<16xi32>
        %gather3A_229 = tpu.vector_load_idx %arg19[%broadcast_in_dim3A_228] : memref<40xf32, #tpu.memory_space<vmem>>[vector<16xi32>], vector<16xf32>,
        %get3A_230 = arith.index_cast %scan3A_227 : i32 to index
        %get3A_231 = arith.constant 0 : index
        %get3A_232 = tpu.vector_load %arg23[%get3A_230, %get3A_231] {strides = array<i32>} : memref<40x256xf32, #tpu.memory_space<vmem>>, vector<16xf32>,
        %mul3A_233 = arith.mulf %get3A_232, %gather3A_229 : vector<16xf32>
        %swap3A_234 = arith.index_cast %scan3A_227 : i32 to index
        %swap3A_235 = arith.constant 0 : index
        %swap3A_236 = tpu.vector_load %arg23[%swap3A_234, %swap3A_235] {strides = array<i32>} : memref<40x256xf32, #tpu.memory_space<vmem>>, vector<16xf32>,
        tpu.vector_store %arg23[%swap3A_234, %swap3A_235], %mul3A_233 {strides = array<i32>} : memref<40x256xf32, #tpu.memory_space<vmem>>, vector<16xf32>,
        %get3A_237 = arith.index_cast %scan3A_227 : i32 to index
        %get3A_238 = arith.constant 16 : index
        %get3A_239 = tpu.vector_load %arg23[%get3A_237, %get3A_238] {strides = array<i32>} : memref<40x256xf32, #tpu.memory_space<vmem>>, vector<16xf32>,
        %mul3A_240 = arith.mulf %get3A_239, %gather3A_229 : vector<16xf32>
        %swap3A_241 = arith.index_cast %scan3A_227 : i32 to index
        %swap3A_242 = arith.constant 16 : index
        %swap3A_243 = tpu.vector_load %arg23[%swap3A_241, %swap3A_242] {strides = array<i32>} : memref<40x256xf32, #tpu.memory_space<vmem>>, vector<16xf32>,
        tpu.vector_store %arg23[%swap3A_241, %swap3A_242], %mul3A_240 {strides = array<i32>} : memref<40x256xf32, #tpu.memory_space<vmem>>, vector<16xf32>,
        %get3A_244 = arith.index_cast %scan3A_227 : i32 to index
        %get3A_245 = arith.constant 32 : index
        %get3A_246 = tpu.vector_load %arg23[%get3A_244, %get3A_245] {strides = array<i32>} : memref<40x256xf32, #tpu.memory_space<vmem>>, vector<16xf32>,
        %mul3A_247 = arith.mulf %get3A_246, %gather3A_229 : vector<16xf32>
        %swap3A_248 = arith.index_cast %scan3A_227 : i32 to index
        %swap3A_249 = arith.constant 32 : index
        %swap3A_250 = tpu.vector_load %arg23[%swap3A_248, %swap3A_249] {strides = array<i32>} : memref<40x256xf32, #tpu.memory_space<vmem>>, vector<16xf32>,
        tpu.vector_store %arg23[%swap3A_248, %swap3A_249], %mul3A_247 {strides = array<i32>} : memref<40x256xf32, #tpu.memory_space<vmem>>, vector<16xf32>,
        %get3A_251 = arith.index_cast %scan3A_227 : i32 to index
        %get3A_252 = arith.constant 48 : index
        %get3A_253 = tpu.vector_load %arg23[%get3A_251, %get3A_252] {strides = array<i32>} : memref<40x256xf32, #tpu.memory_space<vmem>>, vector<16xf32>,
        %mul3A_254 = arith.mulf %get3A_253, %gather3A_229 : vector<16xf32>
        %swap3A_255 = arith.index_cast %scan3A_227 : i32 to index
        %swap3A_256 = arith.constant 48 : index
        %swap3A_257 = tpu.vector_load %arg23[%swap3A_255, %swap3A_256] {strides = array<i32>} : memref<40x256xf32, #tpu.memory_space<vmem>>, vector<16xf32>,
        tpu.vector_store %arg23[%swap3A_255, %swap3A_256], %mul3A_254 {strides = array<i32>} : memref<40x256xf32, #tpu.memory_space<vmem>>, vector<16xf32>,
        %gather3A_258 = tpu.vector_load_idx %arg20[%broadcast_in_dim3A_228] : memref<40xf32, #tpu.memory_space<vmem>>[vector<16xi32>], vector<16xf32>,
        %get3A_259 = arith.index_cast %scan3A_227 : i32 to index
        %get3A_260 = arith.constant 64 : index
        %get3A_261 = tpu.vector_load %arg23[%get3A_259, %get3A_260] {strides = array<i32>} : memref<40x256xf32, #tpu.memory_space<vmem>>, vector<16xf32>,
        %mul3A_262 = arith.mulf %get3A_261, %gather3A_258 : vector<16xf32>
        %swap3A_263 = arith.index_cast %scan3A_227 : i32 to index
        %swap3A_264 = arith.constant 64 : index
        %swap3A_265 = tpu.vector_load %arg23[%swap3A_263, %swap3A_264] {strides = array<i32>} : memref<40x256xf32, #tpu.memory_space<vmem>>, vector<16xf32>,
        tpu.vector_store %arg23[%swap3A_263, %swap3A_264], %mul3A_262 {strides = array<i32>} : memref<40x256xf32, #tpu.memory_space<vmem>>, vector<16xf32>,
        %get3A_266 = arith.index_cast %scan3A_227 : i32 to index
        %get3A_267 = arith.constant 80 : index
        %get3A_268 = tpu.vector_load %arg23[%get3A_266, %get3A_267] {strides = array<i32>} : memref<40x256xf32, #tpu.memory_space<vmem>>, vector<16xf32>,
        %mul3A_269 = arith.mulf %get3A_268, %gather3A_258 : vector<16xf32>
        %swap3A_270 = arith.index_cast %scan3A_227 : i32 to index
        %swap3A_271 = arith.constant 80 : index
        %swap3A_272 = tpu.vector_load %arg23[%swap3A_270, %swap3A_271] {strides = array<i32>} : memref<40x256xf32, #tpu.memory_space<vmem>>, vector<16xf32>,
        tpu.vector_store %arg23[%swap3A_270, %swap3A_271], %mul3A_269 {strides = array<i32>} : memref<40x256xf32, #tpu.memory_space<vmem>>, vector<16xf32>,
        %get3A_273 = arith.index_cast %scan3A_227 : i32 to index
        %get3A_274 = arith.constant 96 : index
        %get3A_275 = tpu.vector_load %arg23[%get3A_273, %get3A_274] {strides = array<i32>} : memref<40x256xf32, #tpu.memory_space<vmem>>, vector<16xf32>,
        %mul3A_276 = arith.mulf %get3A_275, %gather3A_258 : vector<16xf32>
        %swap3A_277 = arith.index_cast %scan3A_227 : i32 to index
        %swap3A_278 = arith.constant 96 : index
        %swap3A_279 = tpu.vector_load %arg23[%swap3A_277, %swap3A_278] {strides = array<i32>} : memref<40x256xf32, #tpu.memory_space<vmem>>, vector<16xf32>,
        tpu.vector_store %arg23[%swap3A_277, %swap3A_278], %mul3A_276 {strides = array<i32>} : memref<40x256xf32, #tpu.memory_space<vmem>>, vector<16xf32>,
        %get3A_280 = arith.index_cast %scan3A_227 : i32 to index
        %get3A_281 = arith.constant 112 : index
        %get3A_282 = tpu.vector_load %arg23[%get3A_280, %get3A_281] {strides = array<i32>} : memref<40x256xf32, #tpu.memory_space<vmem>>, vector<16xf32>,
        %mul3A_283 = arith.mulf %get3A_282, %gather3A_258 : vector<16xf32>
        %swap3A_284 = arith.index_cast %scan3A_227 : i32 to index
        %swap3A_285 = arith.constant 112 : index
        %swap3A_286 = tpu.vector_load %arg23[%swap3A_284, %swap3A_285] {strides = array<i32>} : memref<40x256xf32, #tpu.memory_space<vmem>>, vector<16xf32>,
        tpu.vector_store %arg23[%swap3A_284, %swap3A_285], %mul3A_283 {strides = array<i32>} : memref<40x256xf32, #tpu.memory_space<vmem>>, vector<16xf32>,
        %gather3A_287 = tpu.vector_load_idx %arg21[%broadcast_in_dim3A_228] : memref<40xf32, #tpu.memory_space<vmem>>[vector<16xi32>], vector<16xf32>,
        %get3A_288 = arith.index_cast %scan3A_227 : i32 to index
        %get3A_289 = arith.constant 128 : index
        %get3A_290 = tpu.vector_load %arg23[%get3A_288, %get3A_289] {strides = array<i32>} : memref<40x256xf32, #tpu.memory_space<vmem>>, vector<16xf32>,
        %mul3A_291 = arith.mulf %get3A_290, %gather3A_287 : vector<16xf32>
        %swap3A_292 = arith.index_cast %scan3A_227 : i32 to index
        %swap3A_293 = arith.constant 128 : index
        %swap3A_294 = tpu.vector_load %arg23[%swap3A_292, %swap3A_293] {strides = array<i32>} : memref<40x256xf32, #tpu.memory_space<vmem>>, vector<16xf32>,
        tpu.vector_store %arg23[%swap3A_292, %swap3A_293], %mul3A_291 {strides = array<i32>} : memref<40x256xf32, #tpu.memory_space<vmem>>, vector<16xf32>,
        %get3A_295 = arith.index_cast %scan3A_227 : i32 to index
        %get3A_296 = arith.constant 144 : index
        %get3A_297 = tpu.vector_load %arg23[%get3A_295, %get3A_296] {strides = array<i32>} : memref<40x256xf32, #tpu.memory_space<vmem>>, vector<16xf32>,
        %mul3A_298 = arith.mulf %get3A_297, %gather3A_287 : vector<16xf32>
        %swap3A_299 = arith.index_cast %scan3A_227 : i32 to index
        %swap3A_300 = arith.constant 144 : index
        %swap3A_301 = tpu.vector_load %arg23[%swap3A_299, %swap3A_300] {strides = array<i32>} : memref<40x256xf32, #tpu.memory_space<vmem>>, vector<16xf32>,
        tpu.vector_store %arg23[%swap3A_299, %swap3A_300], %mul3A_298 {strides = array<i32>} : memref<40x256xf32, #tpu.memory_space<vmem>>, vector<16xf32>,
        %get3A_302 = arith.index_cast %scan3A_227 : i32 to index
        %get3A_303 = arith.constant 160 : index
        %get3A_304 = tpu.vector_load %arg23[%get3A_302, %get3A_303] {strides = array<i32>} : memref<40x256xf32, #tpu.memory_space<vmem>>, vector<16xf32>,
        %mul3A_305 = arith.mulf %get3A_304, %gather3A_287 : vector<16xf32>
        %swap3A_306 = arith.index_cast %scan3A_227 : i32 to index
        %swap3A_307 = arith.constant 160 : index
        %swap3A_308 = tpu.vector_load %arg23[%swap3A_306, %swap3A_307] {strides = array<i32>} : memref<40x256xf32, #tpu.memory_space<vmem>>, vector<16xf32>,
        tpu.vector_store %arg23[%swap3A_306, %swap3A_307], %mul3A_305 {strides = array<i32>} : memref<40x256xf32, #tpu.memory_space<vmem>>, vector<16xf32>,
        %get3A_309 = arith.index_cast %scan3A_227 : i32 to index
        %get3A_310 = arith.constant 176 : index
        %get3A_311 = tpu.vector_load %arg23[%get3A_309, %get3A_310] {strides = array<i32>} : memref<40x256xf32, #tpu.memory_space<vmem>>, vector<16xf32>,
        %mul3A_312 = arith.mulf %get3A_311, %gather3A_287 : vector<16xf32>
        %swap3A_313 = arith.index_cast %scan3A_227 : i32 to index
        %swap3A_314 = arith.constant 176 : index
        %swap3A_315 = tpu.vector_load %arg23[%swap3A_313, %swap3A_314] {strides = array<i32>} : memref<40x256xf32, #tpu.memory_space<vmem>>, vector<16xf32>,
        tpu.vector_store %arg23[%swap3A_313, %swap3A_314], %mul3A_312 {strides = array<i32>} : memref<40x256xf32, #tpu.memory_space<vmem>>, vector<16xf32>,
        %gather3A_316 = tpu.vector_load_idx %arg22[%broadcast_in_dim3A_228] : memref<40xf32, #tpu.memory_space<vmem>>[vector<16xi32>], vector<16xf32>,
        %get3A_317 = arith.index_cast %scan3A_227 : i32 to index
        %get3A_318 = arith.constant 192 : index
        %get3A_319 = tpu.vector_load %arg23[%get3A_317, %get3A_318] {strides = array<i32>} : memref<40x256xf32, #tpu.memory_space<vmem>>, vector<16xf32>,
        %mul3A_320 = arith.mulf %get3A_319, %gather3A_316 : vector<16xf32>
        %swap3A_321 = arith.index_cast %scan3A_227 : i32 to index
        %swap3A_322 = arith.constant 192 : index
        %swap3A_323 = tpu.vector_load %arg23[%swap3A_321, %swap3A_322] {strides = array<i32>} : memref<40x256xf32, #tpu.memory_space<vmem>>, vector<16xf32>,
        tpu.vector_store %arg23[%swap3A_321, %swap3A_322], %mul3A_320 {strides = array<i32>} : memref<40x256xf32, #tpu.memory_space<vmem>>, vector<16xf32>,
        %get3A_324 = arith.index_cast %scan3A_227 : i32 to index
        %get3A_325 = arith.constant 208 : index
        %get3A_326 = tpu.vector_load %arg23[%get3A_324, %get3A_325] {strides = array<i32>} : memref<40x256xf32, #tpu.memory_space<vmem>>, vector<16xf32>,
        %mul3A_327 = arith.mulf %get3A_326, %gather3A_316 : vector<16xf32>
        %swap3A_328 = arith.index_cast %scan3A_227 : i32 to index
        %swap3A_329 = arith.constant 208 : index
        %swap3A_330 = tpu.vector_load %arg23[%swap3A_328, %swap3A_329] {strides = array<i32>} : memref<40x256xf32, #tpu.memory_space<vmem>>, vector<16xf32>,
        tpu.vector_store %arg23[%swap3A_328, %swap3A_329], %mul3A_327 {strides = array<i32>} : memref<40x256xf32, #tpu.memory_space<vmem>>, vector<16xf32>,
        %get3A_331 = arith.index_cast %scan3A_227 : i32 to index
        %get3A_332 = arith.constant 224 : index
        %get3A_333 = tpu.vector_load %arg23[%get3A_331, %get3A_332] {strides = array<i32>} : memref<40x256xf32, #tpu.memory_space<vmem>>, vector<16xf32>,
        %mul3A_334 = arith.mulf %get3A_333, %gather3A_316 : vector<16xf32>
        %swap3A_335 = arith.index_cast %scan3A_227 : i32 to index
        %swap3A_336 = arith.constant 224 : index
        %swap3A_337 = tpu.vector_load %arg23[%swap3A_335, %swap3A_336] {strides = array<i32>} : memref<40x256xf32, #tpu.memory_space<vmem>>, vector<16xf32>,
        tpu.vector_store %arg23[%swap3A_335, %swap3A_336], %mul3A_334 {strides = array<i32>} : memref<40x256xf32, #tpu.memory_space<vmem>>, vector<16xf32>,
        %get3A_338 = arith.index_cast %scan3A_227 : i32 to index
        %get3A_339 = arith.constant 240 : index
        %get3A_340 = tpu.vector_load %arg23[%get3A_338, %get3A_339] {strides = array<i32>} : memref<40x256xf32, #tpu.memory_space<vmem>>, vector<16xf32>,
        %mul3A_341 = arith.mulf %get3A_340, %gather3A_316 : vector<16xf32>
        %swap3A_342 = arith.index_cast %scan3A_227 : i32 to index
        %swap3A_343 = arith.constant 240 : index
        %swap3A_344 = tpu.vector_load %arg23[%swap3A_342, %swap3A_343] {strides = array<i32>} : memref<40x256xf32, #tpu.memory_space<vmem>>, vector<16xf32>,
        tpu.vector_store %arg23[%swap3A_342, %swap3A_343], %mul3A_341 {strides = array<i32>} : memref<40x256xf32, #tpu.memory_space<vmem>>, vector<16xf32>,
        %scan3A_345 = arith.constant 2 : i32
        %scan3A_346 = arith.addi %scan3A_109, %scan3A_345 : i32
        %broadcast_in_dim3A_347 = vector.broadcast %scan3A_346 : i32 to vector<16xi32>
        %gather3A_348 = tpu.vector_load_idx %arg19[%broadcast_in_dim3A_347] : memref<40xf32, #tpu.memory_space<vmem>>[vector<16xi32>], vector<16xf32>,
        %get3A_349 = arith.index_cast %scan3A_346 : i32 to index
        %get3A_350 = arith.constant 0 : index
        %get3A_351 = tpu.vector_load %arg23[%get3A_349, %get3A_350] {strides = array<i32>} : memref<40x256xf32, #tpu.memory_space<vmem>>, vector<16xf32>,
        %mul3A_352 = arith.mulf %get3A_351, %gather3A_348 : vector<16xf32>
        %swap3A_353 = arith.index_cast %scan3A_346 : i32 to index
        %swap3A_354 = arith.constant 0 : index
        %swap3A_355 = tpu.vector_load %arg23[%swap3A_353, %swap3A_354] {strides = array<i32>} : memref<40x256xf32, #tpu.memory_space<vmem>>, vector<16xf32>,
        tpu.vector_store %arg23[%swap3A_353, %swap3A_354], %mul3A_352 {strides = array<i32>} : memref<40x256xf32, #tpu.memory_space<vmem>>, vector<16xf32>,
        %get3A_356 = arith.index_cast %scan3A_346 : i32 to index
        %get3A_357 = arith.constant 16 : index
        %get3A_358 = tpu.vector_load %arg23[%get3A_356, %get3A_357] {strides = array<i32>} : memref<40x256xf32, #tpu.memory_space<vmem>>, vector<16xf32>,
        %mul3A_359 = arith.mulf %get3A_358, %gather3A_348 : vector<16xf32>
        %swap3A_360 = arith.index_cast %scan3A_346 : i32 to index
        %swap3A_361 = arith.constant 16 : index
        %swap3A_362 = tpu.vector_load %arg23[%swap3A_360, %swap3A_361] {strides = array<i32>} : memref<40x256xf32, #tpu.memory_space<vmem>>, vector<16xf32>,
        tpu.vector_store %arg23[%swap3A_360, %swap3A_361], %mul3A_359 {strides = array<i32>} : memref<40x256xf32, #tpu.memory_space<vmem>>, vector<16xf32>,
        %get3A_363 = arith.index_cast %scan3A_346 : i32 to index
        %get3A_364 = arith.constant 32 : index
        %get3A_365 = tpu.vector_load %arg23[%get3A_363, %get3A_364] {strides = array<i32>} : memref<40x256xf32, #tpu.memory_space<vmem>>, vector<16xf32>,
        %mul3A_366 = arith.mulf %get3A_365, %gather3A_348 : vector<16xf32>
        %swap3A_367 = arith.index_cast %scan3A_346 : i32 to index
        %swap3A_368 = arith.constant 32 : index
        %swap3A_369 = tpu.vector_load %arg23[%swap3A_367, %swap3A_368] {strides = array<i32>} : memref<40x256xf32, #tpu.memory_space<vmem>>, vector<16xf32>,
        tpu.vector_store %arg23[%swap3A_367, %swap3A_368], %mul3A_366 {strides = array<i32>} : memref<40x256xf32, #tpu.memory_space<vmem>>, vector<16xf32>,
        %get3A_370 = arith.index_cast %scan3A_346 : i32 to index
        %get3A_371 = arith.constant 48 : index
        %get3A_372 = tpu.vector_load %arg23[%get3A_370, %get3A_371] {strides = array<i32>} : memref<40x256xf32, #tpu.memory_space<vmem>>, vector<16xf32>,
        %mul3A_373 = arith.mulf %get3A_372, %gather3A_348 : vector<16xf32>
        %swap3A_374 = arith.index_cast %scan3A_346 : i32 to index
        %swap3A_375 = arith.constant 48 : index
        %swap3A_376 = tpu.vector_load %arg23[%swap3A_374, %swap3A_375] {strides = array<i32>} : memref<40x256xf32, #tpu.memory_space<vmem>>, vector<16xf32>,
        tpu.vector_store %arg23[%swap3A_374, %swap3A_375], %mul3A_373 {strides = array<i32>} : memref<40x256xf32, #tpu.memory_space<vmem>>, vector<16xf32>,
        %gather3A_377 = tpu.vector_load_idx %arg20[%broadcast_in_dim3A_347] : memref<40xf32, #tpu.memory_space<vmem>>[vector<16xi32>], vector<16xf32>,
        %get3A_378 = arith.index_cast %scan3A_346 : i32 to index
        %get3A_379 = arith.constant 64 : index
        %get3A_380 = tpu.vector_load %arg23[%get3A_378, %get3A_379] {strides = array<i32>} : memref<40x256xf32, #tpu.memory_space<vmem>>, vector<16xf32>,
        %mul3A_381 = arith.mulf %get3A_380, %gather3A_377 : vector<16xf32>
        %swap3A_382 = arith.index_cast %scan3A_346 : i32 to index
        %swap3A_383 = arith.constant 64 : index
        %swap3A_384 = tpu.vector_load %arg23[%swap3A_382, %swap3A_383] {strides = array<i32>} : memref<40x256xf32, #tpu.memory_space<vmem>>, vector<16xf32>,
        tpu.vector_store %arg23[%swap3A_382, %swap3A_383], %mul3A_381 {strides = array<i32>} : memref<40x256xf32, #tpu.memory_space<vmem>>, vector<16xf32>,
        %get3A_385 = arith.index_cast %scan3A_346 : i32 to index
        %get3A_386 = arith.constant 80 : index
        %get3A_387 = tpu.vector_load %arg23[%get3A_385, %get3A_386] {strides = array<i32>} : memref<40x256xf32, #tpu.memory_space<vmem>>, vector<16xf32>,
        %mul3A_388 = arith.mulf %get3A_387, %gather3A_377 : vector<16xf32>
        %swap3A_389 = arith.index_cast %scan3A_346 : i32 to index
        %swap3A_390 = arith.constant 80 : index
        %swap3A_391 = tpu.vector_load %arg23[%swap3A_389, %swap3A_390] {strides = array<i32>} : memref<40x256xf32, #tpu.memory_space<vmem>>, vector<16xf32>,
        tpu.vector_store %arg23[%swap3A_389, %swap3A_390], %mul3A_388 {strides = array<i32>} : memref<40x256xf32, #tpu.memory_space<vmem>>, vector<16xf32>,
        %get3A_392 = arith.index_cast %scan3A_346 : i32 to index
        %get3A_393 = arith.constant 96 : index
        %get3A_394 = tpu.vector_load %arg23[%get3A_392, %get3A_393] {strides = array<i32>} : memref<40x256xf32, #tpu.memory_space<vmem>>, vector<16xf32>,
        %mul3A_395 = arith.mulf %get3A_394, %gather3A_377 : vector<16xf32>
        %swap3A_396 = arith.index_cast %scan3A_346 : i32 to index
        %swap3A_397 = arith.constant 96 : index
        %swap3A_398 = tpu.vector_load %arg23[%swap3A_396, %swap3A_397] {strides = array<i32>} : memref<40x256xf32, #tpu.memory_space<vmem>>, vector<16xf32>,
        tpu.vector_store %arg23[%swap3A_396, %swap3A_397], %mul3A_395 {strides = array<i32>} : memref<40x256xf32, #tpu.memory_space<vmem>>, vector<16xf32>,
        %get3A_399 = arith.index_cast %scan3A_346 : i32 to index
        %get3A_400 = arith.constant 112 : index
        %get3A_401 = tpu.vector_load %arg23[%get3A_399, %get3A_400] {strides = array<i32>} : memref<40x256xf32, #tpu.memory_space<vmem>>, vector<16xf32>,
        %mul3A_402 = arith.mulf %get3A_401, %gather3A_377 : vector<16xf32>
        %swap3A_403 = arith.index_cast %scan3A_346 : i32 to index
        %swap3A_404 = arith.constant 112 : index
        %swap3A_405 = tpu.vector_load %arg23[%swap3A_403, %swap3A_404] {strides = array<i32>} : memref<40x256xf32, #tpu.memory_space<vmem>>, vector<16xf32>,
        tpu.vector_store %arg23[%swap3A_403, %swap3A_404], %mul3A_402 {strides = array<i32>} : memref<40x256xf32, #tpu.memory_space<vmem>>, vector<16xf32>,
        %gather3A_406 = tpu.vector_load_idx %arg21[%broadcast_in_dim3A_347] : memref<40xf32, #tpu.memory_space<vmem>>[vector<16xi32>], vector<16xf32>,
        %get3A_407 = arith.index_cast %scan3A_346 : i32 to index
        %get3A_408 = arith.constant 128 : index
        %get3A_409 = tpu.vector_load %arg23[%get3A_407, %get3A_408] {strides = array<i32>} : memref<40x256xf32, #tpu.memory_space<vmem>>, vector<16xf32>,
        %mul3A_410 = arith.mulf %get3A_409, %gather3A_406 : vector<16xf32>
        %swap3A_411 = arith.index_cast %scan3A_346 : i32 to index
        %swap3A_412 = arith.constant 128 : index
        %swap3A_413 = tpu.vector_load %arg23[%swap3A_411, %swap3A_412] {strides = array<i32>} : memref<40x256xf32, #tpu.memory_space<vmem>>, vector<16xf32>,
        tpu.vector_store %arg23[%swap3A_411, %swap3A_412], %mul3A_410 {strides = array<i32>} : memref<40x256xf32, #tpu.memory_space<vmem>>, vector<16xf32>,
        %get3A_414 = arith.index_cast %scan3A_346 : i32 to index
        %get3A_415 = arith.constant 144 : index
        %get3A_416 = tpu.vector_load %arg23[%get3A_414, %get3A_415] {strides = array<i32>} : memref<40x256xf32, #tpu.memory_space<vmem>>, vector<16xf32>,
        %mul3A_417 = arith.mulf %get3A_416, %gather3A_406 : vector<16xf32>
        %swap3A_418 = arith.index_cast %scan3A_346 : i32 to index
        %swap3A_419 = arith.constant 144 : index
        %swap3A_420 = tpu.vector_load %arg23[%swap3A_418, %swap3A_419] {strides = array<i32>} : memref<40x256xf32, #tpu.memory_space<vmem>>, vector<16xf32>,
        tpu.vector_store %arg23[%swap3A_418, %swap3A_419], %mul3A_417 {strides = array<i32>} : memref<40x256xf32, #tpu.memory_space<vmem>>, vector<16xf32>,
        %get3A_421 = arith.index_cast %scan3A_346 : i32 to index
        %get3A_422 = arith.constant 160 : index
        %get3A_423 = tpu.vector_load %arg23[%get3A_421, %get3A_422] {strides = array<i32>} : memref<40x256xf32, #tpu.memory_space<vmem>>, vector<16xf32>,
        %mul3A_424 = arith.mulf %get3A_423, %gather3A_406 : vector<16xf32>
        %swap3A_425 = arith.index_cast %scan3A_346 : i32 to index
        %swap3A_426 = arith.constant 160 : index
        %swap3A_427 = tpu.vector_load %arg23[%swap3A_425, %swap3A_426] {strides = array<i32>} : memref<40x256xf32, #tpu.memory_space<vmem>>, vector<16xf32>,
        tpu.vector_store %arg23[%swap3A_425, %swap3A_426], %mul3A_424 {strides = array<i32>} : memref<40x256xf32, #tpu.memory_space<vmem>>, vector<16xf32>,
        %get3A_428 = arith.index_cast %scan3A_346 : i32 to index
        %get3A_429 = arith.constant 176 : index
        %get3A_430 = tpu.vector_load %arg23[%get3A_428, %get3A_429] {strides = array<i32>} : memref<40x256xf32, #tpu.memory_space<vmem>>, vector<16xf32>,
        %mul3A_431 = arith.mulf %get3A_430, %gather3A_406 : vector<16xf32>
        %swap3A_432 = arith.index_cast %scan3A_346 : i32 to index
        %swap3A_433 = arith.constant 176 : index
        %swap3A_434 = tpu.vector_load %arg23[%swap3A_432, %swap3A_433] {strides = array<i32>} : memref<40x256xf32, #tpu.memory_space<vmem>>, vector<16xf32>,
        tpu.vector_store %arg23[%swap3A_432, %swap3A_433], %mul3A_431 {strides = array<i32>} : memref<40x256xf32, #tpu.memory_space<vmem>>, vector<16xf32>,
        %gather3A_435 = tpu.vector_load_idx %arg22[%broadcast_in_dim3A_347] : memref<40xf32, #tpu.memory_space<vmem>>[vector<16xi32>], vector<16xf32>,
        %get3A_436 = arith.index_cast %scan3A_346 : i32 to index
        %get3A_437 = arith.constant 192 : index
        %get3A_438 = tpu.vector_load %arg23[%get3A_436, %get3A_437] {strides = array<i32>} : memref<40x256xf32, #tpu.memory_space<vmem>>, vector<16xf32>,
        %mul3A_439 = arith.mulf %get3A_438, %gather3A_435 : vector<16xf32>
        %swap3A_440 = arith.index_cast %scan3A_346 : i32 to index
        %swap3A_441 = arith.constant 192 : index
        %swap3A_442 = tpu.vector_load %arg23[%swap3A_440, %swap3A_441] {strides = array<i32>} : memref<40x256xf32, #tpu.memory_space<vmem>>, vector<16xf32>,
        tpu.vector_store %arg23[%swap3A_440, %swap3A_441], %mul3A_439 {strides = array<i32>} : memref<40x256xf32, #tpu.memory_space<vmem>>, vector<16xf32>,
        %get3A_443 = arith.index_cast %scan3A_346 : i32 to index
        %get3A_444 = arith.constant 208 : index
        %get3A_445 = tpu.vector_load %arg23[%get3A_443, %get3A_444] {strides = array<i32>} : memref<40x256xf32, #tpu.memory_space<vmem>>, vector<16xf32>,
        %mul3A_446 = arith.mulf %get3A_445, %gather3A_435 : vector<16xf32>
        %swap3A_447 = arith.index_cast %scan3A_346 : i32 to index
        %swap3A_448 = arith.constant 208 : index
        %swap3A_449 = tpu.vector_load %arg23[%swap3A_447, %swap3A_448] {strides = array<i32>} : memref<40x256xf32, #tpu.memory_space<vmem>>, vector<16xf32>,
        tpu.vector_store %arg23[%swap3A_447, %swap3A_448], %mul3A_446 {strides = array<i32>} : memref<40x256xf32, #tpu.memory_space<vmem>>, vector<16xf32>,
        %get3A_450 = arith.index_cast %scan3A_346 : i32 to index
        %get3A_451 = arith.constant 224 : index
        %get3A_452 = tpu.vector_load %arg23[%get3A_450, %get3A_451] {strides = array<i32>} : memref<40x256xf32, #tpu.memory_space<vmem>>, vector<16xf32>,
        %mul3A_453 = arith.mulf %get3A_452, %gather3A_435 : vector<16xf32>
        %swap3A_454 = arith.index_cast %scan3A_346 : i32 to index
        %swap3A_455 = arith.constant 224 : index
        %swap3A_456 = tpu.vector_load %arg23[%swap3A_454, %swap3A_455] {strides = array<i32>} : memref<40x256xf32, #tpu.memory_space<vmem>>, vector<16xf32>,
        tpu.vector_store %arg23[%swap3A_454, %swap3A_455], %mul3A_453 {strides = array<i32>} : memref<40x256xf32, #tpu.memory_space<vmem>>, vector<16xf32>,
        %get3A_457 = arith.index_cast %scan3A_346 : i32 to index
        %get3A_458 = arith.constant 240 : index
        %get3A_459 = tpu.vector_load %arg23[%get3A_457, %get3A_458] {strides = array<i32>} : memref<40x256xf32, #tpu.memory_space<vmem>>, vector<16xf32>,
        %mul3A_460 = arith.mulf %get3A_459, %gather3A_435 : vector<16xf32>
        %swap3A_461 = arith.index_cast %scan3A_346 : i32 to index
        %swap3A_462 = arith.constant 240 : index
        %swap3A_463 = tpu.vector_load %arg23[%swap3A_461, %swap3A_462] {strides = array<i32>} : memref<40x256xf32, #tpu.memory_space<vmem>>, vector<16xf32>,
        tpu.vector_store %arg23[%swap3A_461, %swap3A_462], %mul3A_460 {strides = array<i32>} : memref<40x256xf32, #tpu.memory_space<vmem>>, vector<16xf32>,
        %scan3A_464 = arith.constant 3 : i32
        %scan3A_465 = arith.addi %scan3A_109, %scan3A_464 : i32
        %broadcast_in_dim3A_466 = vector.broadcast %scan3A_465 : i32 to vector<16xi32>
        %gather3A_467 = tpu.vector_load_idx %arg19[%broadcast_in_dim3A_466] : memref<40xf32, #tpu.memory_space<vmem>>[vector<16xi32>], vector<16xf32>,
        %get3A_468 = arith.index_cast %scan3A_465 : i32 to index
        %get3A_469 = arith.constant 0 : index
        %get3A_470 = tpu.vector_load %arg23[%get3A_468, %get3A_469] {strides = array<i32>} : memref<40x256xf32, #tpu.memory_space<vmem>>, vector<16xf32>,
        %mul3A_471 = arith.mulf %get3A_470, %gather3A_467 : vector<16xf32>
        %swap3A_472 = arith.index_cast %scan3A_465 : i32 to index
        %swap3A_473 = arith.constant 0 : index
        %swap3A_474 = tpu.vector_load %arg23[%swap3A_472, %swap3A_473] {strides = array<i32>} : memref<40x256xf32, #tpu.memory_space<vmem>>, vector<16xf32>,
        tpu.vector_store %arg23[%swap3A_472, %swap3A_473], %mul3A_471 {strides = array<i32>} : memref<40x256xf32, #tpu.memory_space<vmem>>, vector<16xf32>,
        %get3A_475 = arith.index_cast %scan3A_465 : i32 to index
        %get3A_476 = arith.constant 16 : index
        %get3A_477 = tpu.vector_load %arg23[%get3A_475, %get3A_476] {strides = array<i32>} : memref<40x256xf32, #tpu.memory_space<vmem>>, vector<16xf32>,
        %mul3A_478 = arith.mulf %get3A_477, %gather3A_467 : vector<16xf32>
        %swap3A_479 = arith.index_cast %scan3A_465 : i32 to index
        %swap3A_480 = arith.constant 16 : index
        %swap3A_481 = tpu.vector_load %arg23[%swap3A_479, %swap3A_480] {strides = array<i32>} : memref<40x256xf32, #tpu.memory_space<vmem>>, vector<16xf32>,
        tpu.vector_store %arg23[%swap3A_479, %swap3A_480], %mul3A_478 {strides = array<i32>} : memref<40x256xf32, #tpu.memory_space<vmem>>, vector<16xf32>,
        %get3A_482 = arith.index_cast %scan3A_465 : i32 to index
        %get3A_483 = arith.constant 32 : index
        %get3A_484 = tpu.vector_load %arg23[%get3A_482, %get3A_483] {strides = array<i32>} : memref<40x256xf32, #tpu.memory_space<vmem>>, vector<16xf32>,
        %mul3A_485 = arith.mulf %get3A_484, %gather3A_467 : vector<16xf32>
        %swap3A_486 = arith.index_cast %scan3A_465 : i32 to index
        %swap3A_487 = arith.constant 32 : index
        %swap3A_488 = tpu.vector_load %arg23[%swap3A_486, %swap3A_487] {strides = array<i32>} : memref<40x256xf32, #tpu.memory_space<vmem>>, vector<16xf32>,
        tpu.vector_store %arg23[%swap3A_486, %swap3A_487], %mul3A_485 {strides = array<i32>} : memref<40x256xf32, #tpu.memory_space<vmem>>, vector<16xf32>,
        %get3A_489 = arith.index_cast %scan3A_465 : i32 to index
        %get3A_490 = arith.constant 48 : index
        %get3A_491 = tpu.vector_load %arg23[%get3A_489, %get3A_490] {strides = array<i32>} : memref<40x256xf32, #tpu.memory_space<vmem>>, vector<16xf32>,
        %mul3A_492 = arith.mulf %get3A_491, %gather3A_467 : vector<16xf32>
        %swap3A_493 = arith.index_cast %scan3A_465 : i32 to index
        %swap3A_494 = arith.constant 48 : index
        %swap3A_495 = tpu.vector_load %arg23[%swap3A_493, %swap3A_494] {strides = array<i32>} : memref<40x256xf32, #tpu.memory_space<vmem>>, vector<16xf32>,
        tpu.vector_store %arg23[%swap3A_493, %swap3A_494], %mul3A_492 {strides = array<i32>} : memref<40x256xf32, #tpu.memory_space<vmem>>, vector<16xf32>,
        %gather3A_496 = tpu.vector_load_idx %arg20[%broadcast_in_dim3A_466] : memref<40xf32, #tpu.memory_space<vmem>>[vector<16xi32>], vector<16xf32>,
        %get3A_497 = arith.index_cast %scan3A_465 : i32 to index
        %get3A_498 = arith.constant 64 : index
        %get3A_499 = tpu.vector_load %arg23[%get3A_497, %get3A_498] {strides = array<i32>} : memref<40x256xf32, #tpu.memory_space<vmem>>, vector<16xf32>,
        %mul3A_500 = arith.mulf %get3A_499, %gather3A_496 : vector<16xf32>
        %swap3A_501 = arith.index_cast %scan3A_465 : i32 to index
        %swap3A_502 = arith.constant 64 : index
        %swap3A_503 = tpu.vector_load %arg23[%swap3A_501, %swap3A_502] {strides = array<i32>} : memref<40x256xf32, #tpu.memory_space<vmem>>, vector<16xf32>,
        tpu.vector_store %arg23[%swap3A_501, %swap3A_502], %mul3A_500 {strides = array<i32>} : memref<40x256xf32, #tpu.memory_space<vmem>>, vector<16xf32>,
        %get3A_504 = arith.index_cast %scan3A_465 : i32 to index
        %get3A_505 = arith.constant 80 : index
        %get3A_506 = tpu.vector_load %arg23[%get3A_504, %get3A_505] {strides = array<i32>} : memref<40x256xf32, #tpu.memory_space<vmem>>, vector<16xf32>,
        %mul3A_507 = arith.mulf %get3A_506, %gather3A_496 : vector<16xf32>
        %swap3A_508 = arith.index_cast %scan3A_465 : i32 to index
        %swap3A_509 = arith.constant 80 : index
        %swap3A_510 = tpu.vector_load %arg23[%swap3A_508, %swap3A_509] {strides = array<i32>} : memref<40x256xf32, #tpu.memory_space<vmem>>, vector<16xf32>,
        tpu.vector_store %arg23[%swap3A_508, %swap3A_509], %mul3A_507 {strides = array<i32>} : memref<40x256xf32, #tpu.memory_space<vmem>>, vector<16xf32>,
        %get3A_511 = arith.index_cast %scan3A_465 : i32 to index
        %get3A_512 = arith.constant 96 : index
        %get3A_513 = tpu.vector_load %arg23[%get3A_511, %get3A_512] {strides = array<i32>} : memref<40x256xf32, #tpu.memory_space<vmem>>, vector<16xf32>,
        %mul3A_514 = arith.mulf %get3A_513, %gather3A_496 : vector<16xf32>
        %swap3A_515 = arith.index_cast %scan3A_465 : i32 to index
        %swap3A_516 = arith.constant 96 : index
        %swap3A_517 = tpu.vector_load %arg23[%swap3A_515, %swap3A_516] {strides = array<i32>} : memref<40x256xf32, #tpu.memory_space<vmem>>, vector<16xf32>,
        tpu.vector_store %arg23[%swap3A_515, %swap3A_516], %mul3A_514 {strides = array<i32>} : memref<40x256xf32, #tpu.memory_space<vmem>>, vector<16xf32>,
        %get3A_518 = arith.index_cast %scan3A_465 : i32 to index
        %get3A_519 = arith.constant 112 : index
        %get3A_520 = tpu.vector_load %arg23[%get3A_518, %get3A_519] {strides = array<i32>} : memref<40x256xf32, #tpu.memory_space<vmem>>, vector<16xf32>,
        %mul3A_521 = arith.mulf %get3A_520, %gather3A_496 : vector<16xf32>
        %swap3A_522 = arith.index_cast %scan3A_465 : i32 to index
        %swap3A_523 = arith.constant 112 : index
        %swap3A_524 = tpu.vector_load %arg23[%swap3A_522, %swap3A_523] {strides = array<i32>} : memref<40x256xf32, #tpu.memory_space<vmem>>, vector<16xf32>,
        tpu.vector_store %arg23[%swap3A_522, %swap3A_523], %mul3A_521 {strides = array<i32>} : memref<40x256xf32, #tpu.memory_space<vmem>>, vector<16xf32>,
        %gather3A_525 = tpu.vector_load_idx %arg21[%broadcast_in_dim3A_466] : memref<40xf32, #tpu.memory_space<vmem>>[vector<16xi32>], vector<16xf32>,
        %get3A_526 = arith.index_cast %scan3A_465 : i32 to index
        %get3A_527 = arith.constant 128 : index
        %get3A_528 = tpu.vector_load %arg23[%get3A_526, %get3A_527] {strides = array<i32>} : memref<40x256xf32, #tpu.memory_space<vmem>>, vector<16xf32>,
        %mul3A_529 = arith.mulf %get3A_528, %gather3A_525 : vector<16xf32>
        %swap3A_530 = arith.index_cast %scan3A_465 : i32 to index
        %swap3A_531 = arith.constant 128 : index
        %swap3A_532 = tpu.vector_load %arg23[%swap3A_530, %swap3A_531] {strides = array<i32>} : memref<40x256xf32, #tpu.memory_space<vmem>>, vector<16xf32>,
        tpu.vector_store %arg23[%swap3A_530, %swap3A_531], %mul3A_529 {strides = array<i32>} : memref<40x256xf32, #tpu.memory_space<vmem>>, vector<16xf32>,
        %get3A_533 = arith.index_cast %scan3A_465 : i32 to index
        %get3A_534 = arith.constant 144 : index
        %get3A_535 = tpu.vector_load %arg23[%get3A_533, %get3A_534] {strides = array<i32>} : memref<40x256xf32, #tpu.memory_space<vmem>>, vector<16xf32>,
        %mul3A_536 = arith.mulf %get3A_535, %gather3A_525 : vector<16xf32>
        %swap3A_537 = arith.index_cast %scan3A_465 : i32 to index
        %swap3A_538 = arith.constant 144 : index
        %swap3A_539 = tpu.vector_load %arg23[%swap3A_537, %swap3A_538] {strides = array<i32>} : memref<40x256xf32, #tpu.memory_space<vmem>>, vector<16xf32>,
        tpu.vector_store %arg23[%swap3A_537, %swap3A_538], %mul3A_536 {strides = array<i32>} : memref<40x256xf32, #tpu.memory_space<vmem>>, vector<16xf32>,
        %get3A_540 = arith.index_cast %scan3A_465 : i32 to index
        %get3A_541 = arith.constant 160 : index
        %get3A_542 = tpu.vector_load %arg23[%get3A_540, %get3A_541] {strides = array<i32>} : memref<40x256xf32, #tpu.memory_space<vmem>>, vector<16xf32>,
        %mul3A_543 = arith.mulf %get3A_542, %gather3A_525 : vector<16xf32>
        %swap3A_544 = arith.index_cast %scan3A_465 : i32 to index
        %swap3A_545 = arith.constant 160 : index
        %swap3A_546 = tpu.vector_load %arg23[%swap3A_544, %swap3A_545] {strides = array<i32>} : memref<40x256xf32, #tpu.memory_space<vmem>>, vector<16xf32>,
        tpu.vector_store %arg23[%swap3A_544, %swap3A_545], %mul3A_543 {strides = array<i32>} : memref<40x256xf32, #tpu.memory_space<vmem>>, vector<16xf32>,
        %get3A_547 = arith.index_cast %scan3A_465 : i32 to index
        %get3A_548 = arith.constant 176 : index
        %get3A_549 = tpu.vector_load %arg23[%get3A_547, %get3A_548] {strides = array<i32>} : memref<40x256xf32, #tpu.memory_space<vmem>>, vector<16xf32>,
        %mul3A_550 = arith.mulf %get3A_549, %gather3A_525 : vector<16xf32>
        %swap3A_551 = arith.index_cast %scan3A_465 : i32 to index
        %swap3A_552 = arith.constant 176 : index
        %swap3A_553 = tpu.vector_load %arg23[%swap3A_551, %swap3A_552] {strides = array<i32>} : memref<40x256xf32, #tpu.memory_space<vmem>>, vector<16xf32>,
        tpu.vector_store %arg23[%swap3A_551, %swap3A_552], %mul3A_550 {strides = array<i32>} : memref<40x256xf32, #tpu.memory_space<vmem>>, vector<16xf32>,
        %gather3A_554 = tpu.vector_load_idx %arg22[%broadcast_in_dim3A_466] : memref<40xf32, #tpu.memory_space<vmem>>[vector<16xi32>], vector<16xf32>,
        %get3A_555 = arith.index_cast %scan3A_465 : i32 to index
        %get3A_556 = arith.constant 192 : index
        %get3A_557 = tpu.vector_load %arg23[%get3A_555, %get3A_556] {strides = array<i32>} : memref<40x256xf32, #tpu.memory_space<vmem>>, vector<16xf32>,
        %mul3A_558 = arith.mulf %get3A_557, %gather3A_554 : vector<16xf32>
        %swap3A_559 = arith.index_cast %scan3A_465 : i32 to index
        %swap3A_560 = arith.constant 192 : index
        %swap3A_561 = tpu.vector_load %arg23[%swap3A_559, %swap3A_560] {strides = array<i32>} : memref<40x256xf32, #tpu.memory_space<vmem>>, vector<16xf32>,
        tpu.vector_store %arg23[%swap3A_559, %swap3A_560], %mul3A_558 {strides = array<i32>} : memref<40x256xf32, #tpu.memory_space<vmem>>, vector<16xf32>,
        %get3A_562 = arith.index_cast %scan3A_465 : i32 to index
        %get3A_563 = arith.constant 208 : index
        %get3A_564 = tpu.vector_load %arg23[%get3A_562, %get3A_563] {strides = array<i32>} : memref<40x256xf32, #tpu.memory_space<vmem>>, vector<16xf32>,
        %mul3A_565 = arith.mulf %get3A_564, %gather3A_554 : vector<16xf32>
        %swap3A_566 = arith.index_cast %scan3A_465 : i32 to index
        %swap3A_567 = arith.constant 208 : index
        %swap3A_568 = tpu.vector_load %arg23[%swap3A_566, %swap3A_567] {strides = array<i32>} : memref<40x256xf32, #tpu.memory_space<vmem>>, vector<16xf32>,
        tpu.vector_store %arg23[%swap3A_566, %swap3A_567], %mul3A_565 {strides = array<i32>} : memref<40x256xf32, #tpu.memory_space<vmem>>, vector<16xf32>,
        %get3A_569 = arith.index_cast %scan3A_465 : i32 to index
        %get3A_570 = arith.constant 224 : index
        %get3A_571 = tpu.vector_load %arg23[%get3A_569, %get3A_570] {strides = array<i32>} : memref<40x256xf32, #tpu.memory_space<vmem>>, vector<16xf32>,
        %mul3A_572 = arith.mulf %get3A_571, %gather3A_554 : vector<16xf32>
        %swap3A_573 = arith.index_cast %scan3A_465 : i32 to index
        %swap3A_574 = arith.constant 224 : index
        %swap3A_575 = tpu.vector_load %arg23[%swap3A_573, %swap3A_574] {strides = array<i32>} : memref<40x256xf32, #tpu.memory_space<vmem>>, vector<16xf32>,
        tpu.vector_store %arg23[%swap3A_573, %swap3A_574], %mul3A_572 {strides = array<i32>} : memref<40x256xf32, #tpu.memory_space<vmem>>, vector<16xf32>,
        %get3A_576 = arith.index_cast %scan3A_465 : i32 to index
        %get3A_577 = arith.constant 240 : index
        %get3A_578 = tpu.vector_load %arg23[%get3A_576, %get3A_577] {strides = array<i32>} : memref<40x256xf32, #tpu.memory_space<vmem>>, vector<16xf32>,
        %mul3A_579 = arith.mulf %get3A_578, %gather3A_554 : vector<16xf32>
        %swap3A_580 = arith.index_cast %scan3A_465 : i32 to index
        %swap3A_581 = arith.constant 240 : index
        %swap3A_582 = tpu.vector_load %arg23[%swap3A_580, %swap3A_581] {strides = array<i32>} : memref<40x256xf32, #tpu.memory_space<vmem>>, vector<16xf32>,
        tpu.vector_store %arg23[%swap3A_580, %swap3A_581], %mul3A_579 {strides = array<i32>} : memref<40x256xf32, #tpu.memory_space<vmem>>, vector<16xf32>,
        %scan3A_583 = arith.constant 4 : i32
        %scan3A_584 = arith.addi %scan3A_109, %scan3A_583 : i32
        %broadcast_in_dim3A_585 = vector.broadcast %scan3A_584 : i32 to vector<16xi32>
        %gather3A_586 = tpu.vector_load_idx %arg19[%broadcast_in_dim3A_585] : memref<40xf32, #tpu.memory_space<vmem>>[vector<16xi32>], vector<16xf32>,
        %get3A_587 = arith.index_cast %scan3A_584 : i32 to index
        %get3A_588 = arith.constant 0 : index
        %get3A_589 = tpu.vector_load %arg23[%get3A_587, %get3A_588] {strides = array<i32>} : memref<40x256xf32, #tpu.memory_space<vmem>>, vector<16xf32>,
        %mul3A_590 = arith.mulf %get3A_589, %gather3A_586 : vector<16xf32>
        %swap3A_591 = arith.index_cast %scan3A_584 : i32 to index
        %swap3A_592 = arith.constant 0 : index
        %swap3A_593 = tpu.vector_load %arg23[%swap3A_591, %swap3A_592] {strides = array<i32>} : memref<40x256xf32, #tpu.memory_space<vmem>>, vector<16xf32>,
        tpu.vector_store %arg23[%swap3A_591, %swap3A_592], %mul3A_590 {strides = array<i32>} : memref<40x256xf32, #tpu.memory_space<vmem>>, vector<16xf32>,
        %get3A_594 = arith.index_cast %scan3A_584 : i32 to index
        %get3A_595 = arith.constant 16 : index
        %get3A_596 = tpu.vector_load %arg23[%get3A_594, %get3A_595] {strides = array<i32>} : memref<40x256xf32, #tpu.memory_space<vmem>>, vector<16xf32>,
        %mul3A_597 = arith.mulf %get3A_596, %gather3A_586 : vector<16xf32>
        %swap3A_598 = arith.index_cast %scan3A_584 : i32 to index
        %swap3A_599 = arith.constant 16 : index
        %swap3A_600 = tpu.vector_load %arg23[%swap3A_598, %swap3A_599] {strides = array<i32>} : memref<40x256xf32, #tpu.memory_space<vmem>>, vector<16xf32>,
        tpu.vector_store %arg23[%swap3A_598, %swap3A_599], %mul3A_597 {strides = array<i32>} : memref<40x256xf32, #tpu.memory_space<vmem>>, vector<16xf32>,
        %get3A_601 = arith.index_cast %scan3A_584 : i32 to index
        %get3A_602 = arith.constant 32 : index
        %get3A_603 = tpu.vector_load %arg23[%get3A_601, %get3A_602] {strides = array<i32>} : memref<40x256xf32, #tpu.memory_space<vmem>>, vector<16xf32>,
        %mul3A_604 = arith.mulf %get3A_603, %gather3A_586 : vector<16xf32>
        %swap3A_605 = arith.index_cast %scan3A_584 : i32 to index
        %swap3A_606 = arith.constant 32 : index
        %swap3A_607 = tpu.vector_load %arg23[%swap3A_605, %swap3A_606] {strides = array<i32>} : memref<40x256xf32, #tpu.memory_space<vmem>>, vector<16xf32>,
        tpu.vector_store %arg23[%swap3A_605, %swap3A_606], %mul3A_604 {strides = array<i32>} : memref<40x256xf32, #tpu.memory_space<vmem>>, vector<16xf32>,
        %get3A_608 = arith.index_cast %scan3A_584 : i32 to index
        %get3A_609 = arith.constant 48 : index
        %get3A_610 = tpu.vector_load %arg23[%get3A_608, %get3A_609] {strides = array<i32>} : memref<40x256xf32, #tpu.memory_space<vmem>>, vector<16xf32>,
        %mul3A_611 = arith.mulf %get3A_610, %gather3A_586 : vector<16xf32>
        %swap3A_612 = arith.index_cast %scan3A_584 : i32 to index
        %swap3A_613 = arith.constant 48 : index
        %swap3A_614 = tpu.vector_load %arg23[%swap3A_612, %swap3A_613] {strides = array<i32>} : memref<40x256xf32, #tpu.memory_space<vmem>>, vector<16xf32>,
        tpu.vector_store %arg23[%swap3A_612, %swap3A_613], %mul3A_611 {strides = array<i32>} : memref<40x256xf32, #tpu.memory_space<vmem>>, vector<16xf32>,
        %gather3A_615 = tpu.vector_load_idx %arg20[%broadcast_in_dim3A_585] : memref<40xf32, #tpu.memory_space<vmem>>[vector<16xi32>], vector<16xf32>,
        %get3A_616 = arith.index_cast %scan3A_584 : i32 to index
        %get3A_617 = arith.constant 64 : index
        %get3A_618 = tpu.vector_load %arg23[%get3A_616, %get3A_617] {strides = array<i32>} : memref<40x256xf32, #tpu.memory_space<vmem>>, vector<16xf32>,
        %mul3A_619 = arith.mulf %get3A_618, %gather3A_615 : vector<16xf32>
        %swap3A_620 = arith.index_cast %scan3A_584 : i32 to index
        %swap3A_621 = arith.constant 64 : index
        %swap3A_622 = tpu.vector_load %arg23[%swap3A_620, %swap3A_621] {strides = array<i32>} : memref<40x256xf32, #tpu.memory_space<vmem>>, vector<16xf32>,
        tpu.vector_store %arg23[%swap3A_620, %swap3A_621], %mul3A_619 {strides = array<i32>} : memref<40x256xf32, #tpu.memory_space<vmem>>, vector<16xf32>,
        %get3A_623 = arith.index_cast %scan3A_584 : i32 to index
        %get3A_624 = arith.constant 80 : index
        %get3A_625 = tpu.vector_load %arg23[%get3A_623, %get3A_624] {strides = array<i32>} : memref<40x256xf32, #tpu.memory_space<vmem>>, vector<16xf32>,
        %mul3A_626 = arith.mulf %get3A_625, %gather3A_615 : vector<16xf32>
        %swap3A_627 = arith.index_cast %scan3A_584 : i32 to index
        %swap3A_628 = arith.constant 80 : index
        %swap3A_629 = tpu.vector_load %arg23[%swap3A_627, %swap3A_628] {strides = array<i32>} : memref<40x256xf32, #tpu.memory_space<vmem>>, vector<16xf32>,
        tpu.vector_store %arg23[%swap3A_627, %swap3A_628], %mul3A_626 {strides = array<i32>} : memref<40x256xf32, #tpu.memory_space<vmem>>, vector<16xf32>,
        %get3A_630 = arith.index_cast %scan3A_584 : i32 to index
        %get3A_631 = arith.constant 96 : index
        %get3A_632 = tpu.vector_load %arg23[%get3A_630, %get3A_631] {strides = array<i32>} : memref<40x256xf32, #tpu.memory_space<vmem>>, vector<16xf32>,
        %mul3A_633 = arith.mulf %get3A_632, %gather3A_615 : vector<16xf32>
        %swap3A_634 = arith.index_cast %scan3A_584 : i32 to index
        %swap3A_635 = arith.constant 96 : index
        %swap3A_636 = tpu.vector_load %arg23[%swap3A_634, %swap3A_635] {strides = array<i32>} : memref<40x256xf32, #tpu.memory_space<vmem>>, vector<16xf32>,
        tpu.vector_store %arg23[%swap3A_634, %swap3A_635], %mul3A_633 {strides = array<i32>} : memref<40x256xf32, #tpu.memory_space<vmem>>, vector<16xf32>,
        %get3A_637 = arith.index_cast %scan3A_584 : i32 to index
        %get3A_638 = arith.constant 112 : index
        %get3A_639 = tpu.vector_load %arg23[%get3A_637, %get3A_638] {strides = array<i32>} : memref<40x256xf32, #tpu.memory_space<vmem>>, vector<16xf32>,
        %mul3A_640 = arith.mulf %get3A_639, %gather3A_615 : vector<16xf32>
        %swap3A_641 = arith.index_cast %scan3A_584 : i32 to index
        %swap3A_642 = arith.constant 112 : index
        %swap3A_643 = tpu.vector_load %arg23[%swap3A_641, %swap3A_642] {strides = array<i32>} : memref<40x256xf32, #tpu.memory_space<vmem>>, vector<16xf32>,
        tpu.vector_store %arg23[%swap3A_641, %swap3A_642], %mul3A_640 {strides = array<i32>} : memref<40x256xf32, #tpu.memory_space<vmem>>, vector<16xf32>,
        %gather3A_644 = tpu.vector_load_idx %arg21[%broadcast_in_dim3A_585] : memref<40xf32, #tpu.memory_space<vmem>>[vector<16xi32>], vector<16xf32>,
        %get3A_645 = arith.index_cast %scan3A_584 : i32 to index
        %get3A_646 = arith.constant 128 : index
        %get3A_647 = tpu.vector_load %arg23[%get3A_645, %get3A_646] {strides = array<i32>} : memref<40x256xf32, #tpu.memory_space<vmem>>, vector<16xf32>,
        %mul3A_648 = arith.mulf %get3A_647, %gather3A_644 : vector<16xf32>
        %swap3A_649 = arith.index_cast %scan3A_584 : i32 to index
        %swap3A_650 = arith.constant 128 : index
        %swap3A_651 = tpu.vector_load %arg23[%swap3A_649, %swap3A_650] {strides = array<i32>} : memref<40x256xf32, #tpu.memory_space<vmem>>, vector<16xf32>,
        tpu.vector_store %arg23[%swap3A_649, %swap3A_650], %mul3A_648 {strides = array<i32>} : memref<40x256xf32, #tpu.memory_space<vmem>>, vector<16xf32>,
        %get3A_652 = arith.index_cast %scan3A_584 : i32 to index
        %get3A_653 = arith.constant 144 : index
        %get3A_654 = tpu.vector_load %arg23[%get3A_652, %get3A_653] {strides = array<i32>} : memref<40x256xf32, #tpu.memory_space<vmem>>, vector<16xf32>,
        %mul3A_655 = arith.mulf %get3A_654, %gather3A_644 : vector<16xf32>
        %swap3A_656 = arith.index_cast %scan3A_584 : i32 to index
        %swap3A_657 = arith.constant 144 : index
        %swap3A_658 = tpu.vector_load %arg23[%swap3A_656, %swap3A_657] {strides = array<i32>} : memref<40x256xf32, #tpu.memory_space<vmem>>, vector<16xf32>,
        tpu.vector_store %arg23[%swap3A_656, %swap3A_657], %mul3A_655 {strides = array<i32>} : memref<40x256xf32, #tpu.memory_space<vmem>>, vector<16xf32>,
        %get3A_659 = arith.index_cast %scan3A_584 : i32 to index
        %get3A_660 = arith.constant 160 : index
        %get3A_661 = tpu.vector_load %arg23[%get3A_659, %get3A_660] {strides = array<i32>} : memref<40x256xf32, #tpu.memory_space<vmem>>, vector<16xf32>,
        %mul3A_662 = arith.mulf %get3A_661, %gather3A_644 : vector<16xf32>
        %swap3A_663 = arith.index_cast %scan3A_584 : i32 to index
        %swap3A_664 = arith.constant 160 : index
        %swap3A_665 = tpu.vector_load %arg23[%swap3A_663, %swap3A_664] {strides = array<i32>} : memref<40x256xf32, #tpu.memory_space<vmem>>, vector<16xf32>,
        tpu.vector_store %arg23[%swap3A_663, %swap3A_664], %mul3A_662 {strides = array<i32>} : memref<40x256xf32, #tpu.memory_space<vmem>>, vector<16xf32>,
        %get3A_666 = arith.index_cast %scan3A_584 : i32 to index
        %get3A_667 = arith.constant 176 : index
        %get3A_668 = tpu.vector_load %arg23[%get3A_666, %get3A_667] {strides = array<i32>} : memref<40x256xf32, #tpu.memory_space<vmem>>, vector<16xf32>,
        %mul3A_669 = arith.mulf %get3A_668, %gather3A_644 : vector<16xf32>
        %swap3A_670 = arith.index_cast %scan3A_584 : i32 to index
        %swap3A_671 = arith.constant 176 : index
        %swap3A_672 = tpu.vector_load %arg23[%swap3A_670, %swap3A_671] {strides = array<i32>} : memref<40x256xf32, #tpu.memory_space<vmem>>, vector<16xf32>,
        tpu.vector_store %arg23[%swap3A_670, %swap3A_671], %mul3A_669 {strides = array<i32>} : memref<40x256xf32, #tpu.memory_space<vmem>>, vector<16xf32>,
        %gather3A_673 = tpu.vector_load_idx %arg22[%broadcast_in_dim3A_585] : memref<40xf32, #tpu.memory_space<vmem>>[vector<16xi32>], vector<16xf32>,
        %get3A_674 = arith.index_cast %scan3A_584 : i32 to index
        %get3A_675 = arith.constant 192 : index
        %get3A_676 = tpu.vector_load %arg23[%get3A_674, %get3A_675] {strides = array<i32>} : memref<40x256xf32, #tpu.memory_space<vmem>>, vector<16xf32>,
        %mul3A_677 = arith.mulf %get3A_676, %gather3A_673 : vector<16xf32>
        %swap3A_678 = arith.index_cast %scan3A_584 : i32 to index
        %swap3A_679 = arith.constant 192 : index
        %swap3A_680 = tpu.vector_load %arg23[%swap3A_678, %swap3A_679] {strides = array<i32>} : memref<40x256xf32, #tpu.memory_space<vmem>>, vector<16xf32>,
        tpu.vector_store %arg23[%swap3A_678, %swap3A_679], %mul3A_677 {strides = array<i32>} : memref<40x256xf32, #tpu.memory_space<vmem>>, vector<16xf32>,
        %get3A_681 = arith.index_cast %scan3A_584 : i32 to index
        %get3A_682 = arith.constant 208 : index
        %get3A_683 = tpu.vector_load %arg23[%get3A_681, %get3A_682] {strides = array<i32>} : memref<40x256xf32, #tpu.memory_space<vmem>>, vector<16xf32>,
        %mul3A_684 = arith.mulf %get3A_683, %gather3A_673 : vector<16xf32>
        %swap3A_685 = arith.index_cast %scan3A_584 : i32 to index
        %swap3A_686 = arith.constant 208 : index
        %swap3A_687 = tpu.vector_load %arg23[%swap3A_685, %swap3A_686] {strides = array<i32>} : memref<40x256xf32, #tpu.memory_space<vmem>>, vector<16xf32>,
        tpu.vector_store %arg23[%swap3A_685, %swap3A_686], %mul3A_684 {strides = array<i32>} : memref<40x256xf32, #tpu.memory_space<vmem>>, vector<16xf32>,
        %get3A_688 = arith.index_cast %scan3A_584 : i32 to index
        %get3A_689 = arith.constant 224 : index
        %get3A_690 = tpu.vector_load %arg23[%get3A_688, %get3A_689] {strides = array<i32>} : memref<40x256xf32, #tpu.memory_space<vmem>>, vector<16xf32>,
        %mul3A_691 = arith.mulf %get3A_690, %gather3A_673 : vector<16xf32>
        %swap3A_692 = arith.index_cast %scan3A_584 : i32 to index
        %swap3A_693 = arith.constant 224 : index
        %swap3A_694 = tpu.vector_load %arg23[%swap3A_692, %swap3A_693] {strides = array<i32>} : memref<40x256xf32, #tpu.memory_space<vmem>>, vector<16xf32>,
        tpu.vector_store %arg23[%swap3A_692, %swap3A_693], %mul3A_691 {strides = array<i32>} : memref<40x256xf32, #tpu.memory_space<vmem>>, vector<16xf32>,
        %get3A_695 = arith.index_cast %scan3A_584 : i32 to index
        %get3A_696 = arith.constant 240 : index
        %get3A_697 = tpu.vector_load %arg23[%get3A_695, %get3A_696] {strides = array<i32>} : memref<40x256xf32, #tpu.memory_space<vmem>>, vector<16xf32>,
        %mul3A_698 = arith.mulf %get3A_697, %gather3A_673 : vector<16xf32>
        %swap3A_699 = arith.index_cast %scan3A_584 : i32 to index
        %swap3A_700 = arith.constant 240 : index
        %swap3A_701 = tpu.vector_load %arg23[%swap3A_699, %swap3A_700] {strides = array<i32>} : memref<40x256xf32, #tpu.memory_space<vmem>>, vector<16xf32>,
        tpu.vector_store %arg23[%swap3A_699, %swap3A_700], %mul3A_698 {strides = array<i32>} : memref<40x256xf32, #tpu.memory_space<vmem>>, vector<16xf32>,
        %scan3A_702 = arith.constant 5 : i32
        %scan3A_703 = arith.addi %scan3A_109, %scan3A_702 : i32
        %broadcast_in_dim3A_704 = vector.broadcast %scan3A_703 : i32 to vector<16xi32>
        %gather3A_705 = tpu.vector_load_idx %arg19[%broadcast_in_dim3A_704] : memref<40xf32, #tpu.memory_space<vmem>>[vector<16xi32>], vector<16xf32>,
        %get3A_706 = arith.index_cast %scan3A_703 : i32 to index
        %get3A_707 = arith.constant 0 : index
        %get3A_708 = tpu.vector_load %arg23[%get3A_706, %get3A_707] {strides = array<i32>} : memref<40x256xf32, #tpu.memory_space<vmem>>, vector<16xf32>,
        %mul3A_709 = arith.mulf %get3A_708, %gather3A_705 : vector<16xf32>
        %swap3A_710 = arith.index_cast %scan3A_703 : i32 to index
        %swap3A_711 = arith.constant 0 : index
        %swap3A_712 = tpu.vector_load %arg23[%swap3A_710, %swap3A_711] {strides = array<i32>} : memref<40x256xf32, #tpu.memory_space<vmem>>, vector<16xf32>,
        tpu.vector_store %arg23[%swap3A_710, %swap3A_711], %mul3A_709 {strides = array<i32>} : memref<40x256xf32, #tpu.memory_space<vmem>>, vector<16xf32>,
        %get3A_713 = arith.index_cast %scan3A_703 : i32 to index
        %get3A_714 = arith.constant 16 : index
        %get3A_715 = tpu.vector_load %arg23[%get3A_713, %get3A_714] {strides = array<i32>} : memref<40x256xf32, #tpu.memory_space<vmem>>, vector<16xf32>,
        %mul3A_716 = arith.mulf %get3A_715, %gather3A_705 : vector<16xf32>
        %swap3A_717 = arith.index_cast %scan3A_703 : i32 to index
        %swap3A_718 = arith.constant 16 : index
        %swap3A_719 = tpu.vector_load %arg23[%swap3A_717, %swap3A_718] {strides = array<i32>} : memref<40x256xf32, #tpu.memory_space<vmem>>, vector<16xf32>,
        tpu.vector_store %arg23[%swap3A_717, %swap3A_718], %mul3A_716 {strides = array<i32>} : memref<40x256xf32, #tpu.memory_space<vmem>>, vector<16xf32>,
        %get3A_720 = arith.index_cast %scan3A_703 : i32 to index
        %get3A_721 = arith.constant 32 : index
        %get3A_722 = tpu.vector_load %arg23[%get3A_720, %get3A_721] {strides = array<i32>} : memref<40x256xf32, #tpu.memory_space<vmem>>, vector<16xf32>,
        %mul3A_723 = arith.mulf %get3A_722, %gather3A_705 : vector<16xf32>
        %swap3A_724 = arith.index_cast %scan3A_703 : i32 to index
        %swap3A_725 = arith.constant 32 : index
        %swap3A_726 = tpu.vector_load %arg23[%swap3A_724, %swap3A_725] {strides = array<i32>} : memref<40x256xf32, #tpu.memory_space<vmem>>, vector<16xf32>,
        tpu.vector_store %arg23[%swap3A_724, %swap3A_725], %mul3A_723 {strides = array<i32>} : memref<40x256xf32, #tpu.memory_space<vmem>>, vector<16xf32>,
        %get3A_727 = arith.index_cast %scan3A_703 : i32 to index
        %get3A_728 = arith.constant 48 : index
        %get3A_729 = tpu.vector_load %arg23[%get3A_727, %get3A_728] {strides = array<i32>} : memref<40x256xf32, #tpu.memory_space<vmem>>, vector<16xf32>,
        %mul3A_730 = arith.mulf %get3A_729, %gather3A_705 : vector<16xf32>
        %swap3A_731 = arith.index_cast %scan3A_703 : i32 to index
        %swap3A_732 = arith.constant 48 : index
        %swap3A_733 = tpu.vector_load %arg23[%swap3A_731, %swap3A_732] {strides = array<i32>} : memref<40x256xf32, #tpu.memory_space<vmem>>, vector<16xf32>,
        tpu.vector_store %arg23[%swap3A_731, %swap3A_732], %mul3A_730 {strides = array<i32>} : memref<40x256xf32, #tpu.memory_space<vmem>>, vector<16xf32>,
        %gather3A_734 = tpu.vector_load_idx %arg20[%broadcast_in_dim3A_704] : memref<40xf32, #tpu.memory_space<vmem>>[vector<16xi32>], vector<16xf32>,
        %get3A_735 = arith.index_cast %scan3A_703 : i32 to index
        %get3A_736 = arith.constant 64 : index
        %get3A_737 = tpu.vector_load %arg23[%get3A_735, %get3A_736] {strides = array<i32>} : memref<40x256xf32, #tpu.memory_space<vmem>>, vector<16xf32>,
        %mul3A_738 = arith.mulf %get3A_737, %gather3A_734 : vector<16xf32>
        %swap3A_739 = arith.index_cast %scan3A_703 : i32 to index
        %swap3A_740 = arith.constant 64 : index
        %swap3A_741 = tpu.vector_load %arg23[%swap3A_739, %swap3A_740] {strides = array<i32>} : memref<40x256xf32, #tpu.memory_space<vmem>>, vector<16xf32>,
        tpu.vector_store %arg23[%swap3A_739, %swap3A_740], %mul3A_738 {strides = array<i32>} : memref<40x256xf32, #tpu.memory_space<vmem>>, vector<16xf32>,
        %get3A_742 = arith.index_cast %scan3A_703 : i32 to index
        %get3A_743 = arith.constant 80 : index
        %get3A_744 = tpu.vector_load %arg23[%get3A_742, %get3A_743] {strides = array<i32>} : memref<40x256xf32, #tpu.memory_space<vmem>>, vector<16xf32>,
        %mul3A_745 = arith.mulf %get3A_744, %gather3A_734 : vector<16xf32>
        %swap3A_746 = arith.index_cast %scan3A_703 : i32 to index
        %swap3A_747 = arith.constant 80 : index
        %swap3A_748 = tpu.vector_load %arg23[%swap3A_746, %swap3A_747] {strides = array<i32>} : memref<40x256xf32, #tpu.memory_space<vmem>>, vector<16xf32>,
        tpu.vector_store %arg23[%swap3A_746, %swap3A_747], %mul3A_745 {strides = array<i32>} : memref<40x256xf32, #tpu.memory_space<vmem>>, vector<16xf32>,
        %get3A_749 = arith.index_cast %scan3A_703 : i32 to index
        %get3A_750 = arith.constant 96 : index
        %get3A_751 = tpu.vector_load %arg23[%get3A_749, %get3A_750] {strides = array<i32>} : memref<40x256xf32, #tpu.memory_space<vmem>>, vector<16xf32>,
        %mul3A_752 = arith.mulf %get3A_751, %gather3A_734 : vector<16xf32>
        %swap3A_753 = arith.index_cast %scan3A_703 : i32 to index
        %swap3A_754 = arith.constant 96 : index
        %swap3A_755 = tpu.vector_load %arg23[%swap3A_753, %swap3A_754] {strides = array<i32>} : memref<40x256xf32, #tpu.memory_space<vmem>>, vector<16xf32>,
        tpu.vector_store %arg23[%swap3A_753, %swap3A_754], %mul3A_752 {strides = array<i32>} : memref<40x256xf32, #tpu.memory_space<vmem>>, vector<16xf32>,
        %get3A_756 = arith.index_cast %scan3A_703 : i32 to index
        %get3A_757 = arith.constant 112 : index
        %get3A_758 = tpu.vector_load %arg23[%get3A_756, %get3A_757] {strides = array<i32>} : memref<40x256xf32, #tpu.memory_space<vmem>>, vector<16xf32>,
        %mul3A_759 = arith.mulf %get3A_758, %gather3A_734 : vector<16xf32>
        %swap3A_760 = arith.index_cast %scan3A_703 : i32 to index
        %swap3A_761 = arith.constant 112 : index
        %swap3A_762 = tpu.vector_load %arg23[%swap3A_760, %swap3A_761] {strides = array<i32>} : memref<40x256xf32, #tpu.memory_space<vmem>>, vector<16xf32>,
        tpu.vector_store %arg23[%swap3A_760, %swap3A_761], %mul3A_759 {strides = array<i32>} : memref<40x256xf32, #tpu.memory_space<vmem>>, vector<16xf32>,
        %gather3A_763 = tpu.vector_load_idx %arg21[%broadcast_in_dim3A_704] : memref<40xf32, #tpu.memory_space<vmem>>[vector<16xi32>], vector<16xf32>,
        %get3A_764 = arith.index_cast %scan3A_703 : i32 to index
        %get3A_765 = arith.constant 128 : index
        %get3A_766 = tpu.vector_load %arg23[%get3A_764, %get3A_765] {strides = array<i32>} : memref<40x256xf32, #tpu.memory_space<vmem>>, vector<16xf32>,
        %mul3A_767 = arith.mulf %get3A_766, %gather3A_763 : vector<16xf32>
        %swap3A_768 = arith.index_cast %scan3A_703 : i32 to index
        %swap3A_769 = arith.constant 128 : index
        %swap3A_770 = tpu.vector_load %arg23[%swap3A_768, %swap3A_769] {strides = array<i32>} : memref<40x256xf32, #tpu.memory_space<vmem>>, vector<16xf32>,
        tpu.vector_store %arg23[%swap3A_768, %swap3A_769], %mul3A_767 {strides = array<i32>} : memref<40x256xf32, #tpu.memory_space<vmem>>, vector<16xf32>,
        %get3A_771 = arith.index_cast %scan3A_703 : i32 to index
        %get3A_772 = arith.constant 144 : index
        %get3A_773 = tpu.vector_load %arg23[%get3A_771, %get3A_772] {strides = array<i32>} : memref<40x256xf32, #tpu.memory_space<vmem>>, vector<16xf32>,
        %mul3A_774 = arith.mulf %get3A_773, %gather3A_763 : vector<16xf32>
        %swap3A_775 = arith.index_cast %scan3A_703 : i32 to index
        %swap3A_776 = arith.constant 144 : index
        %swap3A_777 = tpu.vector_load %arg23[%swap3A_775, %swap3A_776] {strides = array<i32>} : memref<40x256xf32, #tpu.memory_space<vmem>>, vector<16xf32>,
        tpu.vector_store %arg23[%swap3A_775, %swap3A_776], %mul3A_774 {strides = array<i32>} : memref<40x256xf32, #tpu.memory_space<vmem>>, vector<16xf32>,
        %get3A_778 = arith.index_cast %scan3A_703 : i32 to index
        %get3A_779 = arith.constant 160 : index
        %get3A_780 = tpu.vector_load %arg23[%get3A_778, %get3A_779] {strides = array<i32>} : memref<40x256xf32, #tpu.memory_space<vmem>>, vector<16xf32>,
        %mul3A_781 = arith.mulf %get3A_780, %gather3A_763 : vector<16xf32>
        %swap3A_782 = arith.index_cast %scan3A_703 : i32 to index
        %swap3A_783 = arith.constant 160 : index
        %swap3A_784 = tpu.vector_load %arg23[%swap3A_782, %swap3A_783] {strides = array<i32>} : memref<40x256xf32, #tpu.memory_space<vmem>>, vector<16xf32>,
        tpu.vector_store %arg23[%swap3A_782, %swap3A_783], %mul3A_781 {strides = array<i32>} : memref<40x256xf32, #tpu.memory_space<vmem>>, vector<16xf32>,
        %get3A_785 = arith.index_cast %scan3A_703 : i32 to index
        %get3A_786 = arith.constant 176 : index
        %get3A_787 = tpu.vector_load %arg23[%get3A_785, %get3A_786] {strides = array<i32>} : memref<40x256xf32, #tpu.memory_space<vmem>>, vector<16xf32>,
        %mul3A_788 = arith.mulf %get3A_787, %gather3A_763 : vector<16xf32>
        %swap3A_789 = arith.index_cast %scan3A_703 : i32 to index
        %swap3A_790 = arith.constant 176 : index
        %swap3A_791 = tpu.vector_load %arg23[%swap3A_789, %swap3A_790] {strides = array<i32>} : memref<40x256xf32, #tpu.memory_space<vmem>>, vector<16xf32>,
        tpu.vector_store %arg23[%swap3A_789, %swap3A_790], %mul3A_788 {strides = array<i32>} : memref<40x256xf32, #tpu.memory_space<vmem>>, vector<16xf32>,
        %gather3A_792 = tpu.vector_load_idx %arg22[%broadcast_in_dim3A_704] : memref<40xf32, #tpu.memory_space<vmem>>[vector<16xi32>], vector<16xf32>,
        %get3A_793 = arith.index_cast %scan3A_703 : i32 to index
        %get3A_794 = arith.constant 192 : index
        %get3A_795 = tpu.vector_load %arg23[%get3A_793, %get3A_794] {strides = array<i32>} : memref<40x256xf32, #tpu.memory_space<vmem>>, vector<16xf32>,
        %mul3A_796 = arith.mulf %get3A_795, %gather3A_792 : vector<16xf32>
        %swap3A_797 = arith.index_cast %scan3A_703 : i32 to index
        %swap3A_798 = arith.constant 192 : index
        %swap3A_799 = tpu.vector_load %arg23[%swap3A_797, %swap3A_798] {strides = array<i32>} : memref<40x256xf32, #tpu.memory_space<vmem>>, vector<16xf32>,
        tpu.vector_store %arg23[%swap3A_797, %swap3A_798], %mul3A_796 {strides = array<i32>} : memref<40x256xf32, #tpu.memory_space<vmem>>, vector<16xf32>,
        %get3A_800 = arith.index_cast %scan3A_703 : i32 to index
        %get3A_801 = arith.constant 208 : index
        %get3A_802 = tpu.vector_load %arg23[%get3A_800, %get3A_801] {strides = array<i32>} : memref<40x256xf32, #tpu.memory_space<vmem>>, vector<16xf32>,
        %mul3A_803 = arith.mulf %get3A_802, %gather3A_792 : vector<16xf32>
        %swap3A_804 = arith.index_cast %scan3A_703 : i32 to index
        %swap3A_805 = arith.constant 208 : index
        %swap3A_806 = tpu.vector_load %arg23[%swap3A_804, %swap3A_805] {strides = array<i32>} : memref<40x256xf32, #tpu.memory_space<vmem>>, vector<16xf32>,
        tpu.vector_store %arg23[%swap3A_804, %swap3A_805], %mul3A_803 {strides = array<i32>} : memref<40x256xf32, #tpu.memory_space<vmem>>, vector<16xf32>,
        %get3A_807 = arith.index_cast %scan3A_703 : i32 to index
        %get3A_808 = arith.constant 224 : index
        %get3A_809 = tpu.vector_load %arg23[%get3A_807, %get3A_808] {strides = array<i32>} : memref<40x256xf32, #tpu.memory_space<vmem>>, vector<16xf32>,
        %mul3A_810 = arith.mulf %get3A_809, %gather3A_792 : vector<16xf32>
        %swap3A_811 = arith.index_cast %scan3A_703 : i32 to index
        %swap3A_812 = arith.constant 224 : index
        %swap3A_813 = tpu.vector_load %arg23[%swap3A_811, %swap3A_812] {strides = array<i32>} : memref<40x256xf32, #tpu.memory_space<vmem>>, vector<16xf32>,
        tpu.vector_store %arg23[%swap3A_811, %swap3A_812], %mul3A_810 {strides = array<i32>} : memref<40x256xf32, #tpu.memory_space<vmem>>, vector<16xf32>,
        %get3A_814 = arith.index_cast %scan3A_703 : i32 to index
        %get3A_815 = arith.constant 240 : index
        %get3A_816 = tpu.vector_load %arg23[%get3A_814, %get3A_815] {strides = array<i32>} : memref<40x256xf32, #tpu.memory_space<vmem>>, vector<16xf32>,
        %mul3A_817 = arith.mulf %get3A_816, %gather3A_792 : vector<16xf32>
        %swap3A_818 = arith.index_cast %scan3A_703 : i32 to index
        %swap3A_819 = arith.constant 240 : index
        %swap3A_820 = tpu.vector_load %arg23[%swap3A_818, %swap3A_819] {strides = array<i32>} : memref<40x256xf32, #tpu.memory_space<vmem>>, vector<16xf32>,
        tpu.vector_store %arg23[%swap3A_818, %swap3A_819], %mul3A_817 {strides = array<i32>} : memref<40x256xf32, #tpu.memory_space<vmem>>, vector<16xf32>,
        %scan3A_821 = arith.constant 6 : i32
        %scan3A_822 = arith.addi %scan3A_109, %scan3A_821 : i32
        %broadcast_in_dim3A_823 = vector.broadcast %scan3A_822 : i32 to vector<16xi32>
        %gather3A_824 = tpu.vector_load_idx %arg19[%broadcast_in_dim3A_823] : memref<40xf32, #tpu.memory_space<vmem>>[vector<16xi32>], vector<16xf32>,
        %get3A_825 = arith.index_cast %scan3A_822 : i32 to index
        %get3A_826 = arith.constant 0 : index
        %get3A_827 = tpu.vector_load %arg23[%get3A_825, %get3A_826] {strides = array<i32>} : memref<40x256xf32, #tpu.memory_space<vmem>>, vector<16xf32>,
        %mul3A_828 = arith.mulf %get3A_827, %gather3A_824 : vector<16xf32>
        %swap3A_829 = arith.index_cast %scan3A_822 : i32 to index
        %swap3A_830 = arith.constant 0 : index
        %swap3A_831 = tpu.vector_load %arg23[%swap3A_829, %swap3A_830] {strides = array<i32>} : memref<40x256xf32, #tpu.memory_space<vmem>>, vector<16xf32>,
        tpu.vector_store %arg23[%swap3A_829, %swap3A_830], %mul3A_828 {strides = array<i32>} : memref<40x256xf32, #tpu.memory_space<vmem>>, vector<16xf32>,
        %get3A_832 = arith.index_cast %scan3A_822 : i32 to index
        %get3A_833 = arith.constant 16 : index
        %get3A_834 = tpu.vector_load %arg23[%get3A_832, %get3A_833] {strides = array<i32>} : memref<40x256xf32, #tpu.memory_space<vmem>>, vector<16xf32>,
        %mul3A_835 = arith.mulf %get3A_834, %gather3A_824 : vector<16xf32>
        %swap3A_836 = arith.index_cast %scan3A_822 : i32 to index
        %swap3A_837 = arith.constant 16 : index
        %swap3A_838 = tpu.vector_load %arg23[%swap3A_836, %swap3A_837] {strides = array<i32>} : memref<40x256xf32, #tpu.memory_space<vmem>>, vector<16xf32>,
        tpu.vector_store %arg23[%swap3A_836, %swap3A_837], %mul3A_835 {strides = array<i32>} : memref<40x256xf32, #tpu.memory_space<vmem>>, vector<16xf32>,
        %get3A_839 = arith.index_cast %scan3A_822 : i32 to index
        %get3A_840 = arith.constant 32 : index
        %get3A_841 = tpu.vector_load %arg23[%get3A_839, %get3A_840] {strides = array<i32>} : memref<40x256xf32, #tpu.memory_space<vmem>>, vector<16xf32>,
        %mul3A_842 = arith.mulf %get3A_841, %gather3A_824 : vector<16xf32>
        %swap3A_843 = arith.index_cast %scan3A_822 : i32 to index
        %swap3A_844 = arith.constant 32 : index
        %swap3A_845 = tpu.vector_load %arg23[%swap3A_843, %swap3A_844] {strides = array<i32>} : memref<40x256xf32, #tpu.memory_space<vmem>>, vector<16xf32>,
        tpu.vector_store %arg23[%swap3A_843, %swap3A_844], %mul3A_842 {strides = array<i32>} : memref<40x256xf32, #tpu.memory_space<vmem>>, vector<16xf32>,
        %get3A_846 = arith.index_cast %scan3A_822 : i32 to index
        %get3A_847 = arith.constant 48 : index
        %get3A_848 = tpu.vector_load %arg23[%get3A_846, %get3A_847] {strides = array<i32>} : memref<40x256xf32, #tpu.memory_space<vmem>>, vector<16xf32>,
        %mul3A_849 = arith.mulf %get3A_848, %gather3A_824 : vector<16xf32>
        %swap3A_850 = arith.index_cast %scan3A_822 : i32 to index
        %swap3A_851 = arith.constant 48 : index
        %swap3A_852 = tpu.vector_load %arg23[%swap3A_850, %swap3A_851] {strides = array<i32>} : memref<40x256xf32, #tpu.memory_space<vmem>>, vector<16xf32>,
        tpu.vector_store %arg23[%swap3A_850, %swap3A_851], %mul3A_849 {strides = array<i32>} : memref<40x256xf32, #tpu.memory_space<vmem>>, vector<16xf32>,
        %gather3A_853 = tpu.vector_load_idx %arg20[%broadcast_in_dim3A_823] : memref<40xf32, #tpu.memory_space<vmem>>[vector<16xi32>], vector<16xf32>,
        %get3A_854 = arith.index_cast %scan3A_822 : i32 to index
        %get3A_855 = arith.constant 64 : index
        %get3A_856 = tpu.vector_load %arg23[%get3A_854, %get3A_855] {strides = array<i32>} : memref<40x256xf32, #tpu.memory_space<vmem>>, vector<16xf32>,
        %mul3A_857 = arith.mulf %get3A_856, %gather3A_853 : vector<16xf32>
        %swap3A_858 = arith.index_cast %scan3A_822 : i32 to index
        %swap3A_859 = arith.constant 64 : index
        %swap3A_860 = tpu.vector_load %arg23[%swap3A_858, %swap3A_859] {strides = array<i32>} : memref<40x256xf32, #tpu.memory_space<vmem>>, vector<16xf32>,
        tpu.vector_store %arg23[%swap3A_858, %swap3A_859], %mul3A_857 {strides = array<i32>} : memref<40x256xf32, #tpu.memory_space<vmem>>, vector<16xf32>,
        %get3A_861 = arith.index_cast %scan3A_822 : i32 to index
        %get3A_862 = arith.constant 80 : index
        %get3A_863 = tpu.vector_load %arg23[%get3A_861, %get3A_862] {strides = array<i32>} : memref<40x256xf32, #tpu.memory_space<vmem>>, vector<16xf32>,
        %mul3A_864 = arith.mulf %get3A_863, %gather3A_853 : vector<16xf32>
        %swap3A_865 = arith.index_cast %scan3A_822 : i32 to index
        %swap3A_866 = arith.constant 80 : index
        %swap3A_867 = tpu.vector_load %arg23[%swap3A_865, %swap3A_866] {strides = array<i32>} : memref<40x256xf32, #tpu.memory_space<vmem>>, vector<16xf32>,
        tpu.vector_store %arg23[%swap3A_865, %swap3A_866], %mul3A_864 {strides = array<i32>} : memref<40x256xf32, #tpu.memory_space<vmem>>, vector<16xf32>,
        %get3A_868 = arith.index_cast %scan3A_822 : i32 to index
        %get3A_869 = arith.constant 96 : index
        %get3A_870 = tpu.vector_load %arg23[%get3A_868, %get3A_869] {strides = array<i32>} : memref<40x256xf32, #tpu.memory_space<vmem>>, vector<16xf32>,
        %mul3A_871 = arith.mulf %get3A_870, %gather3A_853 : vector<16xf32>
        %swap3A_872 = arith.index_cast %scan3A_822 : i32 to index
        %swap3A_873 = arith.constant 96 : index
        %swap3A_874 = tpu.vector_load %arg23[%swap3A_872, %swap3A_873] {strides = array<i32>} : memref<40x256xf32, #tpu.memory_space<vmem>>, vector<16xf32>,
        tpu.vector_store %arg23[%swap3A_872, %swap3A_873], %mul3A_871 {strides = array<i32>} : memref<40x256xf32, #tpu.memory_space<vmem>>, vector<16xf32>,
        %get3A_875 = arith.index_cast %scan3A_822 : i32 to index
        %get3A_876 = arith.constant 112 : index
        %get3A_877 = tpu.vector_load %arg23[%get3A_875, %get3A_876] {strides = array<i32>} : memref<40x256xf32, #tpu.memory_space<vmem>>, vector<16xf32>,
        %mul3A_878 = arith.mulf %get3A_877, %gather3A_853 : vector<16xf32>
        %swap3A_879 = arith.index_cast %scan3A_822 : i32 to index
        %swap3A_880 = arith.constant 112 : index
        %swap3A_881 = tpu.vector_load %arg23[%swap3A_879, %swap3A_880] {strides = array<i32>} : memref<40x256xf32, #tpu.memory_space<vmem>>, vector<16xf32>,
        tpu.vector_store %arg23[%swap3A_879, %swap3A_880], %mul3A_878 {strides = array<i32>} : memref<40x256xf32, #tpu.memory_space<vmem>>, vector<16xf32>,
        %gather3A_882 = tpu.vector_load_idx %arg21[%broadcast_in_dim3A_823] : memref<40xf32, #tpu.memory_space<vmem>>[vector<16xi32>], vector<16xf32>,
        %get3A_883 = arith.index_cast %scan3A_822 : i32 to index
        %get3A_884 = arith.constant 128 : index
        %get3A_885 = tpu.vector_load %arg23[%get3A_883, %get3A_884] {strides = array<i32>} : memref<40x256xf32, #tpu.memory_space<vmem>>, vector<16xf32>,
        %mul3A_886 = arith.mulf %get3A_885, %gather3A_882 : vector<16xf32>
        %swap3A_887 = arith.index_cast %scan3A_822 : i32 to index
        %swap3A_888 = arith.constant 128 : index
        %swap3A_889 = tpu.vector_load %arg23[%swap3A_887, %swap3A_888] {strides = array<i32>} : memref<40x256xf32, #tpu.memory_space<vmem>>, vector<16xf32>,
        tpu.vector_store %arg23[%swap3A_887, %swap3A_888], %mul3A_886 {strides = array<i32>} : memref<40x256xf32, #tpu.memory_space<vmem>>, vector<16xf32>,
        %get3A_890 = arith.index_cast %scan3A_822 : i32 to index
        %get3A_891 = arith.constant 144 : index
        %get3A_892 = tpu.vector_load %arg23[%get3A_890, %get3A_891] {strides = array<i32>} : memref<40x256xf32, #tpu.memory_space<vmem>>, vector<16xf32>,
        %mul3A_893 = arith.mulf %get3A_892, %gather3A_882 : vector<16xf32>
        %swap3A_894 = arith.index_cast %scan3A_822 : i32 to index
        %swap3A_895 = arith.constant 144 : index
        %swap3A_896 = tpu.vector_load %arg23[%swap3A_894, %swap3A_895] {strides = array<i32>} : memref<40x256xf32, #tpu.memory_space<vmem>>, vector<16xf32>,
        tpu.vector_store %arg23[%swap3A_894, %swap3A_895], %mul3A_893 {strides = array<i32>} : memref<40x256xf32, #tpu.memory_space<vmem>>, vector<16xf32>,
        %get3A_897 = arith.index_cast %scan3A_822 : i32 to index
        %get3A_898 = arith.constant 160 : index
        %get3A_899 = tpu.vector_load %arg23[%get3A_897, %get3A_898] {strides = array<i32>} : memref<40x256xf32, #tpu.memory_space<vmem>>, vector<16xf32>,
        %mul3A_900 = arith.mulf %get3A_899, %gather3A_882 : vector<16xf32>
        %swap3A_901 = arith.index_cast %scan3A_822 : i32 to index
        %swap3A_902 = arith.constant 160 : index
        %swap3A_903 = tpu.vector_load %arg23[%swap3A_901, %swap3A_902] {strides = array<i32>} : memref<40x256xf32, #tpu.memory_space<vmem>>, vector<16xf32>,
        tpu.vector_store %arg23[%swap3A_901, %swap3A_902], %mul3A_900 {strides = array<i32>} : memref<40x256xf32, #tpu.memory_space<vmem>>, vector<16xf32>,
        %get3A_904 = arith.index_cast %scan3A_822 : i32 to index
        %get3A_905 = arith.constant 176 : index
        %get3A_906 = tpu.vector_load %arg23[%get3A_904, %get3A_905] {strides = array<i32>} : memref<40x256xf32, #tpu.memory_space<vmem>>, vector<16xf32>,
        %mul3A_907 = arith.mulf %get3A_906, %gather3A_882 : vector<16xf32>
        %swap3A_908 = arith.index_cast %scan3A_822 : i32 to index
        %swap3A_909 = arith.constant 176 : index
        %swap3A_910 = tpu.vector_load %arg23[%swap3A_908, %swap3A_909] {strides = array<i32>} : memref<40x256xf32, #tpu.memory_space<vmem>>, vector<16xf32>,
        tpu.vector_store %arg23[%swap3A_908, %swap3A_909], %mul3A_907 {strides = array<i32>} : memref<40x256xf32, #tpu.memory_space<vmem>>, vector<16xf32>,
        %gather3A_911 = tpu.vector_load_idx %arg22[%broadcast_in_dim3A_823] : memref<40xf32, #tpu.memory_space<vmem>>[vector<16xi32>], vector<16xf32>,
        %get3A_912 = arith.index_cast %scan3A_822 : i32 to index
        %get3A_913 = arith.constant 192 : index
        %get3A_914 = tpu.vector_load %arg23[%get3A_912, %get3A_913] {strides = array<i32>} : memref<40x256xf32, #tpu.memory_space<vmem>>, vector<16xf32>,
        %mul3A_915 = arith.mulf %get3A_914, %gather3A_911 : vector<16xf32>
        %swap3A_916 = arith.index_cast %scan3A_822 : i32 to index
        %swap3A_917 = arith.constant 192 : index
        %swap3A_918 = tpu.vector_load %arg23[%swap3A_916, %swap3A_917] {strides = array<i32>} : memref<40x256xf32, #tpu.memory_space<vmem>>, vector<16xf32>,
        tpu.vector_store %arg23[%swap3A_916, %swap3A_917], %mul3A_915 {strides = array<i32>} : memref<40x256xf32, #tpu.memory_space<vmem>>, vector<16xf32>,
        %get3A_919 = arith.index_cast %scan3A_822 : i32 to index
        %get3A_920 = arith.constant 208 : index
        %get3A_921 = tpu.vector_load %arg23[%get3A_919, %get3A_920] {strides = array<i32>} : memref<40x256xf32, #tpu.memory_space<vmem>>, vector<16xf32>,
        %mul3A_922 = arith.mulf %get3A_921, %gather3A_911 : vector<16xf32>
        %swap3A_923 = arith.index_cast %scan3A_822 : i32 to index
        %swap3A_924 = arith.constant 208 : index
        %swap3A_925 = tpu.vector_load %arg23[%swap3A_923, %swap3A_924] {strides = array<i32>} : memref<40x256xf32, #tpu.memory_space<vmem>>, vector<16xf32>,
        tpu.vector_store %arg23[%swap3A_923, %swap3A_924], %mul3A_922 {strides = array<i32>} : memref<40x256xf32, #tpu.memory_space<vmem>>, vector<16xf32>,
        %get3A_926 = arith.index_cast %scan3A_822 : i32 to index
        %get3A_927 = arith.constant 224 : index
        %get3A_928 = tpu.vector_load %arg23[%get3A_926, %get3A_927] {strides = array<i32>} : memref<40x256xf32, #tpu.memory_space<vmem>>, vector<16xf32>,
        %mul3A_929 = arith.mulf %get3A_928, %gather3A_911 : vector<16xf32>
        %swap3A_930 = arith.index_cast %scan3A_822 : i32 to index
        %swap3A_931 = arith.constant 224 : index
        %swap3A_932 = tpu.vector_load %arg23[%swap3A_930, %swap3A_931] {strides = array<i32>} : memref<40x256xf32, #tpu.memory_space<vmem>>, vector<16xf32>,
        tpu.vector_store %arg23[%swap3A_930, %swap3A_931], %mul3A_929 {strides = array<i32>} : memref<40x256xf32, #tpu.memory_space<vmem>>, vector<16xf32>,
        %get3A_933 = arith.index_cast %scan3A_822 : i32 to index
        %get3A_934 = arith.constant 240 : index
        %get3A_935 = tpu.vector_load %arg23[%get3A_933, %get3A_934] {strides = array<i32>} : memref<40x256xf32, #tpu.memory_space<vmem>>, vector<16xf32>,
        %mul3A_936 = arith.mulf %get3A_935, %gather3A_911 : vector<16xf32>
        %swap3A_937 = arith.index_cast %scan3A_822 : i32 to index
        %swap3A_938 = arith.constant 240 : index
        %swap3A_939 = tpu.vector_load %arg23[%swap3A_937, %swap3A_938] {strides = array<i32>} : memref<40x256xf32, #tpu.memory_space<vmem>>, vector<16xf32>,
        tpu.vector_store %arg23[%swap3A_937, %swap3A_938], %mul3A_936 {strides = array<i32>} : memref<40x256xf32, #tpu.memory_space<vmem>>, vector<16xf32>,
        %scan3A_940 = arith.constant 7 : i32
        %scan3A_941 = arith.addi %scan3A_109, %scan3A_940 : i32
        %broadcast_in_dim3A_942 = vector.broadcast %scan3A_941 : i32 to vector<16xi32>
        %gather3A_943 = tpu.vector_load_idx %arg19[%broadcast_in_dim3A_942] : memref<40xf32, #tpu.memory_space<vmem>>[vector<16xi32>], vector<16xf32>,
        %get3A_944 = arith.index_cast %scan3A_941 : i32 to index
        %get3A_945 = arith.constant 0 : index
        %get3A_946 = tpu.vector_load %arg23[%get3A_944, %get3A_945] {strides = array<i32>} : memref<40x256xf32, #tpu.memory_space<vmem>>, vector<16xf32>,
        %mul3A_947 = arith.mulf %get3A_946, %gather3A_943 : vector<16xf32>
        %swap3A_948 = arith.index_cast %scan3A_941 : i32 to index
        %swap3A_949 = arith.constant 0 : index
        %swap3A_950 = tpu.vector_load %arg23[%swap3A_948, %swap3A_949] {strides = array<i32>} : memref<40x256xf32, #tpu.memory_space<vmem>>, vector<16xf32>,
        tpu.vector_store %arg23[%swap3A_948, %swap3A_949], %mul3A_947 {strides = array<i32>} : memref<40x256xf32, #tpu.memory_space<vmem>>, vector<16xf32>,
        %get3A_951 = arith.index_cast %scan3A_941 : i32 to index
        %get3A_952 = arith.constant 16 : index
        %get3A_953 = tpu.vector_load %arg23[%get3A_951, %get3A_952] {strides = array<i32>} : memref<40x256xf32, #tpu.memory_space<vmem>>, vector<16xf32>,
        %mul3A_954 = arith.mulf %get3A_953, %gather3A_943 : vector<16xf32>
        %swap3A_955 = arith.index_cast %scan3A_941 : i32 to index
        %swap3A_956 = arith.constant 16 : index
        %swap3A_957 = tpu.vector_load %arg23[%swap3A_955, %swap3A_956] {strides = array<i32>} : memref<40x256xf32, #tpu.memory_space<vmem>>, vector<16xf32>,
        tpu.vector_store %arg23[%swap3A_955, %swap3A_956], %mul3A_954 {strides = array<i32>} : memref<40x256xf32, #tpu.memory_space<vmem>>, vector<16xf32>,
        %get3A_958 = arith.index_cast %scan3A_941 : i32 to index
        %get3A_959 = arith.constant 32 : index
        %get3A_960 = tpu.vector_load %arg23[%get3A_958, %get3A_959] {strides = array<i32>} : memref<40x256xf32, #tpu.memory_space<vmem>>, vector<16xf32>,
        %mul3A_961 = arith.mulf %get3A_960, %gather3A_943 : vector<16xf32>
        %swap3A_962 = arith.index_cast %scan3A_941 : i32 to index
        %swap3A_963 = arith.constant 32 : index
        %swap3A_964 = tpu.vector_load %arg23[%swap3A_962, %swap3A_963] {strides = array<i32>} : memref<40x256xf32, #tpu.memory_space<vmem>>, vector<16xf32>,
        tpu.vector_store %arg23[%swap3A_962, %swap3A_963], %mul3A_961 {strides = array<i32>} : memref<40x256xf32, #tpu.memory_space<vmem>>, vector<16xf32>,
        %get3A_965 = arith.index_cast %scan3A_941 : i32 to index
        %get3A_966 = arith.constant 48 : index
        %get3A_967 = tpu.vector_load %arg23[%get3A_965, %get3A_966] {strides = array<i32>} : memref<40x256xf32, #tpu.memory_space<vmem>>, vector<16xf32>,
        %mul3A_968 = arith.mulf %get3A_967, %gather3A_943 : vector<16xf32>
        %swap3A_969 = arith.index_cast %scan3A_941 : i32 to index
        %swap3A_970 = arith.constant 48 : index
        %swap3A_971 = tpu.vector_load %arg23[%swap3A_969, %swap3A_970] {strides = array<i32>} : memref<40x256xf32, #tpu.memory_space<vmem>>, vector<16xf32>,
        tpu.vector_store %arg23[%swap3A_969, %swap3A_970], %mul3A_968 {strides = array<i32>} : memref<40x256xf32, #tpu.memory_space<vmem>>, vector<16xf32>,
        %gather3A_972 = tpu.vector_load_idx %arg20[%broadcast_in_dim3A_942] : memref<40xf32, #tpu.memory_space<vmem>>[vector<16xi32>], vector<16xf32>,
        %get3A_973 = arith.index_cast %scan3A_941 : i32 to index
        %get3A_974 = arith.constant 64 : index
        %get3A_975 = tpu.vector_load %arg23[%get3A_973, %get3A_974] {strides = array<i32>} : memref<40x256xf32, #tpu.memory_space<vmem>>, vector<16xf32>,
        %mul3A_976 = arith.mulf %get3A_975, %gather3A_972 : vector<16xf32>
        %swap3A_977 = arith.index_cast %scan3A_941 : i32 to index
        %swap3A_978 = arith.constant 64 : index
        %swap3A_979 = tpu.vector_load %arg23[%swap3A_977, %swap3A_978] {strides = array<i32>} : memref<40x256xf32, #tpu.memory_space<vmem>>, vector<16xf32>,
        tpu.vector_store %arg23[%swap3A_977, %swap3A_978], %mul3A_976 {strides = array<i32>} : memref<40x256xf32, #tpu.memory_space<vmem>>, vector<16xf32>,
        %get3A_980 = arith.index_cast %scan3A_941 : i32 to index
        %get3A_981 = arith.constant 80 : index
        %get3A_982 = tpu.vector_load %arg23[%get3A_980, %get3A_981] {strides = array<i32>} : memref<40x256xf32, #tpu.memory_space<vmem>>, vector<16xf32>,
        %mul3A_983 = arith.mulf %get3A_982, %gather3A_972 : vector<16xf32>
        %swap3A_984 = arith.index_cast %scan3A_941 : i32 to index
        %swap3A_985 = arith.constant 80 : index
        %swap3A_986 = tpu.vector_load %arg23[%swap3A_984, %swap3A_985] {strides = array<i32>} : memref<40x256xf32, #tpu.memory_space<vmem>>, vector<16xf32>,
        tpu.vector_store %arg23[%swap3A_984, %swap3A_985], %mul3A_983 {strides = array<i32>} : memref<40x256xf32, #tpu.memory_space<vmem>>, vector<16xf32>,
        %get3A_987 = arith.index_cast %scan3A_941 : i32 to index
        %get3A_988 = arith.constant 96 : index
        %get3A_989 = tpu.vector_load %arg23[%get3A_987, %get3A_988] {strides = array<i32>} : memref<40x256xf32, #tpu.memory_space<vmem>>, vector<16xf32>,
        %mul3A_990 = arith.mulf %get3A_989, %gather3A_972 : vector<16xf32>
        %swap3A_991 = arith.index_cast %scan3A_941 : i32 to index
        %swap3A_992 = arith.constant 96 : index
        %swap3A_993 = tpu.vector_load %arg23[%swap3A_991, %swap3A_992] {strides = array<i32>} : memref<40x256xf32, #tpu.memory_space<vmem>>, vector<16xf32>,
        tpu.vector_store %arg23[%swap3A_991, %swap3A_992], %mul3A_990 {strides = array<i32>} : memref<40x256xf32, #tpu.memory_space<vmem>>, vector<16xf32>,
        %get3A_994 = arith.index_cast %scan3A_941 : i32 to index
        %get3A_995 = arith.constant 112 : index
        %get3A_996 = tpu.vector_load %arg23[%get3A_994, %get3A_995] {strides = array<i32>} : memref<40x256xf32, #tpu.memory_space<vmem>>, vector<16xf32>,
        %mul3A_997 = arith.mulf %get3A_996, %gather3A_972 : vector<16xf32>
        %swap3A_998 = arith.index_cast %scan3A_941 : i32 to index
        %swap3A_999 = arith.constant 112 : index
        %swap3A_1000 = tpu.vector_load %arg23[%swap3A_998, %swap3A_999] {strides = array<i32>} : memref<40x256xf32, #tpu.memory_space<vmem>>, vector<16xf32>,
        tpu.vector_store %arg23[%swap3A_998, %swap3A_999], %mul3A_997 {strides = array<i32>} : memref<40x256xf32, #tpu.memory_space<vmem>>, vector<16xf32>,
        %gather3A_1001 = tpu.vector_load_idx %arg21[%broadcast_in_dim3A_942] : memref<40xf32, #tpu.memory_space<vmem>>[vector<16xi32>], vector<16xf32>,
        %get3A_1002 = arith.index_cast %scan3A_941 : i32 to index
        %get3A_1003 = arith.constant 128 : index
        %get3A_1004 = tpu.vector_load %arg23[%get3A_1002, %get3A_1003] {strides = array<i32>} : memref<40x256xf32, #tpu.memory_space<vmem>>, vector<16xf32>,
        %mul3A_1005 = arith.mulf %get3A_1004, %gather3A_1001 : vector<16xf32>
        %swap3A_1006 = arith.index_cast %scan3A_941 : i32 to index
        %swap3A_1007 = arith.constant 128 : index
        %swap3A_1008 = tpu.vector_load %arg23[%swap3A_1006, %swap3A_1007] {strides = array<i32>} : memref<40x256xf32, #tpu.memory_space<vmem>>, vector<16xf32>,
        tpu.vector_store %arg23[%swap3A_1006, %swap3A_1007], %mul3A_1005 {strides = array<i32>} : memref<40x256xf32, #tpu.memory_space<vmem>>, vector<16xf32>,
        %get3A_1009 = arith.index_cast %scan3A_941 : i32 to index
        %get3A_1010 = arith.constant 144 : index
        %get3A_1011 = tpu.vector_load %arg23[%get3A_1009, %get3A_1010] {strides = array<i32>} : memref<40x256xf32, #tpu.memory_space<vmem>>, vector<16xf32>,
        %mul3A_1012 = arith.mulf %get3A_1011, %gather3A_1001 : vector<16xf32>
        %swap3A_1013 = arith.index_cast %scan3A_941 : i32 to index
        %swap3A_1014 = arith.constant 144 : index
        %swap3A_1015 = tpu.vector_load %arg23[%swap3A_1013, %swap3A_1014] {strides = array<i32>} : memref<40x256xf32, #tpu.memory_space<vmem>>, vector<16xf32>,
        tpu.vector_store %arg23[%swap3A_1013, %swap3A_1014], %mul3A_1012 {strides = array<i32>} : memref<40x256xf32, #tpu.memory_space<vmem>>, vector<16xf32>,
        %get3A_1016 = arith.index_cast %scan3A_941 : i32 to index
        %get3A_1017 = arith.constant 160 : index
        %get3A_1018 = tpu.vector_load %arg23[%get3A_1016, %get3A_1017] {strides = array<i32>} : memref<40x256xf32, #tpu.memory_space<vmem>>, vector<16xf32>,
        %mul3A_1019 = arith.mulf %get3A_1018, %gather3A_1001 : vector<16xf32>
        %swap3A_1020 = arith.index_cast %scan3A_941 : i32 to index
        %swap3A_1021 = arith.constant 160 : index
        %swap3A_1022 = tpu.vector_load %arg23[%swap3A_1020, %swap3A_1021] {strides = array<i32>} : memref<40x256xf32, #tpu.memory_space<vmem>>, vector<16xf32>,
        tpu.vector_store %arg23[%swap3A_1020, %swap3A_1021], %mul3A_1019 {strides = array<i32>} : memref<40x256xf32, #tpu.memory_space<vmem>>, vector<16xf32>,
        %get3A_1023 = arith.index_cast %scan3A_941 : i32 to index
        %get3A_1024 = arith.constant 176 : index
        %get3A_1025 = tpu.vector_load %arg23[%get3A_1023, %get3A_1024] {strides = array<i32>} : memref<40x256xf32, #tpu.memory_space<vmem>>, vector<16xf32>,
        %mul3A_1026 = arith.mulf %get3A_1025, %gather3A_1001 : vector<16xf32>
        %swap3A_1027 = arith.index_cast %scan3A_941 : i32 to index
        %swap3A_1028 = arith.constant 176 : index
        %swap3A_1029 = tpu.vector_load %arg23[%swap3A_1027, %swap3A_1028] {strides = array<i32>} : memref<40x256xf32, #tpu.memory_space<vmem>>, vector<16xf32>,
        tpu.vector_store %arg23[%swap3A_1027, %swap3A_1028], %mul3A_1026 {strides = array<i32>} : memref<40x256xf32, #tpu.memory_space<vmem>>, vector<16xf32>,
        %gather3A_1030 = tpu.vector_load_idx %arg22[%broadcast_in_dim3A_942] : memref<40xf32, #tpu.memory_space<vmem>>[vector<16xi32>], vector<16xf32>,
        %get3A_1031 = arith.index_cast %scan3A_941 : i32 to index
        %get3A_1032 = arith.constant 192 : index
        %get3A_1033 = tpu.vector_load %arg23[%get3A_1031, %get3A_1032] {strides = array<i32>} : memref<40x256xf32, #tpu.memory_space<vmem>>, vector<16xf32>,
        %mul3A_1034 = arith.mulf %get3A_1033, %gather3A_1030 : vector<16xf32>
        %swap3A_1035 = arith.index_cast %scan3A_941 : i32 to index
        %swap3A_1036 = arith.constant 192 : index
        %swap3A_1037 = tpu.vector_load %arg23[%swap3A_1035, %swap3A_1036] {strides = array<i32>} : memref<40x256xf32, #tpu.memory_space<vmem>>, vector<16xf32>,
        tpu.vector_store %arg23[%swap3A_1035, %swap3A_1036], %mul3A_1034 {strides = array<i32>} : memref<40x256xf32, #tpu.memory_space<vmem>>, vector<16xf32>,
        %get3A_1038 = arith.index_cast %scan3A_941 : i32 to index
        %get3A_1039 = arith.constant 208 : index
        %get3A_1040 = tpu.vector_load %arg23[%get3A_1038, %get3A_1039] {strides = array<i32>} : memref<40x256xf32, #tpu.memory_space<vmem>>, vector<16xf32>,
        %mul3A_1041 = arith.mulf %get3A_1040, %gather3A_1030 : vector<16xf32>
        %swap3A_1042 = arith.index_cast %scan3A_941 : i32 to index
        %swap3A_1043 = arith.constant 208 : index
        %swap3A_1044 = tpu.vector_load %arg23[%swap3A_1042, %swap3A_1043] {strides = array<i32>} : memref<40x256xf32, #tpu.memory_space<vmem>>, vector<16xf32>,
        tpu.vector_store %arg23[%swap3A_1042, %swap3A_1043], %mul3A_1041 {strides = array<i32>} : memref<40x256xf32, #tpu.memory_space<vmem>>, vector<16xf32>,
        %get3A_1045 = arith.index_cast %scan3A_941 : i32 to index
        %get3A_1046 = arith.constant 224 : index
        %get3A_1047 = tpu.vector_load %arg23[%get3A_1045, %get3A_1046] {strides = array<i32>} : memref<40x256xf32, #tpu.memory_space<vmem>>, vector<16xf32>,
        %mul3A_1048 = arith.mulf %get3A_1047, %gather3A_1030 : vector<16xf32>
        %swap3A_1049 = arith.index_cast %scan3A_941 : i32 to index
        %swap3A_1050 = arith.constant 224 : index
        %swap3A_1051 = tpu.vector_load %arg23[%swap3A_1049, %swap3A_1050] {strides = array<i32>} : memref<40x256xf32, #tpu.memory_space<vmem>>, vector<16xf32>,
        tpu.vector_store %arg23[%swap3A_1049, %swap3A_1050], %mul3A_1048 {strides = array<i32>} : memref<40x256xf32, #tpu.memory_space<vmem>>, vector<16xf32>,
        %get3A_1052 = arith.index_cast %scan3A_941 : i32 to index
        %get3A_1053 = arith.constant 240 : index
        %get3A_1054 = tpu.vector_load %arg23[%get3A_1052, %get3A_1053] {strides = array<i32>} : memref<40x256xf32, #tpu.memory_space<vmem>>, vector<16xf32>,
        %mul3A_1055 = arith.mulf %get3A_1054, %gather3A_1030 : vector<16xf32>
        %swap3A_1056 = arith.index_cast %scan3A_941 : i32 to index
        %swap3A_1057 = arith.constant 240 : index
        %swap3A_1058 = tpu.vector_load %arg23[%swap3A_1056, %swap3A_1057] {strides = array<i32>} : memref<40x256xf32, #tpu.memory_space<vmem>>, vector<16xf32>,
        tpu.vector_store %arg23[%swap3A_1056, %swap3A_1057], %mul3A_1055 {strides = array<i32>} : memref<40x256xf32, #tpu.memory_space<vmem>>, vector<16xf32>,
      }
      %scan3A_108 = arith.constant 40 : i32
      "tpu.region"() ({
        %run_scoped3A = tpu.sem_alloc : memref<!tpu.dma_semaphore, #tpu.memory_space<semaphore_mem>>
        %dma_start3A_109 = arith.constant 0 : i32
        %dma_start3A_110 = tpu.memref_slice %arg7[%add3A_11, %dma_start3A_109] : memref<160000x256xf32, #tpu.memory_space<hbm>> -> memref<40x256xf32, #tpu.memory_space<hbm>>
        %dma_start3A_111 = arith.constant 0 : i32
        %dma_start3A_112 = tpu.memref_slice %arg7[%add3A_11, %dma_start3A_111] : memref<160000x256xf32, #tpu.memory_space<hbm>> -> memref<40x256xf32, #tpu.memory_space<hbm>>
        tpu.enqueue_dma source(%arg23 : memref<40x256xf32, #tpu.memory_space<vmem>>) target(%dma_start3A_112 : memref<40x256xf32, #tpu.memory_space<hbm>>) target_semaphore(%run_scoped3A : memref<!tpu.dma_semaphore, #tpu.memory_space<semaphore_mem>>)
        %dma_wait3A_113 = arith.constant 0 : i32
        %dma_wait3A_114 = tpu.memref_slice %arg7[%add3A_11, %dma_wait3A_113] : memref<160000x256xf32, #tpu.memory_space<hbm>> -> memref<40x256xf32, #tpu.memory_space<hbm>>
        %dma_wait3A_115 = arith.constant 0 : i32
        %dma_wait3A_116 = tpu.memref_slice %arg7[%add3A_11, %dma_wait3A_115] : memref<160000x256xf32, #tpu.memory_space<hbm>> -> memref<40x256xf32, #tpu.memory_space<hbm>>
        tpu.wait_dma2 semaphore(%run_scoped3A : memref<!tpu.dma_semaphore, #tpu.memory_space<semaphore_mem>>) src(%arg23 : memref<40x256xf32, #tpu.memory_space<vmem>>) dst(%dma_wait3A_116 : memref<40x256xf32, #tpu.memory_space<hbm>>)
        tpu.yield
      }) : () -> ()
    }
    %scan3A_7 = arith.constant 125 : i32
    return
  }
}

module attributes {stable_mosaic.version = 14 : i64} {
  func.func @_dense_body(%arg0: i32, %arg1: memref<1000x256xf32, #tpu.memory_space<vmem>>, %arg2: memref<256x512xf32, #tpu.memory_space<vmem>>, %arg3: memref<1x512xf32, #tpu.memory_space<vmem>>, %arg4: memref<512x128xf32, #tpu.memory_space<vmem>>, %arg5: memref<1000x256xf32, #tpu.memory_space<vmem>>, %arg6: memref<1000x256xf32, #tpu.memory_space<vmem>>, %arg7: memref<1000x8xf32, #tpu.memory_space<vmem>>) attributes {dimension_semantics = [#tpu.dimension_semantics<arbitrary>], iteration_bounds = array<i64: 10>, scalar_prefetch = 0 : i64, scratch_operands = 0 : i64, tpu.core_type = #tpu.core_type<tc>, window_params = [{transform_indices = @transform_0, window_bounds = array<i64: 1000, 256>}, {pipeline_mode = #tpu.pipeline_mode<synchronous>, transform_indices = @transform_1, window_bounds = array<i64: 256, 512>}, {pipeline_mode = #tpu.pipeline_mode<synchronous>, transform_indices = @transform_2, window_bounds = array<i64: 1, 512>}, {pipeline_mode = #tpu.pipeline_mode<synchronous>, transform_indices = @transform_3, window_bounds = array<i64: 512, 128>}, {transform_indices = @transform_4, window_bounds = array<i64: 1000, 256>}, {transform_indices = @transform_5, window_bounds = array<i64: 1000, 256>}, {transform_indices = @transform_6, window_bounds = array<i64: 1000, 8>}]} {
    %get3A = arith.constant 0 : index
    %get3A_0 = arith.constant 0 : index
    %get3A_1 = vector.load %arg1[%get3A, %get3A_0] : memref<1000x256xf32, #tpu.memory_space<vmem>>, vector<1000x256xf32>
    %get3A_2 = arith.constant 0 : index
    %get3A_3 = arith.constant 0 : index
    %get3A_4 = vector.load %arg2[%get3A_2, %get3A_3] : memref<256x512xf32, #tpu.memory_space<vmem>>, vector<256x512xf32>
    %dot_general3A = arith.constant dense<0.000000e+00> : vector<1000x512xf32>
    %dot_general3A_5 = tpu.matmul %get3A_1, %get3A_4, %dot_general3A {dimension_numbers = #tpu.dot_dimension_numbers<[1], [0], [0], [1], [0, 0, 1, 1], [], []>, transpose_lhs_hint = false} : vector<1000x256xf32>, vector<256x512xf32>, vector<1000x512xf32> -> vector<1000x512xf32>
    %get3A_6 = arith.constant 0 : index
    %get3A_7 = arith.constant 0 : index
    %get3A_8 = vector.load %arg3[%get3A_6, %get3A_7] : memref<1x512xf32, #tpu.memory_space<vmem>>, vector<1x512xf32>
    %add3A = vector.broadcast %get3A_8 : vector<1x512xf32> to vector<1000x512xf32>
    %add3A_9 = arith.addf %dot_general3A_5, %add3A : vector<1000x512xf32>
    %max3A = arith.constant 0.000000e+00 : f32
    %max3A_10 = vector.broadcast %max3A : f32 to vector<1000x512xf32>
    %max3A_11 = arith.maximumf %add3A_9, %max3A_10 : vector<1000x512xf32>
    %slice3A = vector.extract_strided_slice %max3A_11 {offsets = [0, 0], sizes = [1000, 256], strides = [1, 1]} : vector<1000x512xf32> to vector<1000x256xf32>
    %swap3A = arith.constant 0 : index
    %swap3A_12 = arith.constant 0 : index
    %swap3A_13 = vector.load %arg5[%swap3A, %swap3A_12] : memref<1000x256xf32, #tpu.memory_space<vmem>>, vector<1000x256xf32>
    tpu.vector_store %arg5[%swap3A, %swap3A_12], %slice3A {strides = array<i32>} : memref<1000x256xf32, #tpu.memory_space<vmem>>, vector<1000x256xf32>,
    %slice3A_14 = vector.extract_strided_slice %max3A_11 {offsets = [0, 256], sizes = [1000, 256], strides = [1, 1]} : vector<1000x512xf32> to vector<1000x256xf32>
    %swap3A_15 = arith.constant 0 : index
    %swap3A_16 = arith.constant 0 : index
    %swap3A_17 = vector.load %arg6[%swap3A_15, %swap3A_16] : memref<1000x256xf32, #tpu.memory_space<vmem>>, vector<1000x256xf32>
    tpu.vector_store %arg6[%swap3A_15, %swap3A_16], %slice3A_14 {strides = array<i32>} : memref<1000x256xf32, #tpu.memory_space<vmem>>, vector<1000x256xf32>,
    %get3A_18 = arith.constant 0 : index
    %get3A_19 = arith.constant 0 : index
    %get3A_20 = vector.load %arg4[%get3A_18, %get3A_19] : memref<512x128xf32, #tpu.memory_space<vmem>>, vector<512x128xf32>
    %dot_general3A_21 = arith.constant dense<0.000000e+00> : vector<1000x128xf32>
    %dot_general3A_22 = tpu.matmul %max3A_11, %get3A_20, %dot_general3A_21 {dimension_numbers = #tpu.dot_dimension_numbers<[1], [0], [0], [1], [0, 0, 1, 1], [], []>, transpose_lhs_hint = false} : vector<1000x512xf32>, vector<512x128xf32>, vector<1000x128xf32> -> vector<1000x128xf32>
    %ge3A = arith.constant 0.000000e+00 : f32
    %ge3A_23 = vector.broadcast %ge3A : f32 to vector<1000x128xf32>
    %ge3A_24 = arith.cmpf oge, %dot_general3A_22, %ge3A_23 : vector<1000x128xf32>
    %mul3A = arith.constant 2.000000e-01 : f32
    %mul3A_25 = vector.broadcast %mul3A : f32 to vector<1000x128xf32>
    %mul3A_26 = arith.mulf %mul3A_25, %dot_general3A_22 : vector<1000x128xf32>
    %select_n3A = arith.select %ge3A_24, %dot_general3A_22, %mul3A_26 : vector<1000x128xi1>, vector<1000x128xf32>
    %slice3A_27 = vector.extract_strided_slice %select_n3A {offsets = [0, 0], sizes = [1000, 8], strides = [1, 1]} : vector<1000x128xf32> to vector<1000x8xf32>
    %swap3A_28 = arith.constant 0 : index
    %swap3A_29 = arith.constant 0 : index
    %swap3A_30 = vector.load %arg7[%swap3A_28, %swap3A_29] : memref<1000x8xf32, #tpu.memory_space<vmem>>, vector<1000x8xf32>
    tpu.vector_store %arg7[%swap3A_28, %swap3A_29], %slice3A_27 {strides = array<i32>} : memref<1000x8xf32, #tpu.memory_space<vmem>>, vector<1000x8xf32>,
    return
  }
  func.func @transform_0(%arg0: i32) -> (i32, i32) {
    %c0_i32 = arith.constant 0 : i32
    %c0_i32_0 = arith.constant 0 : i32
    return %arg0, %c0_i32 : i32, i32
  }
  func.func @transform_1(%arg0: i32) -> (i32, i32) {
    %c0_i32 = arith.constant 0 : i32
    %c0_i32_0 = arith.constant 0 : i32
    %c0_i32_1 = arith.constant 0 : i32
    return %c0_i32, %c0_i32_0 : i32, i32
  }
  func.func @transform_2(%arg0: i32) -> (i32, i32) {
    %c0_i32 = arith.constant 0 : i32
    %c0_i32_0 = arith.constant 0 : i32
    %c0_i32_1 = arith.constant 0 : i32
    return %c0_i32, %c0_i32_0 : i32, i32
  }
  func.func @transform_3(%arg0: i32) -> (i32, i32) {
    %c0_i32 = arith.constant 0 : i32
    %c0_i32_0 = arith.constant 0 : i32
    %c0_i32_1 = arith.constant 0 : i32
    return %c0_i32, %c0_i32_0 : i32, i32
  }
  func.func @transform_4(%arg0: i32) -> (i32, i32) {
    %c0_i32 = arith.constant 0 : i32
    %c0_i32_0 = arith.constant 0 : i32
    return %arg0, %c0_i32 : i32, i32
  }
  func.func @transform_5(%arg0: i32) -> (i32, i32) {
    %c0_i32 = arith.constant 0 : i32
    %c0_i32_0 = arith.constant 0 : i32
    return %arg0, %c0_i32 : i32, i32
  }
  func.func @transform_6(%arg0: i32) -> (i32, i32) {
    %c0_i32 = arith.constant 0 : i32
    %c0_i32_0 = arith.constant 0 : i32
    return %arg0, %c0_i32 : i32, i32
  }
}

module attributes {stable_mosaic.version = 14 : i64} {
  func.func @_reduce_body(%arg0: i32, %arg1: memref<1000x256xf32, #tpu.memory_space<vmem>>, %arg2: memref<1000x256xf32, #tpu.memory_space<vmem>>, %arg3: memref<8x512xf32, #tpu.memory_space<vmem>>) attributes {dimension_semantics = [#tpu.dimension_semantics<arbitrary>], iteration_bounds = array<i64: 10>, scalar_prefetch = 0 : i64, scratch_operands = 0 : i64, tpu.core_type = #tpu.core_type<tc>, window_params = [{transform_indices = @transform_0, window_bounds = array<i64: 1000, 256>}, {transform_indices = @transform_1, window_bounds = array<i64: 1000, 256>}, {pipeline_mode = #tpu.pipeline_mode<synchronous>, transform_indices = @transform_2, window_bounds = array<i64: 8, 512>}]} {
    %get3A = arith.constant 0 : index
    %get3A_0 = arith.constant 0 : index
    %get3A_1 = vector.load %arg1[%get3A, %get3A_0] : memref<1000x256xf32, #tpu.memory_space<vmem>>, vector<1000x256xf32>
    %get3A_2 = arith.constant 0 : index
    %get3A_3 = arith.constant 0 : index
    %get3A_4 = vector.load %arg2[%get3A_2, %get3A_3] : memref<1000x256xf32, #tpu.memory_space<vmem>>, vector<1000x256xf32>
    %concatenate3A = tpu.concatenate %get3A_1, %get3A_4 in 1 : vector<1000x256xf32>, vector<1000x256xf32> -> vector<1000x512xf32>
    %reduce_sum3A = arith.constant dense<0.000000e+00> : vector<512xf32>
    %reduce_sum3A_5 = vector.multi_reduction <add>, %concatenate3A, %reduce_sum3A [0] : vector<1000x512xf32> to vector<512xf32>
    %broadcast_in_dim3A = vector.shape_cast %reduce_sum3A_5 : vector<512xf32> to vector<1x512xf32>
    %mul3A = arith.mulf %concatenate3A, %concatenate3A : vector<1000x512xf32>
    %reduce_sum3A_6 = arith.constant dense<0.000000e+00> : vector<512xf32>
    %reduce_sum3A_7 = vector.multi_reduction <add>, %mul3A, %reduce_sum3A_6 [0] : vector<1000x512xf32> to vector<512xf32>
    %broadcast_in_dim3A_8 = vector.shape_cast %reduce_sum3A_7 : vector<512xf32> to vector<1x512xf32>
    %broadcast_in_dim3A_9 = arith.constant 0.000000e+00 : f32
    %broadcast_in_dim3A_10 = vector.broadcast %broadcast_in_dim3A_9 : f32 to vector<6x512xf32>
    %concatenate3A_11 = tpu.concatenate %broadcast_in_dim3A, %broadcast_in_dim3A_8, %broadcast_in_dim3A_10 in 0 : vector<1x512xf32>, vector<1x512xf32>, vector<6x512xf32> -> vector<8x512xf32>
    %eq3A = arith.constant 0 : i32
    %eq3A_12 = arith.cmpi eq, %arg0, %eq3A : i32
    %convert_element_type3A = arith.extui %eq3A_12 : i1 to i32
    %cond3A = arith.constant 0 : i32
    %cond3A_13 = arith.cmpi ne, %convert_element_type3A, %cond3A : i32
    scf.if %cond3A_13 {
      %swap3A = arith.constant 0 : index
      %swap3A_18 = arith.constant 0 : index
      %swap3A_19 = vector.load %arg3[%swap3A, %swap3A_18] : memref<8x512xf32, #tpu.memory_space<vmem>>, vector<8x512xf32>
      tpu.vector_store %arg3[%swap3A, %swap3A_18], %concatenate3A_11 {strides = array<i32>} : memref<8x512xf32, #tpu.memory_space<vmem>>, vector<8x512xf32>,
    } else {
    }
    %gt3A = arith.constant 0 : i32
    %gt3A_14 = arith.cmpi sgt, %arg0, %gt3A : i32
    %convert_element_type3A_15 = arith.extui %gt3A_14 : i1 to i32
    %cond3A_16 = arith.constant 0 : i32
    %cond3A_17 = arith.cmpi ne, %convert_element_type3A_15, %cond3A_16 : i32
    scf.if %cond3A_17 {
      %get3A_18 = arith.constant 0 : index
      %get3A_19 = arith.constant 0 : index
      %get3A_20 = vector.load %arg3[%get3A_18, %get3A_19] : memref<8x512xf32, #tpu.memory_space<vmem>>, vector<8x512xf32>
      %add3A = arith.addf %get3A_20, %concatenate3A_11 : vector<8x512xf32>
      %swap3A = arith.constant 0 : index
      %swap3A_21 = arith.constant 0 : index
      %swap3A_22 = vector.load %arg3[%swap3A, %swap3A_21] : memref<8x512xf32, #tpu.memory_space<vmem>>, vector<8x512xf32>
      tpu.vector_store %arg3[%swap3A, %swap3A_21], %add3A {strides = array<i32>} : memref<8x512xf32, #tpu.memory_space<vmem>>, vector<8x512xf32>,
    } else {
    }
    return
  }
  func.func @transform_0(%arg0: i32) -> (i32, i32) {
    %c0_i32 = arith.constant 0 : i32
    %c0_i32_0 = arith.constant 0 : i32
    return %arg0, %c0_i32 : i32, i32
  }
  func.func @transform_1(%arg0: i32) -> (i32, i32) {
    %c0_i32 = arith.constant 0 : i32
    %c0_i32_0 = arith.constant 0 : i32
    return %arg0, %c0_i32 : i32, i32
  }
  func.func @transform_2(%arg0: i32) -> (i32, i32) {
    %c0_i32 = arith.constant 0 : i32
    %c0_i32_0 = arith.constant 0 : i32
    %c0_i32_1 = arith.constant 0 : i32
    return %c0_i32, %c0_i32_0 : i32, i32
  }
}

module attributes {stable_mosaic.version = 14 : i64} {
  func.func @_norm_body(%arg0: i32, %arg1: memref<1000x256xf32, #tpu.memory_space<vmem>>, %arg2: memref<1000x256xf32, #tpu.memory_space<vmem>>, %arg3: memref<1x512xf32, #tpu.memory_space<vmem>>, %arg4: memref<1x512xf32, #tpu.memory_space<vmem>>, %arg5: memref<1000x512xf32, #tpu.memory_space<vmem>>) attributes {dimension_semantics = [#tpu.dimension_semantics<arbitrary>], iteration_bounds = array<i64: 10>, scalar_prefetch = 0 : i64, scratch_operands = 0 : i64, tpu.core_type = #tpu.core_type<tc>, window_params = [{transform_indices = @transform_0, window_bounds = array<i64: 1000, 256>}, {transform_indices = @transform_1, window_bounds = array<i64: 1000, 256>}, {pipeline_mode = #tpu.pipeline_mode<synchronous>, transform_indices = @transform_2, window_bounds = array<i64: 1, 512>}, {pipeline_mode = #tpu.pipeline_mode<synchronous>, transform_indices = @transform_3, window_bounds = array<i64: 1, 512>}, {transform_indices = @transform_4, window_bounds = array<i64: 1000, 512>}]} {
    %get3A = arith.constant 0 : index
    %get3A_0 = arith.constant 0 : index
    %get3A_1 = vector.load %arg1[%get3A, %get3A_0] : memref<1000x256xf32, #tpu.memory_space<vmem>>, vector<1000x256xf32>
    %get3A_2 = arith.constant 0 : index
    %get3A_3 = arith.constant 0 : index
    %get3A_4 = vector.load %arg2[%get3A_2, %get3A_3] : memref<1000x256xf32, #tpu.memory_space<vmem>>, vector<1000x256xf32>
    %concatenate3A = tpu.concatenate %get3A_1, %get3A_4 in 1 : vector<1000x256xf32>, vector<1000x256xf32> -> vector<1000x512xf32>
    %get3A_5 = arith.constant 0 : index
    %get3A_6 = arith.constant 0 : index
    %get3A_7 = vector.load %arg3[%get3A_5, %get3A_6] : memref<1x512xf32, #tpu.memory_space<vmem>>, vector<1x512xf32>
    %mul3A = vector.broadcast %get3A_7 : vector<1x512xf32> to vector<1000x512xf32>
    %mul3A_8 = arith.mulf %concatenate3A, %mul3A : vector<1000x512xf32>
    %get3A_9 = arith.constant 0 : index
    %get3A_10 = arith.constant 0 : index
    %get3A_11 = vector.load %arg4[%get3A_9, %get3A_10] : memref<1x512xf32, #tpu.memory_space<vmem>>, vector<1x512xf32>
    %add3A = vector.broadcast %get3A_11 : vector<1x512xf32> to vector<1000x512xf32>
    %add3A_12 = arith.addf %mul3A_8, %add3A : vector<1000x512xf32>
    %swap3A = arith.constant 0 : index
    %swap3A_13 = arith.constant 0 : index
    %swap3A_14 = vector.load %arg5[%swap3A, %swap3A_13] : memref<1000x512xf32, #tpu.memory_space<vmem>>, vector<1000x512xf32>
    tpu.vector_store %arg5[%swap3A, %swap3A_13], %add3A_12 {strides = array<i32>} : memref<1000x512xf32, #tpu.memory_space<vmem>>, vector<1000x512xf32>,
    return
  }
  func.func @transform_0(%arg0: i32) -> (i32, i32) {
    %c0_i32 = arith.constant 0 : i32
    %c0_i32_0 = arith.constant 0 : i32
    return %arg0, %c0_i32 : i32, i32
  }
  func.func @transform_1(%arg0: i32) -> (i32, i32) {
    %c0_i32 = arith.constant 0 : i32
    %c0_i32_0 = arith.constant 0 : i32
    return %arg0, %c0_i32 : i32, i32
  }
  func.func @transform_2(%arg0: i32) -> (i32, i32) {
    %c0_i32 = arith.constant 0 : i32
    %c0_i32_0 = arith.constant 0 : i32
    %c0_i32_1 = arith.constant 0 : i32
    return %c0_i32, %c0_i32_0 : i32, i32
  }
  func.func @transform_3(%arg0: i32) -> (i32, i32) {
    %c0_i32 = arith.constant 0 : i32
    %c0_i32_0 = arith.constant 0 : i32
    %c0_i32_1 = arith.constant 0 : i32
    return %c0_i32, %c0_i32_0 : i32, i32
  }
  func.func @transform_4(%arg0: i32) -> (i32, i32) {
    %c0_i32 = arith.constant 0 : i32
    %c0_i32_0 = arith.constant 0 : i32
    return %arg0, %c0_i32 : i32, i32
  }
}

</mosaic_0001>

<sc_bundles>
// kernel: kernel.6.cloned.1.call-start
scs
__scs_entry_jumppad:
0x0: {  	(pc) =	sbr.rel $0x88, $3  }
0x1: {  	(tag) =	ssettag $0x0;
	lr =	simm.s32 $0x1  }
0x2: {  	[smem:$0x3F99] =	sst lr;
	_ =	strace $0xD0000000  }
0x3: {  	_ = 	snop  }
0x4: {  	_ = 	snop  }
0x5: {  	_ = 	snop  }
0x6: {  	_ = 	snop  }
0x7: {  	_ = 	snop  }
__scs_overlays_trampoline_lowered:
0x8: {  	[smem:$0x3FA8] =	sst s0  }
0x9: {  	[smem:$0x3FA9] =	sst s1  }
0xa: {  	[smem:$0x3FAA] =	sst s2  }
0xb: {  	[smem:$0x3FAB] =	sst s3  }
0xc: {  	[smem:$0x3FAC] =	sst s4  }
0xd: {  	[smem:$0x3FAD] =	sst s5  }
0xe: {  	[smem:$0x3FAE] =	sst s6  }
0xf: {  	[smem:$0x3FAF] =	sst s7  }
0x10: {  	[smem:$0x3FB0] =	sst s8  }
0x11: {  	[smem:$0x3FB1] =	sst s9;
	s0 =	simm.s32 @!p0 $0x0  }
0x12: {  	s1 =	sld [smem:$0x3F97];
	s0 =	simm.s32 @p0 $0x1  }
0x13: {  	[smem:$0x3FB2] =	sst s0;
	s0 =	simm.s32 @!p1 $0x0  }
0x14: {  	s2 =	sld [smem:$0x3F96];
	s0 =	simm.s32 @p1 $0x1  }
0x15: {  	[smem:$0x3FB3] =	sst s0;
	s0 =	simm.s32 @!p2 $0x0  }
0x16: {  	s3 =	sld [smem:$0x3FDB];
	s0 =	simm.s32 @p2 $0x1  }
0x17: {  	s4 =	simm.s32 $0x1BF5;
	[smem:$0x3FB5] =	sst s0  }
0x18: {  	s0 =	sld [smem:$0x3F98];
	_ =	swait.ge [sflag:s4], $0x0  }
0x19: {  	s7 =	sld [smem:$0x3F99]  }
0x1a: {  	s8 =	sadd.s32 $0xFFFFE003, lr  }
0x1b: {  	s9 =	sadd.s32 $0xFFFFFEF7, lr;
	s5 =	simm.s32 $0xFFFFFFFF;
	p2 =	slt.u32 s8, $0xFFFFF086  }
0x1c: {  	p1 =	slt.u32 s9, $0xF7A;
	s5 =	simm.s32 @!p2 $0x0  }
0x1d: {  	s5 =	simm.s32 @p1 $0x1;
	p0 =	seq.s32 s7, s2  }
0x1e: {  	s7 =	smul.u32 @!p0 $0xF7A, s2;
	p2 =	seq.s32 @!p0 s5, $0x0  }
0x1f: {  	s9 =	smul.u32 $0xF7A, s1;
	s8 =	simm.s32 @!p0 $0x1BF5;
	p2 =	por !p2, p0  }
0x20: {  	[sflag:s8] =	ssyncset.s32 @!p0 $0xFFFFF086;
	s6 =	sadd.s32 @!p0 s3, s7;
	s7 =	simm.s32 @!p0 $0x108  }
0x21: {  	s3 =	sadd.s32 s3, s9;
	s6 =	sadd.s32 @!p0 $0x88, s6;
	s7 =	simm.s32 @p2 $0x1082  }
0x22: {  	[simem:s7], [sflag:s8] =	dma.local @!p0 [hbm:s6], $0xF7A  }
0x23: {  	s9 =	sor.u32 $0xD0000000, s2;
	s6 =	simm.s32 $0x108;
	_ =	swait.ge @!p0 [sflag:s8], $0x0  }
0x24: {  	s3 =	sadd.s32 $0x88, s3;
	s6 =	simm.s32 @!p1 $0x1082;
	[sflag:s4] =	ssyncset.s32 $0xFFFFF086  }
0x25: {  	[simem:s6], [sflag:s4] =	dma.local [hbm:s3], $0xF7A  }
0x26: {  	[smem:$0x3F99] =	sst s1;
	(tag) =	ssettag s2;
	_ =	strace s9  }
0x27: {  	s1 =	sld [smem:$0x3FA9]  }
0x28: {  	s2 =	sld [smem:$0x3FAA]  }
0x29: {  	s4 =	sld [smem:$0x3FAC]  }
0x2a: {  	p0 =	seq.s32 s5, $0x0;
	s5 =	sld [smem:$0x3FAD]  }
0x2b: {  	s6 =	sld [smem:$0x3FAE]  }
0x2c: {  	s7 =	sld [smem:$0x3FAF]  }
0x2d: {  	s3 =	simm.s32 $0x108;
	s8 =	sld [smem:$0x3FB0]  }
0x2e: {  	s3 =	simm.s32 @!p0 $0x1082;
	s9 =	sld [smem:$0x3FB1]  }
0x2f: {  	lr =	sadd.s32 s0, s3;
	s0 =	sld [smem:$0x3FA8]  }
0x30: {  	s3 =	sld [smem:$0x3FAB]  }
0x31: {  	[smem:$0x3FB4] =	sst s10  }
0x32: {  	s10 =	sld [smem:$0x3FB2];
	_ =	sdelay $0x3  }
0x33: {  	p0 =	seq.s32 s10, $0x1;
	s10 =	sld [smem:$0x3FB4];
	_ =	sdelay $0x3  }
0x34: {  	[smem:$0x3FB4] =	sst s10  }
0x35: {  	s10 =	sld [smem:$0x3FB3];
	_ =	sdelay $0x3  }
0x36: {  	p1 =	seq.s32 s10, $0x1;
	s10 =	sld [smem:$0x3FB4];
	_ =	sdelay $0x3  }
0x37: {  	[smem:$0x3FB4] =	sst s10  }
0x38: {  	s10 =	sld [smem:$0x3FB5]  }
0x39: {  	_ = 	snop;
	(pc) =	sbr.ind lr, $3  }
0x3a: {  	_ = 	snop  }
0x3b: {  	_ = 	snop  }
0x3c: {  	p2 =	seq.s32 s10, $0x1;
	s10 =	sld [smem:$0x3FB4]  }
0x3d: {  	_ =	shalt  }
0x3e: {  	_ =	shalt  }
0x3f: {  	_ =	shalt  }
0x40: {  	_ =	shalt  }
0x41: {  	_ =	shalt  }
0x42: {  	_ =	shalt  }
0x43: {  	_ =	shalt  }
0x44: {  	_ =	shalt  }
0x45: {  	_ =	shalt  }
0x46: {  	_ =	shalt  }
0x47: {  	_ =	shalt  }
0x48: {  	_ =	shalt  }
0x49: {  	_ =	shalt  }
0x4a: {  	_ =	shalt  }
0x4b: {  	_ =	shalt  }
0x4c: {  	_ =	shalt  }
0x4d: {  	_ =	shalt  }
0x4e: {  	_ =	shalt  }
0x4f: {  	_ =	shalt  }
0x50: {  	_ =	shalt  }
0x51: {  	_ =	shalt  }
0x52: {  	_ =	shalt  }
0x53: {  	_ =	shalt  }
0x54: {  	_ =	shalt  }
0x55: {  	_ =	shalt  }
0x56: {  	_ =	shalt  }
0x57: {  	_ =	shalt  }
0x58: {  	_ =	shalt  }
0x59: {  	_ =	shalt  }
0x5a: {  	_ =	shalt  }
0x5b: {  	_ =	shalt  }
0x5c: {  	_ =	shalt  }
0x5d: {  	_ =	shalt  }
0x5e: {  	_ =	shalt  }
0x5f: {  	_ =	shalt  }
0x60: {  	_ =	shalt  }
0x61: {  	_ =	shalt  }
0x62: {  	_ =	shalt  }
0x63: {  	_ =	shalt  }
0x64: {  	_ =	shalt  }
0x65: {  	_ =	shalt  }
0x66: {  	_ =	shalt  }
0x67: {  	_ =	shalt  }
0x68: {  	_ =	shalt  }
0x69: {  	_ =	shalt  }
0x6a: {  	_ =	shalt  }
0x6b: {  	_ =	shalt  }
0x6c: {  	_ =	shalt  }
0x6d: {  	_ =	shalt  }
0x6e: {  	_ =	shalt  }
0x6f: {  	_ =	shalt  }
0x70: {  	_ =	shalt  }
0x71: {  	_ =	shalt  }
0x72: {  	_ =	shalt  }
0x73: {  	_ =	shalt  }
0x74: {  	_ =	shalt  }
0x75: {  	_ =	shalt  }
0x76: {  	_ =	shalt  }
0x77: {  	_ =	shalt  }
0x78: {  	_ =	shalt  }
0x79: {  	_ =	shalt  }
0x7a: {  	_ =	shalt  }
0x7b: {  	_ =	shalt  }
0x7c: {  	_ =	shalt  }
0x7d: {  	_ =	shalt  }
0x7e: {  	_ =	shalt  }
0x7f: {  	_ =	shalt  }
0x80: {  	_ =	shalt  }
0x81: {  	_ =	shalt  }
0x82: {  	_ =	shalt  }
0x83: {  	_ =	shalt  }
0x84: {  	_ =	shalt  }
0x85: {  	_ =	shalt  }
0x86: {  	_ =	shalt  }
0x87: {  	_ =	shalt  }
.Lfunc_end0:
.L_simem_size_0:
called_computation.1_lowered:
.L_overlay_start_0:
0x88: {  	s2 =	sld [smem:$0x3FD9]  }
0x89: {  	s3 =	sld [smem:$0x3FFE];
	_ =	sdelay $0x1  }
0x8a: {  	s1 =	srdreg.scid  }
0x8b: {  	s0 =	sand.u32 $0x1, s1  }
0x8c: {  	s17 =	sshll.u32 s0, $0xA;
	s2 =	sadd.s32 s3, s2  }
0x8d: {  	s2 =	sadd.s32 s2, s17  }
0x8e: {  	[smem:$0x3FC0] =	sst s2  }
0x8f: {  	_ = 	snop  }
0x90: {  	s2 =	sld [smem:$0x3FC7]  }
0x91: {  	s18 =	sld [smem:$0x3FD0];
	(tm) =	ssettm $0x1  }
0x92: {  	s4 =	sld [smem:$0x3FFB];
	_ =	sdelay $0x3  }
0x93: {  	_ =	strace s4  }
0x94: {  	s4 =	sld [smem:$0x3FFC];
	_ =	sdelay $0x3  }
0x95: {  	_ =	strace s4  }
0x96: {  	s4 =	sld [smem:$0x3FFD];
	_ =	sdelay $0x3  }
0x97: {  	_ =	strace s4  }
0x98: {  	_ =	strace $0x8FFFFFFF  }
0x99: {  	s19 =	sld [smem:$0x3FDB];
	_ =	sdelay $0x1  }
0x9a: {  	s5 =	simm.s32 $_scs_section_size  }
0x9b: {  	s6 =	simm.s32 $_size__tile_overlayer_lowered;
	s7 =	simm.s32 $_tile_overlayer_lowered  }
0x9c: {  	s22 =	simm.s32 $0x1BFF;
	s21 =	sshll.u32 s7, $0x1;
	s4 =	sadd.s32 s5, s19  }
0x9d: {  	s8 =	simm.s32 $0x0;
	s20 =	sshll.u32 s6, $0x1;
	s6 =	sadd.s32 s21, s4  }
0x9e: {  	[timem:s8], [sflag:s22] =	dma.local [hbm:s6], s20  }
0x9f: {  	_ =	swait.ge [sflag:s22], s20  }
0xa0: {  	s5 =	ssub.s32 $0x0, s20;
	[sflag:s22] =	ssyncset.done $0x0  }
0xa1: {  	[sflag:s22] =	ssyncadd.s32 s5;
	_ =	sdelay $0x1  }
0xa2: {  	s23 =	simm.s32 $0x1B8B  }
0xa3: {  	_ =	swait.ge [sflag:s23], $0x1  }
0xa4: {  	[sflag:s23] =	ssyncset.done $0x0  }
0xa5: {  	s25 =	simm.s32 $0x1B8E;
	s24 =	sld [smem:$0x3FFE];
	[sflag:s23] =	ssyncadd.s32 $0xFFFFFFFF  }
0xa6: {  	s26 =	simm.s32 $execute0_lowered;
	[smem:$0x3FD2] =	sst s25  }
0xa7: {  	s6 =	sshll.u32 s26, $0x1;
	_ =	strace $0x80000046;
	[dreg:$0x1] =	wrdreg $0xFFFFFFFF  }
0xa8: {  	s28 =	simm.s32 $_size_execute0_lowered;
	s4 =	sadd.s32 s4, s6;
	[dreg:$0x0] =	wrdreg $0x0  }
0xa9: {  	s6 =	sshll.u32 s28, $0x1;
	[dreg:$0x2] =	wrdreg s4  }
0xaa: {  	[dreg:$0x3] =	wrdreg s6  }
0xab: {  	[dreg:$0x4] =	wrdreg $0xC0  }
0xac: {  	_ =	task [dreg:s8], $0x5FFFF  }
0xad: {  	[dreg:$0x1] =	wrdreg $0xFFFFFFFF  }
0xae: {  	[dreg:$0x0] =	wrdreg $0x60  }
0xaf: {  	[dreg:$0x2] =	wrdreg s18  }
0xb0: {  	[dreg:$0x3] =	wrdreg s24  }
0xb1: {  	[dreg:$0x4] =	wrdreg s2  }
0xb2: {  	[dreg:$0x5] =	wrdreg $0x9  }
0xb3: {  	_ =	task.clear_ibuf [dreg:s8], $0x6FFFF;
	_ =	strace $0x90000046  }
0xb4: {  	s29 =	simm.s32 $0x9;
	_ =	strace $0x80000048  }
0xb5: {  	_ =	swait.ge [sflag:s29], $0x1  }
0xb6: {  	[sflag:s29] =	ssyncadd.s32 $0xFFFFFFFF  }
0xb7: {  	_ =	strace $0x90000048  }
0xb8: {  	_ =	sfence  }
0xb9: {  	s30 =	sld [smem:$0x0];
	_ =	sdelay $0x2  }
0xba: {  	s31 =	sshll.u32 s1, $0xD;
	s1 =	sshrl.u32 s1, $0x2  }
0xbb: {  	s3 =	sand.u32 $0x4000, s31;
	s1 =	sadd.s32 s1, s30  }
0xbc: {  	s0 =	sor.u32 s3, s0;
	s1 =	sshll.u32 s1, $0x11  }
0xbd: {  	s0 =	sor.u32 s1, s0  }
0xbe: {  	s0 =	sadd.s32 $0x8F2B, s0  }
0xbf: {  	[sflag:s0] =	ssyncadd.remote.s32 $0x1  }
0xc0: {  	_ =	sfence.sel $0xFFFF  }
0xc1: {  	[dreg:$0x0] =	wrdreg $0xFFFFFFFF;
	(pc) =	sbr.abs _section_cstart, $3  }
0xc2: {  	[dreg:$0x1] =	wrdreg $0xFFFFFFFF  }
0xc3: {  	_ =	task.clear_ibuf [dreg:s8], $0x2FFFF;
	_ =	strace $0x9FFFFFFF  }
0xc4: {  	(tm) =	ssettm $0x7FFFFFFF  }
0xc5: {  	_ =	shalt  }
tec
execute0_lowered:
.L_overlay_start_1:
0x0: {  	(tag) =	ssettag $0x1  }
0x1: {  	s1 =	rddreg [dreg:$0x0]  }
0x2: {  	s0 =	rddreg [dreg:$0x1];
	s3 =	simm.s32 $0x0;
	s2 =	srdreg.scid  }
0x3: {  	s9 =	stileid.u32;
	s29 =	simm.s32 $0x13D00;
	s30 =	simm.s32 $0x13F80  }
0x4: {  	s31 =	simm.s32 $0x14780;
	s10 =	simm.s32 $0x13D80;
	s11 =	simm.s32 $0x13E00  }
0x5: {  	s12 =	simm.s32 $0x13E80;
	s13 =	simm.s32 $0x13F00;
	s14 =	simm.s32 $0x0  }
0x6: {  	[smem:$0x7FF] =	sst s3;
	s2 =	sand.u32 $0x1, s2;
	s7 =	sadd.s32 $0x4E800, s0  }
0x7: {  	s19 =	sadd.s32 $0x4ECE2, s0;
	_ =	strace $0x80000047;
	[dreg:$0x4] =	wrdreg s7  }
0x8: {  	s4 =	sadd.s32 $0x56000, s0;
	s20 =	sadd.s32 $0x4F1C4, s0;
	[dreg:$0x5] =	wrdreg s19  }
0x9: {  	s6 =	sadd.s32 $0x51000, s0;
	s21 =	sadd.s32 $0x4F6A6, s0;
	[dreg:$0x6] =	wrdreg s20  }
0xa: {  	s8 =	sadd.s32 $0x5B000, s0;
	s22 =	sadd.s32 $0x4FB88, s0;
	[dreg:$0x7] =	wrdreg s21  }
0xb: {  	s23 =	sadd.s32 $0x5006A, s0;
	s24 =	sshll.u32 s9, $0x1;
	[dreg:$0x8] =	wrdreg s22  }
0xc: {  	s25 =	sadd.s32 $0x5054C, s0;
	s0 =	sadd.s32 $0x50A2E, s0;
	[dreg:$0x9] =	wrdreg s23  }
0xd: {  	s9 =	simm.s32 $0x1;
	s5 =	ssub.s32 $0x2, s2;
	[dreg:$0xa] =	wrdreg s25  }
0xe: {  	[dreg:$0xb] =	wrdreg s0;
	s26 =	sor.u32 s2, s24;
	s19 =	simm.s32 $0x2780  }
0xf: {  	s20 =	simm.s32 $0x4F00;
	s21 =	simm.s32 $0x7680;
	s22 =	simm.s32 $0x9E00  }
0x10: {  	s23 =	simm.s32 $0xC580;
	s24 =	simm.s32 $0xED00;
	s18 =	sshrl.u32 s5, $0x1  }
0x11: {  	v2 =	vlaneseq.u32;
	s25 =	simm.s32 $0x11480;
	s0 =	simm.s32 $0x14F80;
	s5 =	ssub.s32 s5, s18  }
0x12: {  	vm0 =	vmmov $0xffff;
	v1 =	vshrl.u32 v2, $0x3;
	s7 =	simm.s32 $0x15F80;
	s16 =	smul.u32 $0x1388, s26;
	s28 =	smax.u32 s5, $0x1  }
0x13: {  	v0 =	vand.u32 $0x7, v2;
	v2 =	vor.u32 $0x8, v2;
	v1 =	vmul.u32 $0x8, v1;
	s18 =	simm.s32 $0x2;
	s5 =	simm.s32 $0x15780;
	[dreg:$0xc] =	wrdreg s28  }
.LBB2_1:
0x14: {  	[dreg:$0xd] =	wrdreg s14  }
0x15: {  	s2 =	rddreg [dreg:$0x4]  }
0x16: {  	[tilespmem:s3], [sflag:$0x2] =	stream.linear.gather [hbm4b:s2+s3], $0x2710, $0x38;
	[tilespmem:$0x16780] =	vst v63  }
0x17: {  	_ =	swait.ge [sflag:s18], $0x2710  }
0x18: {  	[sflag:s18] =	ssyncset.done $0x0  }
0x19: {  	s26 =	rddreg [dreg:$0x5];
	[sflag:s18] =	ssyncadd.s32 $0xFFFFD8F0  }
0x1a: {  	[tilespmem:s19], [sflag:$0x2] =	stream.linear.gather [hbm4b:s26+s3], $0x2710, $0x38;
	[tilespmem:$0x16780] =	vst v63  }
0x1b: {  	_ =	swait.ge [sflag:s18], $0x2710  }
0x1c: {  	[sflag:s18] =	ssyncset.done $0x0  }
0x1d: {  	s28 =	rddreg [dreg:$0x6];
	[sflag:s18] =	ssyncadd.s32 $0xFFFFD8F0  }
0x1e: {  	[tilespmem:s20], [sflag:$0x2] =	stream.linear.gather [hbm4b:s28+s3], $0x2710, $0x38;
	[tilespmem:$0x16780] =	vst v63  }
0x1f: {  	_ =	swait.ge [sflag:s18], $0x2710  }
0x20: {  	[sflag:s18] =	ssyncset.done $0x0  }
0x21: {  	s14 =	rddreg [dreg:$0x7];
	[sflag:s18] =	ssyncadd.s32 $0xFFFFD8F0  }
0x22: {  	[tilespmem:s21], [sflag:$0x2] =	stream.linear.gather [hbm4b:s14+s3], $0x2710, $0x38;
	[tilespmem:$0x16780] =	vst v63  }
0x23: {  	_ =	swait.ge [sflag:s18], $0x2710  }
0x24: {  	[sflag:s18] =	ssyncset.done $0x0  }
0x25: {  	s15 =	rddreg [dreg:$0x8];
	[sflag:s18] =	ssyncadd.s32 $0xFFFFD8F0  }
0x26: {  	[tilespmem:s22], [sflag:$0x2] =	stream.linear.gather [hbm4b:s15+s3], $0x2710, $0x38;
	[tilespmem:$0x16780] =	vst v63  }
0x27: {  	_ =	swait.ge [sflag:s18], $0x2710  }
0x28: {  	[sflag:s18] =	ssyncset.done $0x0  }
0x29: {  	s17 =	rddreg [dreg:$0x9];
	[sflag:s18] =	ssyncadd.s32 $0xFFFFD8F0  }
0x2a: {  	[tilespmem:s23], [sflag:$0x2] =	stream.linear.gather [hbm4b:s17+s3], $0x2710, $0x38;
	[tilespmem:$0x16780] =	vst v63  }
0x2b: {  	_ =	swait.ge [sflag:s18], $0x2710  }
0x2c: {  	[sflag:s18] =	ssyncset.done $0x0  }
0x2d: {  	s26 =	rddreg [dreg:$0xa];
	[sflag:s18] =	ssyncadd.s32 $0xFFFFD8F0  }
0x2e: {  	[tilespmem:s24], [sflag:$0x2] =	stream.linear.gather [hbm4b:s26+s3], $0x2710, $0x38;
	[tilespmem:$0x16780] =	vst v63  }
0x2f: {  	_ =	swait.ge [sflag:s18], $0x2710  }
0x30: {  	[sflag:s18] =	ssyncset.done $0x0  }
0x31: {  	s28 =	rddreg [dreg:$0xb];
	[sflag:s18] =	ssyncadd.s32 $0xFFFFD8F0  }
0x32: {  	[tilespmem:s25], [sflag:$0x2] =	stream.linear.gather [hbm4b:s28+s3], $0x2710, $0x38;
	[tilespmem:$0x16780] =	vst v63  }
0x33: {  	_ =	swait.ge [sflag:s18], $0x2710  }
0x34: {  	[sflag:s18] =	ssyncset.done $0x0  }
0x35: {  	s15 =	simm.s32 $0x0;
	[sflag:s18] =	ssyncadd.s32 $0xFFFFD8F0  }
.LBB2_2:
0x36: {  	s2 =	smul.u32 $0x28, s15;
	_ =	sdelay $0x1  }
0x37: {  	s17 =	sadd.s32 s16, s2  }
0x38: {  	s2 =	sshrl.u32 s17, $0x3  }
0x39: {  	s14 =	simm.s32 $0x0;
	s28 =	simm.s32 $0x13C00;
	s26 =	sadd.s32 s4, s2  }
0x3a: {  	[tilespmem:s28], [sflag:$0x2] =	stream.linear.gather [hbm4b:s26+s14], $0x28, $0x38;
	[tilespmem:$0x16780] =	vst v63  }
0x3b: {  	_ =	swait.ge [sflag:s18], $0x28  }
0x3c: {  	[sflag:s18] =	ssyncset.done $0x0  }
0x3d: {  	s26 =	sadd.s32 s6, s2;
	s28 =	simm.s32 $0x13C80;
	[sflag:s18] =	ssyncadd.s32 $0xFFFFFFD8  }
0x3e: {  	[tilespmem:s28], [sflag:$0x2] =	stream.linear.gather [hbm4b:s26+s14], $0x28, $0x38;
	[tilespmem:$0x16780] =	vst v63  }
0x3f: {  	_ =	swait.ge [sflag:s18], $0x28  }
0x40: {  	[sflag:s18] =	ssyncset.done $0x0  }
0x41: {  	[sflag:s18] =	ssyncadd.s32 $0xFFFFFFD8  }
0x42: {  	s28 =	rddreg [dreg:$0x2]  }
0x43: {  	s2 =	sadd.s32 s28, s2  }
0x44: {  	[tilespmem:s29], [sflag:$0x2] =	stream.linear.gather [hbm4b:s2+s14], $0x28, $0x38;
	[tilespmem:$0x16780] =	vst v63  }
0x45: {  	_ =	swait.ge [sflag:s18], $0x28  }
0x46: {  	[sflag:s18] =	ssyncset.done $0x0  }
0x47: {  	[sflag:s18] =	ssyncadd.s32 $0xFFFFFFD8  }
0x48: {  	v3 =	vld [tilespmem:$0x13C80];
	_ =	sdelay $0x4  }
0x49: {  	v4 =	vshll.u32 v3, $0x1  }
0x4a: {  	v3 =	vand.u32 $0x7, v3;
	v4 =	vand.u32 $0xFFFFFFF0, v4  }
0x4b: {  	v3 =	vor.u32 v3, v4  }
0x4c: {  	v4 =	vperm.xlane v3, v0;
	_ =	sdelay $0x1  }
0x4d: {  	v3 =	vperm.xlane v3, v2;
	v4 =	vadd.s32 v1, v4;
	_ =	sdelay $0x1  }
0x4e: {  	v3 =	vadd.s32 v1, v3;
	_ =	sdelay $0x2  }
0x4f: {  	[tilespmem:s30], [sflag:$0x1] =	stream.indirect_vreg.gather [hbm4b:s1+s14], $0x80, v4, vm0, $0xb8;
	[tilespmem:$0x16780] =	vst v63  }
0x50: {  	_ = 	snop  }
0x51: {  	[tilespmem:s31], [sflag:$0x1] =	stream.indirect_vreg.gather [hbm4b:s1+s14], $0x80, v3, vm0, $0xb8;
	[tilespmem:$0x16780] =	vst v63  }
0x52: {  	v3 =	vld [tilespmem:$0x13C90];
	_ =	sdelay $0x4  }
0x53: {  	v45 =	vshll.u32 v3, $0x1  }
0x54: {  	v3 =	vand.u32 $0x7, v3;
	v4 =	vand.u32 $0xFFFFFFF0, v45  }
0x55: {  	v3 =	vor.u32 v3, v4  }
0x56: {  	v4 =	vperm.xlane v3, v0;
	_ =	sdelay $0x1  }
0x57: {  	v3 =	vperm.xlane v3, v2;
	v4 =	vadd.s32 v1, v4;
	_ =	sdelay $0x1  }
0x58: {  	v3 =	vadd.s32 v1, v3;
	_ =	sdelay $0x2  }
0x59: {  	[tilespmem:s0], [sflag:$0x1] =	stream.indirect_vreg.gather [hbm4b:s1+s14], $0x80, v4, vm0, $0xb8;
	[tilespmem:$0x16780] =	vst v63  }
0x5a: {  	_ = 	snop  }
0x5b: {  	[tilespmem:s5], [sflag:$0x1] =	stream.indirect_vreg.gather [hbm4b:s1+s14], $0x80, v3, vm0, $0xb8;
	[tilespmem:$0x16780] =	vst v63  }
0x5c: {  	v3 =	vld.msk [tilespmem:$0x13CA0], $0xff;
	_ =	sdelay $0x4  }
0x5d: {  	v46 =	vshll.u32 v3, $0x1  }
0x5e: {  	v3 =	vand.u32 $0x7, v3;
	v4 =	vand.u32 $0xFFFFFFF0, v46  }
0x5f: {  	v3 =	vor.u32 v3, v4  }
0x60: {  	v3 =	vperm.xlane v3, v0;
	_ =	sdelay $0x1  }
0x61: {  	v3 =	vadd.s32 v1, v3;
	_ =	sdelay $0x4  }
0x62: {  	[tilespmem:s7], [sflag:$0x1] =	stream.indirect_vreg.gather [hbm4b:s1+s14], $0x80, v3, vm0, $0xb8;
	[tilespmem:$0x16780] =	vst v63  }
0x63: {  	v3 =	vld [tilespmem:$0x13C00]  }
0x64: {  	v47 =	vld [tilespmem:$0x13C80];
	_ =	sdelay $0x6  }
0x65: {  	v5 =	vld.idx.msk [tilespmem:v3+s14+$0x0], $0xffff  }
0x66: {  	v6 =	vld.idx.msk [tilespmem:v47+s22+$0x0], $0xffff;
	_ =	sdelay $0x1  }
0x67: {  	v7 =	vld [tilespmem:$0x13D00];
	_ =	sdelay $0x2  }
0x68: {  	v5 =	vadd.f32 v6, v5;
	_ =	sdelay $0x1  }
0x69: {  	v5 =	vmul.f32 v5, v7;
	_ =	sdelay $0x1  }
0x6a: {  	[tilespmem:$0x13D80] =	vst v5  }
0x6b: {  	v5 =	vld.idx.msk [tilespmem:v3+s19+$0x0], $0xffff  }
0x6c: {  	v48 =	vld.idx.msk [tilespmem:v47+s23+$0x0], $0xffff;
	_ =	sdelay $0x4  }
0x6d: {  	v5 =	vadd.f32 v48, v5;
	_ =	sdelay $0x1  }
0x6e: {  	v5 =	vmul.f32 v5, v7;
	_ =	sdelay $0x1  }
0x6f: {  	[tilespmem:$0x13E00] =	vst v5  }
0x70: {  	v5 =	vld.idx.msk [tilespmem:v3+s20+$0x0], $0xffff  }
0x71: {  	v49 =	vld.idx.msk [tilespmem:v47+s24+$0x0], $0xffff;
	_ =	sdelay $0x4  }
0x72: {  	v5 =	vadd.f32 v49, v5;
	_ =	sdelay $0x1  }
0x73: {  	v5 =	vmul.f32 v5, v7;
	_ =	sdelay $0x1  }
0x74: {  	[tilespmem:$0x13E80] =	vst v5  }
0x75: {  	v3 =	vld.idx.msk [tilespmem:v3+s21+$0x0], $0xffff  }
0x76: {  	v4 =	vld.idx.msk [tilespmem:v47+s25+$0x0], $0xffff;
	_ =	sdelay $0x1  }
0x77: {  	v50 =	vld [tilespmem:$0x13C10]  }
0x78: {  	v51 =	vld [tilespmem:$0x13C90];
	_ =	sdelay $0x1  }
0x79: {  	v3 =	vadd.f32 v4, v3;
	_ =	sdelay $0x1  }
0x7a: {  	v3 =	vmul.f32 v3, v7;
	_ =	sdelay $0x1  }
0x7b: {  	[tilespmem:$0x13F00] =	vst v3  }
0x7c: {  	v3 =	vld.idx.msk [tilespmem:v50+s14+$0x0], $0xffff  }
0x7d: {  	v52 =	vld.idx.msk [tilespmem:v51+s22+$0x0], $0xffff;
	_ =	sdelay $0x1  }
0x7e: {  	v53 =	vld [tilespmem:$0x13D10];
	_ =	sdelay $0x2  }
0x7f: {  	v3 =	vadd.f32 v52, v3;
	_ =	sdelay $0x1  }
0x80: {  	v3 =	vmul.f32 v3, v53;
	_ =	sdelay $0x1  }
0x81: {  	[tilespmem:$0x13D90] =	vst v3  }
0x82: {  	v3 =	vld.idx.msk [tilespmem:v50+s19+$0x0], $0xffff  }
0x83: {  	v54 =	vld.idx.msk [tilespmem:v51+s23+$0x0], $0xffff;
	_ =	sdelay $0x4  }
0x84: {  	v3 =	vadd.f32 v54, v3;
	_ =	sdelay $0x1  }
0x85: {  	v3 =	vmul.f32 v3, v53;
	_ =	sdelay $0x1  }
0x86: {  	[tilespmem:$0x13E10] =	vst v3  }
0x87: {  	v3 =	vld.idx.msk [tilespmem:v50+s20+$0x0], $0xffff  }
0x88: {  	v55 =	vld.idx.msk [tilespmem:v51+s24+$0x0], $0xffff;
	_ =	sdelay $0x4  }
0x89: {  	v3 =	vadd.f32 v55, v3;
	_ =	sdelay $0x1  }
0x8a: {  	v3 =	vmul.f32 v3, v53;
	_ =	sdelay $0x1  }
0x8b: {  	[tilespmem:$0x13E90] =	vst v3  }
0x8c: {  	v3 =	vld.idx.msk [tilespmem:v50+s21+$0x0], $0xffff  }
0x8d: {  	v56 =	vld.idx.msk [tilespmem:v51+s25+$0x0], $0xffff;
	_ =	sdelay $0x1  }
0x8e: {  	v57 =	vld [tilespmem:$0x13C18]  }
0x8f: {  	v58 =	vld [tilespmem:$0x13C98];
	_ =	sdelay $0x1  }
0x90: {  	v3 =	vadd.f32 v56, v3;
	_ =	sdelay $0x1  }
0x91: {  	v3 =	vmul.f32 v3, v53;
	_ =	sdelay $0x1  }
0x92: {  	[tilespmem:$0x13F10] =	vst v3  }
0x93: {  	v3 =	vld.idx.msk [tilespmem:v57+s14+$0x0], $0xffff  }
0x94: {  	v59 =	vld.idx.msk [tilespmem:v58+s22+$0x0], $0xffff;
	_ =	sdelay $0x1  }
0x95: {  	v60 =	vld [tilespmem:$0x13D18];
	_ =	sdelay $0x2  }
0x96: {  	v3 =	vadd.f32 v59, v3;
	_ =	sdelay $0x1  }
0x97: {  	v3 =	vmul.f32 v3, v60;
	_ =	sdelay $0x1  }
0x98: {  	[tilespmem:$0x13D98] =	vst v3  }
0x99: {  	v3 =	vld.idx.msk [tilespmem:v57+s19+$0x0], $0xffff  }
0x9a: {  	v61 =	vld.idx.msk [tilespmem:v58+s23+$0x0], $0xffff;
	_ =	sdelay $0x4  }
0x9b: {  	v3 =	vadd.f32 v61, v3;
	_ =	sdelay $0x1  }
0x9c: {  	v3 =	vmul.f32 v3, v60;
	_ =	sdelay $0x1  }
0x9d: {  	[tilespmem:$0x13E18] =	vst v3  }
0x9e: {  	v3 =	vld.idx.msk [tilespmem:v57+s20+$0x0], $0xffff  }
0x9f: {  	v62 =	vld.idx.msk [tilespmem:v58+s24+$0x0], $0xffff;
	_ =	sdelay $0x4  }
0xa0: {  	v3 =	vadd.f32 v62, v3;
	_ =	sdelay $0x1  }
0xa1: {  	v3 =	vmul.f32 v3, v60;
	_ =	sdelay $0x1  }
0xa2: {  	[tilespmem:$0x13E98] =	vst v3  }
0xa3: {  	v3 =	vld.idx.msk [tilespmem:v57+s21+$0x0], $0xffff  }
0xa4: {  	v63 =	vld.idx.msk [tilespmem:v58+s25+$0x0], $0xffff;
	_ =	sdelay $0x4  }
0xa5: {  	v3 =	vadd.f32 v63, v3;
	_ =	sdelay $0x1  }
0xa6: {  	v3 =	vmul.f32 v3, v60;
	_ =	sdelay $0x1  }
0xa7: {  	[tilespmem:$0x13F18] =	vst v3  }
0xa8: {  	_ =	swait.ge [sflag:s9], $0x2800  }
0xa9: {  	[sflag:s9] =	ssyncset.done $0x0  }
0xaa: {  	[sflag:s9] =	ssyncadd.s32 $0xFFFFD800  }
.LBB2_3:
0xab: {  	v3 =	vmov s14  }
0xac: {  	v3 =	vand.u32 $0xFFFFFFF8, v3  }
0xad: {  	v3 =	vbroadcast v3, $0x0;
	_ =	sdelay $0x2  }
0xae: {  	s2 =	sshll.u32 s14, $0x8  }
0xaf: {  	s2 =	sand.u32 $0x3FFFFF00, s2  }
0xb0: {  	v5 =	vld [tilespmem:s2+$0x13F80]  }
0xb1: {  	v4 =	vld.idx.msk [tilespmem:v3+s10+$0x0], $0xffff  }
0xb2: {  	v6 =	vld [tilespmem:s2+$0x13F90]  }
0xb3: {  	v7 =	vld [tilespmem:s2+$0x13FA0]  }
0xb4: {  	v8 =	vld [tilespmem:s2+$0x13FB0];
	_ =	sdelay $0x1  }
0xb5: {  	v5 =	vmul.f32 v5, v4  }
0xb6: {  	v6 =	vmul.f32 v6, v4  }
0xb7: {  	v60 =	vmul.f32 v7, v4;
	[tilespmem:s2+$0x13F80] =	vst v5  }
0xb8: {  	v4 =	vmul.f32 v8, v4;
	[tilespmem:s2+$0x13F90] =	vst v6  }
0xb9: {  	[tilespmem:s2+$0x13FA0] =	vst v60  }
0xba: {  	v61 =	vld [tilespmem:s2+$0x13FC0];
	[tilespmem:s2+$0x13FB0] =	vst v4  }
0xbb: {  	v4 =	vld.idx.msk [tilespmem:v3+s11+$0x0], $0xffff  }
0xbc: {  	v62 =	vld [tilespmem:s2+$0x13FD0]  }
0xbd: {  	v63 =	vld [tilespmem:s2+$0x13FE0]  }
0xbe: {  	v12 =	vld [tilespmem:s2+$0x13FF0];
	_ =	sdelay $0x1  }
0xbf: {  	v5 =	vmul.f32 v61, v4  }
0xc0: {  	v6 =	vmul.f32 v62, v4  }
0xc1: {  	v13 =	vmul.f32 v63, v4;
	[tilespmem:s2+$0x13FC0] =	vst v5  }
0xc2: {  	v4 =	vmul.f32 v12, v4;
	[tilespmem:s2+$0x13FD0] =	vst v6  }
0xc3: {  	[tilespmem:s2+$0x13FE0] =	vst v13  }
0xc4: {  	v14 =	vld [tilespmem:s2+$0x14380];
	[tilespmem:s2+$0x13FF0] =	vst v4  }
0xc5: {  	v4 =	vld.idx.msk [tilespmem:v3+s12+$0x0], $0xffff  }
0xc6: {  	v15 =	vld [tilespmem:s2+$0x14390]  }
0xc7: {  	v16 =	vld [tilespmem:s2+$0x143A0]  }
0xc8: {  	v17 =	vld [tilespmem:s2+$0x143B0];
	_ =	sdelay $0x1  }
0xc9: {  	v5 =	vmul.f32 v14, v4  }
0xca: {  	v6 =	vmul.f32 v15, v4  }
0xcb: {  	v18 =	vmul.f32 v16, v4;
	[tilespmem:s2+$0x14380] =	vst v5  }
0xcc: {  	v4 =	vmul.f32 v17, v4;
	[tilespmem:s2+$0x14390] =	vst v6  }
0xcd: {  	[tilespmem:s2+$0x143A0] =	vst v18  }
0xce: {  	v19 =	vld [tilespmem:s2+$0x143C0];
	[tilespmem:s2+$0x143B0] =	vst v4  }
0xcf: {  	v3 =	vld.idx.msk [tilespmem:v3+s13+$0x0], $0xffff  }
0xd0: {  	v20 =	vld [tilespmem:s2+$0x143D0]  }
0xd1: {  	s26 =	sor.u32 $0x1, s14;
	v21 =	vld [tilespmem:s2+$0x143E0]  }
0xd2: {  	v23 =	vmov s26;
	v22 =	vld [tilespmem:s2+$0x143F0]  }
0xd3: {  	v8 =	vand.u32 $0xFFFFFFF9, v23  }
0xd4: {  	v8 =	vbroadcast v8, $0x0;
	v4 =	vmul.f32 v19, v3  }
0xd5: {  	v5 =	vmul.f32 v20, v3  }
0xd6: {  	v24 =	vmul.f32 v21, v3;
	[tilespmem:s2+$0x143C0] =	vst v4  }
0xd7: {  	v3 =	vmul.f32 v22, v3;
	[tilespmem:s2+$0x143D0] =	vst v5  }
0xd8: {  	[tilespmem:s2+$0x143E0] =	vst v24  }
0xd9: {  	v25 =	vld [tilespmem:s2+$0x14000];
	[tilespmem:s2+$0x143F0] =	vst v3  }
0xda: {  	v3 =	vld.idx.msk [tilespmem:v8+s10+$0x0], $0xffff  }
0xdb: {  	v26 =	vld [tilespmem:s2+$0x14010]  }
0xdc: {  	v27 =	vld [tilespmem:s2+$0x14020]  }
0xdd: {  	v28 =	vld [tilespmem:s2+$0x14030];
	_ =	sdelay $0x1  }
0xde: {  	v4 =	vmul.f32 v25, v3  }
0xdf: {  	v5 =	vmul.f32 v26, v3  }
0xe0: {  	v29 =	vmul.f32 v27, v3;
	[tilespmem:s2+$0x14000] =	vst v4  }
0xe1: {  	v3 =	vmul.f32 v28, v3;
	[tilespmem:s2+$0x14010] =	vst v5  }
0xe2: {  	[tilespmem:s2+$0x14020] =	vst v29  }
0xe3: {  	v30 =	vld [tilespmem:s2+$0x14040];
	[tilespmem:s2+$0x14030] =	vst v3  }
0xe4: {  	v3 =	vld.idx.msk [tilespmem:v8+s11+$0x0], $0xffff  }
0xe5: {  	v31 =	vld [tilespmem:s2+$0x14050]  }
0xe6: {  	v32 =	vld [tilespmem:s2+$0x14060]  }
0xe7: {  	v33 =	vld [tilespmem:s2+$0x14070];
	_ =	sdelay $0x1  }
0xe8: {  	v4 =	vmul.f32 v30, v3  }
0xe9: {  	v5 =	vmul.f32 v31, v3  }
0xea: {  	v34 =	vmul.f32 v32, v3;
	[tilespmem:s2+$0x14040] =	vst v4  }
0xeb: {  	v3 =	vmul.f32 v33, v3;
	[tilespmem:s2+$0x14050] =	vst v5  }
0xec: {  	[tilespmem:s2+$0x14060] =	vst v34  }
0xed: {  	v35 =	vld [tilespmem:s2+$0x14400];
	[tilespmem:s2+$0x14070] =	vst v3  }
0xee: {  	v3 =	vld.idx.msk [tilespmem:v8+s12+$0x0], $0xffff  }
0xef: {  	v36 =	vld [tilespmem:s2+$0x14410]  }
0xf0: {  	v37 =	vld [tilespmem:s2+$0x14420]  }
0xf1: {  	v38 =	vld [tilespmem:s2+$0x14430];
	_ =	sdelay $0x1  }
0xf2: {  	v4 =	vmul.f32 v35, v3  }
0xf3: {  	v5 =	vmul.f32 v36, v3  }
0xf4: {  	v39 =	vmul.f32 v37, v3;
	[tilespmem:s2+$0x14400] =	vst v4  }
0xf5: {  	v3 =	vmul.f32 v38, v3;
	[tilespmem:s2+$0x14410] =	vst v5  }
0xf6: {  	[tilespmem:s2+$0x14420] =	vst v39  }
0xf7: {  	v40 =	vld [tilespmem:s2+$0x14440];
	[tilespmem:s2+$0x14430] =	vst v3  }
0xf8: {  	v3 =	vld.idx.msk [tilespmem:v8+s13+$0x0], $0xffff  }
0xf9: {  	v41 =	vld [tilespmem:s2+$0x14450]  }
0xfa: {  	s28 =	sor.u32 $0x2, s14;
	v42 =	vld [tilespmem:s2+$0x14460]  }
0xfb: {  	v44 =	vmov s28;
	v43 =	vld [tilespmem:s2+$0x14470]  }
0xfc: {  	v8 =	vand.u32 $0xFFFFFFFA, v44  }
0xfd: {  	v8 =	vbroadcast v8, $0x0;
	v4 =	vmul.f32 v40, v3  }
0xfe: {  	v5 =	vmul.f32 v41, v3  }
0xff: {  	v45 =	vmul.f32 v42, v3;
	[tilespmem:s2+$0x14440] =	vst v4  }
0x100: {  	v3 =	vmul.f32 v43, v3;
	[tilespmem:s2+$0x14450] =	vst v5  }
0x101: {  	[tilespmem:s2+$0x14460] =	vst v45  }
0x102: {  	v46 =	vld [tilespmem:s2+$0x14080];
	[tilespmem:s2+$0x14470] =	vst v3  }
0x103: {  	v3 =	vld.idx.msk [tilespmem:v8+s10+$0x0], $0xffff  }
0x104: {  	v47 =	vld [tilespmem:s2+$0x14090]  }
0x105: {  	v48 =	vld [tilespmem:s2+$0x140A0]  }
0x106: {  	v49 =	vld [tilespmem:s2+$0x140B0];
	_ =	sdelay $0x1  }
0x107: {  	v4 =	vmul.f32 v46, v3  }
0x108: {  	v5 =	vmul.f32 v47, v3  }
0x109: {  	v50 =	vmul.f32 v48, v3;
	[tilespmem:s2+$0x14080] =	vst v4  }
0x10a: {  	v3 =	vmul.f32 v49, v3;
	[tilespmem:s2+$0x14090] =	vst v5  }
0x10b: {  	[tilespmem:s2+$0x140A0] =	vst v50  }
0x10c: {  	v51 =	vld [tilespmem:s2+$0x140C0];
	[tilespmem:s2+$0x140B0] =	vst v3  }
0x10d: {  	v3 =	vld.idx.msk [tilespmem:v8+s11+$0x0], $0xffff  }
0x10e: {  	v52 =	vld [tilespmem:s2+$0x140D0]  }
0x10f: {  	v53 =	vld [tilespmem:s2+$0x140E0]  }
0x110: {  	v54 =	vld [tilespmem:s2+$0x140F0];
	_ =	sdelay $0x1  }
0x111: {  	v4 =	vmul.f32 v51, v3  }
0x112: {  	v5 =	vmul.f32 v52, v3  }
0x113: {  	v55 =	vmul.f32 v53, v3;
	[tilespmem:s2+$0x140C0] =	vst v4  }
0x114: {  	v3 =	vmul.f32 v54, v3;
	[tilespmem:s2+$0x140D0] =	vst v5  }
0x115: {  	[tilespmem:s2+$0x140E0] =	vst v55  }
0x116: {  	v56 =	vld [tilespmem:s2+$0x14480];
	[tilespmem:s2+$0x140F0] =	vst v3  }
0x117: {  	v3 =	vld.idx.msk [tilespmem:v8+s12+$0x0], $0xffff  }
0x118: {  	v57 =	vld [tilespmem:s2+$0x14490]  }
0x119: {  	v58 =	vld [tilespmem:s2+$0x144A0]  }
0x11a: {  	v59 =	vld [tilespmem:s2+$0x144B0];
	_ =	sdelay $0x1  }
0x11b: {  	v4 =	vmul.f32 v56, v3  }
0x11c: {  	v5 =	vmul.f32 v57, v3  }
0x11d: {  	v60 =	vmul.f32 v58, v3;
	[tilespmem:s2+$0x14480] =	vst v4  }
0x11e: {  	v3 =	vmul.f32 v59, v3;
	[tilespmem:s2+$0x14490] =	vst v5  }
0x11f: {  	[tilespmem:s2+$0x144A0] =	vst v60  }
0x120: {  	v61 =	vld [tilespmem:s2+$0x144C0];
	[tilespmem:s2+$0x144B0] =	vst v3  }
0x121: {  	v3 =	vld.idx.msk [tilespmem:v8+s13+$0x0], $0xffff  }
0x122: {  	v62 =	vld [tilespmem:s2+$0x144D0]  }
0x123: {  	s28 =	sor.u32 $0x3, s14;
	v63 =	vld [tilespmem:s2+$0x144E0]  }
0x124: {  	v12 =	vld [tilespmem:s2+$0x144F0];
	v13 =	vmov s28  }
0x125: {  	v8 =	vand.u32 $0xFFFFFFFB, v13  }
0x126: {  	v8 =	vbroadcast v8, $0x0;
	v4 =	vmul.f32 v61, v3  }
0x127: {  	v5 =	vmul.f32 v62, v3  }
0x128: {  	v14 =	vmul.f32 v63, v3;
	[tilespmem:s2+$0x144C0] =	vst v4  }
0x129: {  	v3 =	vmul.f32 v12, v3;
	[tilespmem:s2+$0x144D0] =	vst v5  }
0x12a: {  	[tilespmem:s2+$0x144E0] =	vst v14  }
0x12b: {  	v15 =	vld [tilespmem:s2+$0x14100];
	[tilespmem:s2+$0x144F0] =	vst v3  }
0x12c: {  	v3 =	vld.idx.msk [tilespmem:v8+s10+$0x0], $0xffff  }
0x12d: {  	v16 =	vld [tilespmem:s2+$0x14110]  }
0x12e: {  	v17 =	vld [tilespmem:s2+$0x14120]  }
0x12f: {  	v18 =	vld [tilespmem:s2+$0x14130];
	_ =	sdelay $0x1  }
0x130: {  	v4 =	vmul.f32 v15, v3  }
0x131: {  	v5 =	vmul.f32 v16, v3  }
0x132: {  	v19 =	vmul.f32 v17, v3;
	[tilespmem:s2+$0x14100] =	vst v4  }
0x133: {  	v3 =	vmul.f32 v18, v3;
	[tilespmem:s2+$0x14110] =	vst v5  }
0x134: {  	[tilespmem:s2+$0x14120] =	vst v19  }
0x135: {  	v20 =	vld [tilespmem:s2+$0x14140];
	[tilespmem:s2+$0x14130] =	vst v3  }
0x136: {  	v3 =	vld.idx.msk [tilespmem:v8+s11+$0x0], $0xffff  }
0x137: {  	v21 =	vld [tilespmem:s2+$0x14150]  }
0x138: {  	v22 =	vld [tilespmem:s2+$0x14160]  }
0x139: {  	v23 =	vld [tilespmem:s2+$0x14170];
	_ =	sdelay $0x1  }
0x13a: {  	v4 =	vmul.f32 v20, v3  }
0x13b: {  	v5 =	vmul.f32 v21, v3  }
0x13c: {  	v24 =	vmul.f32 v22, v3;
	[tilespmem:s2+$0x14140] =	vst v4  }
0x13d: {  	v3 =	vmul.f32 v23, v3;
	[tilespmem:s2+$0x14150] =	vst v5  }
0x13e: {  	[tilespmem:s2+$0x14160] =	vst v24  }
0x13f: {  	v25 =	vld [tilespmem:s2+$0x14500];
	[tilespmem:s2+$0x14170] =	vst v3  }
0x140: {  	v3 =	vld.idx.msk [tilespmem:v8+s12+$0x0], $0xffff  }
0x141: {  	v26 =	vld [tilespmem:s2+$0x14510]  }
0x142: {  	v27 =	vld [tilespmem:s2+$0x14520]  }
0x143: {  	v28 =	vld [tilespmem:s2+$0x14530];
	_ =	sdelay $0x1  }
0x144: {  	v4 =	vmul.f32 v25, v3  }
0x145: {  	v5 =	vmul.f32 v26, v3  }
0x146: {  	v29 =	vmul.f32 v27, v3;
	[tilespmem:s2+$0x14500] =	vst v4  }
0x147: {  	v3 =	vmul.f32 v28, v3;
	[tilespmem:s2+$0x14510] =	vst v5  }
0x148: {  	[tilespmem:s2+$0x14520] =	vst v29  }
0x149: {  	v30 =	vld [tilespmem:s2+$0x14540];
	[tilespmem:s2+$0x14530] =	vst v3  }
0x14a: {  	v3 =	vld.idx.msk [tilespmem:v8+s13+$0x0], $0xffff  }
0x14b: {  	v31 =	vld [tilespmem:s2+$0x14550]  }
0x14c: {  	s28 =	sor.u32 $0x4, s14;
	v32 =	vld [tilespmem:s2+$0x14560]  }
0x14d: {  	v33 =	vld [tilespmem:s2+$0x14570];
	v34 =	vmov s28  }
0x14e: {  	v8 =	vand.u32 $0xFFFFFFFC, v34  }
0x14f: {  	v8 =	vbroadcast v8, $0x0;
	v4 =	vmul.f32 v30, v3  }
0x150: {  	v5 =	vmul.f32 v31, v3  }
0x151: {  	v35 =	vmul.f32 v32, v3;
	[tilespmem:s2+$0x14540] =	vst v4  }
0x152: {  	v3 =	vmul.f32 v33, v3;
	[tilespmem:s2+$0x14550] =	vst v5  }
0x153: {  	[tilespmem:s2+$0x14560] =	vst v35  }
0x154: {  	v36 =	vld [tilespmem:s2+$0x14180];
	[tilespmem:s2+$0x14570] =	vst v3  }
0x155: {  	v3 =	vld.idx.msk [tilespmem:v8+s10+$0x0], $0xffff  }
0x156: {  	v37 =	vld [tilespmem:s2+$0x14190]  }
0x157: {  	v38 =	vld [tilespmem:s2+$0x141A0]  }
0x158: {  	v39 =	vld [tilespmem:s2+$0x141B0];
	_ =	sdelay $0x1  }
0x159: {  	v4 =	vmul.f32 v36, v3  }
0x15a: {  	v5 =	vmul.f32 v37, v3  }
0x15b: {  	v40 =	vmul.f32 v38, v3;
	[tilespmem:s2+$0x14180] =	vst v4  }
0x15c: {  	v3 =	vmul.f32 v39, v3;
	[tilespmem:s2+$0x14190] =	vst v5  }
0x15d: {  	[tilespmem:s2+$0x141A0] =	vst v40  }
0x15e: {  	v41 =	vld [tilespmem:s2+$0x141C0];
	[tilespmem:s2+$0x141B0] =	vst v3  }
0x15f: {  	v3 =	vld.idx.msk [tilespmem:v8+s11+$0x0], $0xffff  }
0x160: {  	v42 =	vld [tilespmem:s2+$0x141D0]  }
0x161: {  	v43 =	vld [tilespmem:s2+$0x141E0]  }
0x162: {  	v44 =	vld [tilespmem:s2+$0x141F0];
	_ =	sdelay $0x1  }
0x163: {  	v4 =	vmul.f32 v41, v3  }
0x164: {  	v5 =	vmul.f32 v42, v3  }
0x165: {  	v45 =	vmul.f32 v43, v3;
	[tilespmem:s2+$0x141C0] =	vst v4  }
0x166: {  	v3 =	vmul.f32 v44, v3;
	[tilespmem:s2+$0x141D0] =	vst v5  }
0x167: {  	[tilespmem:s2+$0x141E0] =	vst v45  }
0x168: {  	v46 =	vld [tilespmem:s2+$0x14580];
	[tilespmem:s2+$0x141F0] =	vst v3  }
0x169: {  	v3 =	vld.idx.msk [tilespmem:v8+s12+$0x0], $0xffff  }
0x16a: {  	v47 =	vld [tilespmem:s2+$0x14590]  }
0x16b: {  	v48 =	vld [tilespmem:s2+$0x145A0]  }
0x16c: {  	v49 =	vld [tilespmem:s2+$0x145B0];
	_ =	sdelay $0x1  }
0x16d: {  	v4 =	vmul.f32 v46, v3  }
0x16e: {  	v5 =	vmul.f32 v47, v3  }
0x16f: {  	v50 =	vmul.f32 v48, v3;
	[tilespmem:s2+$0x14580] =	vst v4  }
0x170: {  	v3 =	vmul.f32 v49, v3;
	[tilespmem:s2+$0x14590] =	vst v5  }
0x171: {  	[tilespmem:s2+$0x145A0] =	vst v50  }
0x172: {  	v51 =	vld [tilespmem:s2+$0x145C0];
	[tilespmem:s2+$0x145B0] =	vst v3  }
0x173: {  	v3 =	vld.idx.msk [tilespmem:v8+s13+$0x0], $0xffff  }
0x174: {  	v52 =	vld [tilespmem:s2+$0x145D0]  }
0x175: {  	s28 =	sor.u32 $0x5, s14;
	v53 =	vld [tilespmem:s2+$0x145E0]  }
0x176: {  	v54 =	vld [tilespmem:s2+$0x145F0];
	v55 =	vmov s28  }
0x177: {  	v8 =	vand.u32 $0xFFFFFFFD, v55  }
0x178: {  	v8 =	vbroadcast v8, $0x0;
	v4 =	vmul.f32 v51, v3  }
0x179: {  	v5 =	vmul.f32 v52, v3  }
0x17a: {  	v56 =	vmul.f32 v53, v3;
	[tilespmem:s2+$0x145C0] =	vst v4  }
0x17b: {  	v3 =	vmul.f32 v54, v3;
	[tilespmem:s2+$0x145D0] =	vst v5  }
0x17c: {  	[tilespmem:s2+$0x145E0] =	vst v56  }
0x17d: {  	v57 =	vld [tilespmem:s2+$0x14200];
	[tilespmem:s2+$0x145F0] =	vst v3  }
0x17e: {  	v3 =	vld.idx.msk [tilespmem:v8+s10+$0x0], $0xffff  }
0x17f: {  	v58 =	vld [tilespmem:s2+$0x14210]  }
0x180: {  	v59 =	vld [tilespmem:s2+$0x14220]  }
0x181: {  	v60 =	vld [tilespmem:s2+$0x14230];
	_ =	sdelay $0x1  }
0x182: {  	v4 =	vmul.f32 v57, v3  }
0x183: {  	v5 =	vmul.f32 v58, v3  }
0x184: {  	v61 =	vmul.f32 v59, v3;
	[tilespmem:s2+$0x14200] =	vst v4  }
0x185: {  	v3 =	vmul.f32 v60, v3;
	[tilespmem:s2+$0x14210] =	vst v5  }
0x186: {  	[tilespmem:s2+$0x14220] =	vst v61  }
0x187: {  	v62 =	vld [tilespmem:s2+$0x14240];
	[tilespmem:s2+$0x14230] =	vst v3  }
0x188: {  	v3 =	vld.idx.msk [tilespmem:v8+s11+$0x0], $0xffff  }
0x189: {  	v63 =	vld [tilespmem:s2+$0x14250]  }
0x18a: {  	v9 =	vld [tilespmem:s2+$0x14260]  }
0x18b: {  	v10 =	vld [tilespmem:s2+$0x14270];
	_ =	sdelay $0x1  }
0x18c: {  	v4 =	vmul.f32 v62, v3  }
0x18d: {  	v5 =	vmul.f32 v63, v3  }
0x18e: {  	v11 =	vmul.f32 v9, v3;
	[tilespmem:s2+$0x14240] =	vst v4  }
0x18f: {  	v3 =	vmul.f32 v10, v3;
	[tilespmem:s2+$0x14250] =	vst v5  }
0x190: {  	[tilespmem:s2+$0x14260] =	vst v11  }
0x191: {  	v12 =	vld [tilespmem:s2+$0x14600];
	[tilespmem:s2+$0x14270] =	vst v3  }
0x192: {  	v3 =	vld.idx.msk [tilespmem:v8+s12+$0x0], $0xffff  }
0x193: {  	v13 =	vld [tilespmem:s2+$0x14610]  }
0x194: {  	v14 =	vld [tilespmem:s2+$0x14620]  }
0x195: {  	v15 =	vld [tilespmem:s2+$0x14630];
	_ =	sdelay $0x1  }
0x196: {  	v4 =	vmul.f32 v12, v3  }
0x197: {  	v5 =	vmul.f32 v13, v3  }
0x198: {  	v16 =	vmul.f32 v14, v3;
	[tilespmem:s2+$0x14600] =	vst v4  }
0x199: {  	v3 =	vmul.f32 v15, v3;
	[tilespmem:s2+$0x14610] =	vst v5  }
0x19a: {  	[tilespmem:s2+$0x14620] =	vst v16  }
0x19b: {  	v17 =	vld [tilespmem:s2+$0x14640];
	[tilespmem:s2+$0x14630] =	vst v3  }
0x19c: {  	v3 =	vld.idx.msk [tilespmem:v8+s13+$0x0], $0xffff  }
0x19d: {  	v18 =	vld [tilespmem:s2+$0x14650]  }
0x19e: {  	s28 =	sor.u32 $0x6, s14;
	v19 =	vld [tilespmem:s2+$0x14660]  }
0x19f: {  	v20 =	vld [tilespmem:s2+$0x14670];
	v21 =	vmov s28  }
0x1a0: {  	v8 =	vand.u32 $0xFFFFFFFE, v21  }
0x1a1: {  	v8 =	vbroadcast v8, $0x0;
	v4 =	vmul.f32 v17, v3  }
0x1a2: {  	v5 =	vmul.f32 v18, v3  }
0x1a3: {  	v22 =	vmul.f32 v19, v3;
	[tilespmem:s2+$0x14640] =	vst v4  }
0x1a4: {  	v3 =	vmul.f32 v20, v3;
	[tilespmem:s2+$0x14650] =	vst v5  }
0x1a5: {  	[tilespmem:s2+$0x14660] =	vst v22  }
0x1a6: {  	v23 =	vld [tilespmem:s2+$0x14280];
	[tilespmem:s2+$0x14670] =	vst v3  }
0x1a7: {  	v3 =	vld.idx.msk [tilespmem:v8+s10+$0x0], $0xffff  }
0x1a8: {  	v24 =	vld [tilespmem:s2+$0x14290]  }
0x1a9: {  	v25 =	vld [tilespmem:s2+$0x142A0]  }
0x1aa: {  	v26 =	vld [tilespmem:s2+$0x142B0];
	_ =	sdelay $0x1  }
0x1ab: {  	v4 =	vmul.f32 v23, v3  }
0x1ac: {  	v5 =	vmul.f32 v24, v3  }
0x1ad: {  	v27 =	vmul.f32 v25, v3;
	[tilespmem:s2+$0x14280] =	vst v4  }
0x1ae: {  	v3 =	vmul.f32 v26, v3;
	[tilespmem:s2+$0x14290] =	vst v5  }
0x1af: {  	[tilespmem:s2+$0x142A0] =	vst v27  }
0x1b0: {  	v28 =	vld [tilespmem:s2+$0x142C0];
	[tilespmem:s2+$0x142B0] =	vst v3  }
0x1b1: {  	v3 =	vld.idx.msk [tilespmem:v8+s11+$0x0], $0xffff  }
0x1b2: {  	v29 =	vld [tilespmem:s2+$0x142D0]  }
0x1b3: {  	v30 =	vld [tilespmem:s2+$0x142E0]  }
0x1b4: {  	v31 =	vld [tilespmem:s2+$0x142F0];
	_ =	sdelay $0x1  }
0x1b5: {  	v4 =	vmul.f32 v28, v3  }
0x1b6: {  	v5 =	vmul.f32 v29, v3  }
0x1b7: {  	v32 =	vmul.f32 v30, v3;
	[tilespmem:s2+$0x142C0] =	vst v4  }
0x1b8: {  	v3 =	vmul.f32 v31, v3;
	[tilespmem:s2+$0x142D0] =	vst v5  }
0x1b9: {  	[tilespmem:s2+$0x142E0] =	vst v32  }
0x1ba: {  	v33 =	vld [tilespmem:s2+$0x14680];
	[tilespmem:s2+$0x142F0] =	vst v3  }
0x1bb: {  	v3 =	vld.idx.msk [tilespmem:v8+s12+$0x0], $0xffff  }
0x1bc: {  	v34 =	vld [tilespmem:s2+$0x14690]  }
0x1bd: {  	v35 =	vld [tilespmem:s2+$0x146A0]  }
0x1be: {  	v36 =	vld [tilespmem:s2+$0x146B0];
	_ =	sdelay $0x1  }
0x1bf: {  	v4 =	vmul.f32 v33, v3  }
0x1c0: {  	v5 =	vmul.f32 v34, v3  }
0x1c1: {  	v37 =	vmul.f32 v35, v3;
	[tilespmem:s2+$0x14680] =	vst v4  }
0x1c2: {  	v3 =	vmul.f32 v36, v3;
	[tilespmem:s2+$0x14690] =	vst v5  }
0x1c3: {  	[tilespmem:s2+$0x146A0] =	vst v37  }
0x1c4: {  	v38 =	vld [tilespmem:s2+$0x146C0];
	[tilespmem:s2+$0x146B0] =	vst v3  }
0x1c5: {  	v3 =	vld.idx.msk [tilespmem:v8+s13+$0x0], $0xffff  }
0x1c6: {  	v39 =	vld [tilespmem:s2+$0x146D0]  }
0x1c7: {  	v40 =	vld [tilespmem:s2+$0x146E0]  }
0x1c8: {  	v41 =	vld [tilespmem:s2+$0x146F0];
	_ =	sdelay $0x1  }
0x1c9: {  	s28 =	sor.u32 $0x7, s14;
	v4 =	vmul.f32 v38, v3  }
0x1ca: {  	v42 =	vmov s28;
	v5 =	vmul.f32 v39, v3  }
0x1cb: {  	v43 =	vmul.f32 v40, v3;
	[tilespmem:s2+$0x146C0] =	vst v4  }
0x1cc: {  	v3 =	vmul.f32 v41, v3;
	[tilespmem:s2+$0x146D0] =	vst v5  }
0x1cd: {  	[tilespmem:s2+$0x146E0] =	vst v43  }
0x1ce: {  	v44 =	vld [tilespmem:s2+$0x14300];
	[tilespmem:s2+$0x146F0] =	vst v3  }
0x1cf: {  	v3 =	vld.idx.msk [tilespmem:v42+s10+$0x0], $0xffff  }
0x1d0: {  	v45 =	vld [tilespmem:s2+$0x14310]  }
0x1d1: {  	v46 =	vld [tilespmem:s2+$0x14320]  }
0x1d2: {  	v47 =	vld [tilespmem:s2+$0x14330];
	_ =	sdelay $0x1  }
0x1d3: {  	v4 =	vmul.f32 v44, v3  }
0x1d4: {  	v5 =	vmul.f32 v45, v3  }
0x1d5: {  	v48 =	vmul.f32 v46, v3;
	[tilespmem:s2+$0x14300] =	vst v4  }
0x1d6: {  	v3 =	vmul.f32 v47, v3;
	[tilespmem:s2+$0x14310] =	vst v5  }
0x1d7: {  	[tilespmem:s2+$0x14320] =	vst v48  }
0x1d8: {  	v49 =	vld [tilespmem:s2+$0x14340];
	[tilespmem:s2+$0x14330] =	vst v3  }
0x1d9: {  	v3 =	vld.idx.msk [tilespmem:v42+s11+$0x0], $0xffff  }
0x1da: {  	v50 =	vld [tilespmem:s2+$0x14350]  }
0x1db: {  	v51 =	vld [tilespmem:s2+$0x14360]  }
0x1dc: {  	v52 =	vld [tilespmem:s2+$0x14370];
	_ =	sdelay $0x1  }
0x1dd: {  	v4 =	vmul.f32 v49, v3  }
0x1de: {  	v5 =	vmul.f32 v50, v3  }
0x1df: {  	v53 =	vmul.f32 v51, v3;
	[tilespmem:s2+$0x14340] =	vst v4  }
0x1e0: {  	v3 =	vmul.f32 v52, v3;
	[tilespmem:s2+$0x14350] =	vst v5  }
0x1e1: {  	[tilespmem:s2+$0x14360] =	vst v53  }
0x1e2: {  	v54 =	vld [tilespmem:s2+$0x14700];
	[tilespmem:s2+$0x14370] =	vst v3  }
0x1e3: {  	v3 =	vld.idx.msk [tilespmem:v42+s12+$0x0], $0xffff  }
0x1e4: {  	v55 =	vld [tilespmem:s2+$0x14710]  }
0x1e5: {  	v56 =	vld [tilespmem:s2+$0x14720]  }
0x1e6: {  	v57 =	vld [tilespmem:s2+$0x14730];
	_ =	sdelay $0x1  }
0x1e7: {  	v4 =	vmul.f32 v54, v3  }
0x1e8: {  	v5 =	vmul.f32 v55, v3  }
0x1e9: {  	v58 =	vmul.f32 v56, v3;
	[tilespmem:s2+$0x14700] =	vst v4  }
0x1ea: {  	v3 =	vmul.f32 v57, v3;
	[tilespmem:s2+$0x14710] =	vst v5  }
0x1eb: {  	[tilespmem:s2+$0x14720] =	vst v58  }
0x1ec: {  	v59 =	vld [tilespmem:s2+$0x14740];
	[tilespmem:s2+$0x14730] =	vst v3  }
0x1ed: {  	v3 =	vld.idx.msk [tilespmem:v42+s13+$0x0], $0xffff  }
0x1ee: {  	v60 =	vld [tilespmem:s2+$0x14750]  }
0x1ef: {  	v61 =	vld [tilespmem:s2+$0x14760]  }
0x1f0: {  	v62 =	vld [tilespmem:s2+$0x14770];
	_ =	sdelay $0x1  }
0x1f1: {  	p0 =	slt.u32 s14, $0x20;
	v4 =	vmul.f32 v59, v3  }
.Ltmp0:
0x1f2: {  	v5 =	vmul.f32 v60, v3;
	(pc) =	sbr.rel @p0 .LBB2_3-.Ltmp0, $4  }
0x1f3: {  	v63 =	vmul.f32 v61, v3;
	[tilespmem:s2+$0x14740] =	vst v4  }
0x1f4: {  	v3 =	vmul.f32 v62, v3;
	[tilespmem:s2+$0x14750] =	vst v5  }
0x1f5: {  	s28 =	sadd.s32 $0x8, s14;
	[tilespmem:s2+$0x14760] =	vst v63  }
0x1f6: {  	s14 =	smov.u32 s28;
	[tilespmem:s2+$0x14770] =	vst v3  }
0x1f7: {  	s15 =	sadd.s32 $0x1, s15  }
0x1f8: {  	s2 =	sshll.u32 s17, $0x5;
	p0 =	sne.s32 s15, $0x7D  }
.Ltmp1:
0x1f9: {  	s2 =	sadd.s32 s8, s2;
	(pc) =	sbr.rel @p0 .LBB2_2-.Ltmp1, $4  }
0x1fa: {  	[hbm4b:s2+s3] =	stream.linear.scatter [tilespmem:s30], [sflag:$0x2], $0x2800, $0x38;
	[tilespmem:$0x16780] =	vst v63  }
0x1fb: {  	_ =	swait.ge [sflag:s18], $0x2800  }
0x1fc: {  	[sflag:s18] =	ssyncset.done $0x0  }
0x1fd: {  	[sflag:s18] =	ssyncadd.s32 $0xFFFFD800  }
0x1fe: {  	s14 =	rddreg [dreg:$0xd]  }
0x1ff: {  	s2 =	rddreg [dreg:$0xc];
	s14 =	sadd.s32 $0x1, s14  }
0x200: {  	p0 =	sne.s32 s14, s2  }
.Ltmp2:
0x201: {  	_ = 	snop;
	(pc) =	sbr.rel @p0 .LBB2_1-.Ltmp2, $1  }
0x202: {  	_ =	sdelay $0x3  }
0x203: {  	_ =	sfence.sel $0x180000  }
0x204: {  	[bflag:$0x0] =	sbarrier.arrive $0xFFFF  }
0x205: {  	_ =	strace $0x90000047  }
0x206: {  	s0 =	stileid.u32;
	[bflag:$0x2] =	sbarrier.arrive $0xFFFF  }
0x207: {  	p0 =	sne.s32 s0, $0x0;
	s0 =	rddreg [dreg:$0x3]  }
0x208: {  	s0 =	sadd.s32 @!p0 $0x100000, s0  }
0x209: {  	[sflag:s0] =	ssyncadd.tile.s32 @!p0 $0x1;
	_ =	shalt  }
.Lfunc_end2:
_tile_overlayer_lowered:
.L_overlay_start_2:
0x20a: {  	(tag) =	ssettag $0x2  }
0x20b: {  	s0 =	rddreg [dreg:$0x0];
	s2 =	stileid.u32  }
0x20c: {  	s1 =	rddreg [dreg:$0x1];
	p0 =	sne.s32 s2, $0x0  }
0x20d: {  	s3 =	rddreg [dreg:$0x2];
	[bflag:$0x3] =	sbarrier.arrive $0xFFFF;
	s2 =	simm.s32 @!p0 $0x1C02  }
0x20e: {  	[timem:s3], [sflag:s2] =	dma.local @!p0 [hbm:s0], s1  }
0x20f: {  	s0 =	simm.s32 @!p0 $0x2  }
0x210: {  	_ =	swait.ge @!p0 [sflag:s0], s1  }
0x211: {  	s1 =	ssub.s32 @!p0 $0x0, s1;
	[sflag:s0] =	ssyncset.done @!p0 $0x0  }
0x212: {  	[sflag:s0] =	ssyncadd.s32 @!p0 s1  }
0x213: {  	[bflag:$0x3] =	sbarrier.arrive $0xFFFF  }
0x214: {  	_ =	shalt  }

// kernel: scatter_offload_async_start
scs
__scs_entry_jumppad:
0x0: {  	(pc) =	sbr.rel $0x88, $3  }
0x1: {  	(tag) =	ssettag $0x0;
	lr =	simm.s32 $0x1  }
0x2: {  	[smem:$0x3F99] =	sst lr;
	_ =	strace $0xD0000000  }
0x3: {  	_ = 	snop  }
0x4: {  	_ = 	snop  }
0x5: {  	_ = 	snop  }
0x6: {  	_ = 	snop  }
0x7: {  	_ = 	snop  }
__scs_overlays_trampoline_lowered:
0x8: {  	[smem:$0x3FA8] =	sst s0  }
0x9: {  	[smem:$0x3FA9] =	sst s1  }
0xa: {  	[smem:$0x3FAA] =	sst s2  }
0xb: {  	[smem:$0x3FAB] =	sst s3  }
0xc: {  	[smem:$0x3FAC] =	sst s4  }
0xd: {  	[smem:$0x3FAD] =	sst s5  }
0xe: {  	[smem:$0x3FAE] =	sst s6  }
0xf: {  	[smem:$0x3FAF] =	sst s7  }
0x10: {  	[smem:$0x3FB0] =	sst s8  }
0x11: {  	[smem:$0x3FB1] =	sst s9;
	s0 =	simm.s32 @!p0 $0x0  }
0x12: {  	s1 =	sld [smem:$0x3F97];
	s0 =	simm.s32 @p0 $0x1  }
0x13: {  	[smem:$0x3FB2] =	sst s0;
	s0 =	simm.s32 @!p1 $0x0  }
0x14: {  	s2 =	sld [smem:$0x3F96];
	s0 =	simm.s32 @p1 $0x1  }
0x15: {  	[smem:$0x3FB3] =	sst s0;
	s0 =	simm.s32 @!p2 $0x0  }
0x16: {  	s3 =	sld [smem:$0x3FDB];
	s0 =	simm.s32 @p2 $0x1  }
0x17: {  	s4 =	simm.s32 $0x1BF5;
	[smem:$0x3FB5] =	sst s0  }
0x18: {  	s0 =	sld [smem:$0x3F98];
	_ =	swait.ge [sflag:s4], $0x0  }
0x19: {  	s7 =	sld [smem:$0x3F99]  }
0x1a: {  	s8 =	sadd.s32 $0xFFFFE003, lr  }
0x1b: {  	s9 =	sadd.s32 $0xFFFFFEF7, lr;
	s5 =	simm.s32 $0xFFFFFFFF;
	p2 =	slt.u32 s8, $0xFFFFF086  }
0x1c: {  	p1 =	slt.u32 s9, $0xF7A;
	s5 =	simm.s32 @!p2 $0x0  }
0x1d: {  	s5 =	simm.s32 @p1 $0x1;
	p0 =	seq.s32 s7, s2  }
0x1e: {  	s7 =	smul.u32 @!p0 $0xF7A, s2;
	p2 =	seq.s32 @!p0 s5, $0x0  }
0x1f: {  	s9 =	smul.u32 $0xF7A, s1;
	s8 =	simm.s32 @!p0 $0x1BF5;
	p2 =	por !p2, p0  }
0x20: {  	[sflag:s8] =	ssyncset.s32 @!p0 $0xFFFFF086;
	s6 =	sadd.s32 @!p0 s3, s7;
	s7 =	simm.s32 @!p0 $0x108  }
0x21: {  	s3 =	sadd.s32 s3, s9;
	s6 =	sadd.s32 @!p0 $0x88, s6;
	s7 =	simm.s32 @p2 $0x1082  }
0x22: {  	[simem:s7], [sflag:s8] =	dma.local @!p0 [hbm:s6], $0xF7A  }
0x23: {  	s9 =	sor.u32 $0xD0000000, s2;
	s6 =	simm.s32 $0x108;
	_ =	swait.ge @!p0 [sflag:s8], $0x0  }
0x24: {  	s3 =	sadd.s32 $0x88, s3;
	s6 =	simm.s32 @!p1 $0x1082;
	[sflag:s4] =	ssyncset.s32 $0xFFFFF086  }
0x25: {  	[simem:s6], [sflag:s4] =	dma.local [hbm:s3], $0xF7A  }
0x26: {  	[smem:$0x3F99] =	sst s1;
	(tag) =	ssettag s2;
	_ =	strace s9  }
0x27: {  	s1 =	sld [smem:$0x3FA9]  }
0x28: {  	s2 =	sld [smem:$0x3FAA]  }
0x29: {  	s4 =	sld [smem:$0x3FAC]  }
0x2a: {  	p0 =	seq.s32 s5, $0x0;
	s5 =	sld [smem:$0x3FAD]  }
0x2b: {  	s6 =	sld [smem:$0x3FAE]  }
0x2c: {  	s7 =	sld [smem:$0x3FAF]  }
0x2d: {  	s3 =	simm.s32 $0x108;
	s8 =	sld [smem:$0x3FB0]  }
0x2e: {  	s3 =	simm.s32 @!p0 $0x1082;
	s9 =	sld [smem:$0x3FB1]  }
0x2f: {  	lr =	sadd.s32 s0, s3;
	s0 =	sld [smem:$0x3FA8]  }
0x30: {  	s3 =	sld [smem:$0x3FAB]  }
0x31: {  	[smem:$0x3FB4] =	sst s10  }
0x32: {  	s10 =	sld [smem:$0x3FB2];
	_ =	sdelay $0x3  }
0x33: {  	p0 =	seq.s32 s10, $0x1;
	s10 =	sld [smem:$0x3FB4];
	_ =	sdelay $0x3  }
0x34: {  	[smem:$0x3FB4] =	sst s10  }
0x35: {  	s10 =	sld [smem:$0x3FB3];
	_ =	sdelay $0x3  }
0x36: {  	p1 =	seq.s32 s10, $0x1;
	s10 =	sld [smem:$0x3FB4];
	_ =	sdelay $0x3  }
0x37: {  	[smem:$0x3FB4] =	sst s10  }
0x38: {  	s10 =	sld [smem:$0x3FB5]  }
0x39: {  	_ = 	snop;
	(pc) =	sbr.ind lr, $3  }
0x3a: {  	_ = 	snop  }
0x3b: {  	_ = 	snop  }
0x3c: {  	p2 =	seq.s32 s10, $0x1;
	s10 =	sld [smem:$0x3FB4]  }
0x3d: {  	_ =	shalt  }
0x3e: {  	_ =	shalt  }
0x3f: {  	_ =	shalt  }
0x40: {  	_ =	shalt  }
0x41: {  	_ =	shalt  }
0x42: {  	_ =	shalt  }
0x43: {  	_ =	shalt  }
0x44: {  	_ =	shalt  }
0x45: {  	_ =	shalt  }
0x46: {  	_ =	shalt  }
0x47: {  	_ =	shalt  }
0x48: {  	_ =	shalt  }
0x49: {  	_ =	shalt  }
0x4a: {  	_ =	shalt  }
0x4b: {  	_ =	shalt  }
0x4c: {  	_ =	shalt  }
0x4d: {  	_ =	shalt  }
0x4e: {  	_ =	shalt  }
0x4f: {  	_ =	shalt  }
0x50: {  	_ =	shalt  }
0x51: {  	_ =	shalt  }
0x52: {  	_ =	shalt  }
0x53: {  	_ =	shalt  }
0x54: {  	_ =	shalt  }
0x55: {  	_ =	shalt  }
0x56: {  	_ =	shalt  }
0x57: {  	_ =	shalt  }
0x58: {  	_ =	shalt  }
0x59: {  	_ =	shalt  }
0x5a: {  	_ =	shalt  }
0x5b: {  	_ =	shalt  }
0x5c: {  	_ =	shalt  }
0x5d: {  	_ =	shalt  }
0x5e: {  	_ =	shalt  }
0x5f: {  	_ =	shalt  }
0x60: {  	_ =	shalt  }
0x61: {  	_ =	shalt  }
0x62: {  	_ =	shalt  }
0x63: {  	_ =	shalt  }
0x64: {  	_ =	shalt  }
0x65: {  	_ =	shalt  }
0x66: {  	_ =	shalt  }
0x67: {  	_ =	shalt  }
0x68: {  	_ =	shalt  }
0x69: {  	_ =	shalt  }
0x6a: {  	_ =	shalt  }
0x6b: {  	_ =	shalt  }
0x6c: {  	_ =	shalt  }
0x6d: {  	_ =	shalt  }
0x6e: {  	_ =	shalt  }
0x6f: {  	_ =	shalt  }
0x70: {  	_ =	shalt  }
0x71: {  	_ =	shalt  }
0x72: {  	_ =	shalt  }
0x73: {  	_ =	shalt  }
0x74: {  	_ =	shalt  }
0x75: {  	_ =	shalt  }
0x76: {  	_ =	shalt  }
0x77: {  	_ =	shalt  }
0x78: {  	_ =	shalt  }
0x79: {  	_ =	shalt  }
0x7a: {  	_ =	shalt  }
0x7b: {  	_ =	shalt  }
0x7c: {  	_ =	shalt  }
0x7d: {  	_ =	shalt  }
0x7e: {  	_ =	shalt  }
0x7f: {  	_ =	shalt  }
0x80: {  	_ =	shalt  }
0x81: {  	_ =	shalt  }
0x82: {  	_ =	shalt  }
0x83: {  	_ =	shalt  }
0x84: {  	_ =	shalt  }
0x85: {  	_ =	shalt  }
0x86: {  	_ =	shalt  }
0x87: {  	_ =	shalt  }
.Lfunc_end0:
.L_simem_size_0:
called_computation_lowered:
.L_overlay_start_0:
0x88: {  	s2 =	sld [smem:$0x3FD9]  }
0x89: {  	s3 =	sld [smem:$0x3FFE];
	_ =	sdelay $0x1  }
0x8a: {  	s1 =	srdreg.scid  }
0x8b: {  	s0 =	sand.u32 $0x1, s1  }
0x8c: {  	s16 =	sshll.u32 s0, $0xA;
	s2 =	sadd.s32 s3, s2  }
0x8d: {  	s2 =	sadd.s32 s2, s16  }
0x8e: {  	[smem:$0x3FC0] =	sst s2  }
0x8f: {  	_ = 	snop  }
0x90: {  	s2 =	sld [smem:$0x3FD0];
	(tm) =	ssettm $0x1  }
0x91: {  	s17 =	sld [smem:$0x3FFB];
	_ =	sdelay $0x3  }
0x92: {  	_ =	strace s17  }
0x93: {  	s3 =	sld [smem:$0x3FFC];
	_ =	sdelay $0x3  }
0x94: {  	_ =	strace s3  }
0x95: {  	s3 =	sld [smem:$0x3FFD];
	_ =	sdelay $0x3  }
0x96: {  	_ =	strace s3  }
0x97: {  	_ =	strace $0x8FFFFFFF  }
0x98: {  	s18 =	sld [smem:$0x3FDB];
	_ =	sdelay $0x1  }
0x99: {  	s4 =	simm.s32 $_scs_section_size  }
0x9a: {  	s5 =	simm.s32 $_size__tile_overlayer_lowered;
	s6 =	simm.s32 $_tile_overlayer_lowered  }
0x9b: {  	s21 =	simm.s32 $0x1BFF;
	s20 =	sshll.u32 s6, $0x1;
	s3 =	sadd.s32 s4, s18  }
0x9c: {  	s7 =	simm.s32 $0x0;
	s19 =	sshll.u32 s5, $0x1;
	s5 =	sadd.s32 s20, s3  }
0x9d: {  	[timem:s7], [sflag:s21] =	dma.local [hbm:s5], s19  }
0x9e: {  	_ =	swait.ge [sflag:s21], s19  }
0x9f: {  	s4 =	ssub.s32 $0x0, s19;
	[sflag:s21] =	ssyncset.done $0x0  }
0xa0: {  	[sflag:s21] =	ssyncadd.s32 s4;
	_ =	sdelay $0x1  }
0xa1: {  	s22 =	simm.s32 $0x1B8B  }
0xa2: {  	_ =	swait.ge [sflag:s22], $0x1  }
0xa3: {  	[sflag:s22] =	ssyncset.done $0x0  }
0xa4: {  	s23 =	sld [smem:$0x3FFE];
	[sflag:s22] =	ssyncadd.s32 $0xFFFFFFFF  }
0xa5: {  	s25 =	simm.s32 $0x1B8E;
	s24 =	sld [smem:$0x0]  }
0xa6: {  	s26 =	simm.s32 $execute0_lowered;
	[smem:$0x3FD2] =	sst s25  }
0xa7: {  	s6 =	sshll.u32 s26, $0x1;
	_ =	strace $0x80000049;
	[dreg:$0x1] =	wrdreg $0xFFFFFFFF  }
0xa8: {  	s28 =	simm.s32 $_size_execute0_lowered;
	s3 =	sadd.s32 s3, s6;
	[dreg:$0x0] =	wrdreg $0x0  }
0xa9: {  	s6 =	sshll.u32 s28, $0x1;
	[dreg:$0x2] =	wrdreg s3  }
0xaa: {  	[dreg:$0x3] =	wrdreg s6  }
0xab: {  	[dreg:$0x4] =	wrdreg $0xC0  }
0xac: {  	_ =	task [dreg:s7], $0x5FFFF  }
0xad: {  	[dreg:$0x1] =	wrdreg $0xFFFFFFFF  }
0xae: {  	[dreg:$0x0] =	wrdreg $0x60  }
0xaf: {  	[dreg:$0x2] =	wrdreg s2  }
0xb0: {  	[dreg:$0x3] =	wrdreg s23  }
0xb1: {  	[dreg:$0x4] =	wrdreg s1  }
0xb2: {  	[dreg:$0x5] =	wrdreg s24  }
0xb3: {  	[dreg:$0x6] =	wrdreg $0x9  }
0xb4: {  	_ =	task.clear_ibuf [dreg:s7], $0x7FFFF;
	_ =	strace $0x90000049  }
0xb5: {  	s29 =	simm.s32 $0x9;
	_ =	strace $0x8000004B  }
0xb6: {  	_ =	swait.ge [sflag:s29], $0x1  }
0xb7: {  	[sflag:s29] =	ssyncadd.s32 $0xFFFFFFFF  }
0xb8: {  	_ =	strace $0x9000004B  }
0xb9: {  	_ =	sfence  }
0xba: {  	s30 =	sld [smem:$0x0];
	_ =	sdelay $0x2  }
0xbb: {  	s31 =	sshll.u32 s1, $0xD;
	s1 =	sshrl.u32 s1, $0x2  }
0xbc: {  	s3 =	sand.u32 $0x4000, s31;
	s1 =	sadd.s32 s1, s30  }
0xbd: {  	s0 =	sor.u32 s3, s0;
	s1 =	sshll.u32 s1, $0x11  }
0xbe: {  	s0 =	sor.u32 s1, s0  }
0xbf: {  	s0 =	sadd.s32 $0x8F2B, s0  }
0xc0: {  	[sflag:s0] =	ssyncadd.remote.s32 $0x1  }
0xc1: {  	_ =	sfence.sel $0xFFFF  }
0xc2: {  	[dreg:$0x0] =	wrdreg $0xFFFFFFFF;
	(pc) =	sbr.abs _section_cstart, $3  }
0xc3: {  	[dreg:$0x1] =	wrdreg $0xFFFFFFFF  }
0xc4: {  	_ =	task.clear_ibuf [dreg:s7], $0x2FFFF;
	_ =	strace $0x9FFFFFFF  }
0xc5: {  	(tm) =	ssettm $0x7FFFFFFF  }
tec
execute0_lowered:
.L_overlay_start_1:
0x0: {  	(tag) =	ssettag $0x1  }
0x1: {  	s1 =	rddreg [dreg:$0x0]  }
0x2: {  	s2 =	rddreg [dreg:$0x1]  }
0x3: {  	s3 =	rddreg [dreg:$0x2];
	_ =	strace $0x8000004A;
	s0 =	simm.s32 $0x1  }
0x4: {  	s5 =	simm.s32 $0x208;
	v0 =	vimm.s32 $0x0;
	[sflag:s0] =	ssyncpa.u1 $0x0  }
0x5: {  	[tilespmem:s5+$0x70] =	vst v0  }
0x6: {  	[tilespmem:s5+$0x60] =	vst v0  }
0x7: {  	[tilespmem:s5+$0x50] =	vst v0  }
0x8: {  	[tilespmem:s5+$0x40] =	vst v0  }
0x9: {  	[tilespmem:s5+$0x30] =	vst v0  }
0xa: {  	s0 =	sadd.s32 $0x53D000, s2;
	s6 =	sadd.s32 $0x5B000, s2;
	[tilespmem:s5+$0x20] =	vst v0  }
0xb: {  	s4 =	sadd.s32 $0x542000, s2;
	s10 =	sand.u32 $0x1, s3;
	s2 =	simm.s32 $0x40;
	[tilespmem:s5+$0x10] =	vst v0  }
.LBB2_1:
0xc: {  	s2 =	sadd.s32 $0x40, s2;
	[tilespmem:s5+$0x0] =	vst v0;
	s5 =	sadd.s32 $0x80, s5  }
0xd: {  	p0 =	slt.u32 s2, $0x3880;
	[tilespmem:s5+$0x70] =	vst v0  }
0xe: {  	[tilespmem:s5+$0x60] =	vst v0  }
.Ltmp0:
0xf: {  	[tilespmem:s5+$0x50] =	vst v0;
	(pc) =	sbr.rel @p0 .LBB2_1-.Ltmp0, $4  }
0x10: {  	[tilespmem:s5+$0x40] =	vst v0  }
0x11: {  	[tilespmem:s5+$0x30] =	vst v0  }
0x12: {  	[tilespmem:s5+$0x20] =	vst v0  }
0x13: {  	[tilespmem:s5+$0x10] =	vst v0  }
0x14: {  	s11 =	stileid.u32  }
0x15: {  	s2 =	smul.u32 $0x2C, s11  }
0x16: {  	s3 =	smin.u32 s11, $0xB  }
0x17: {  	s2 =	sadd.s32 s3, s2  }
0x18: {  	p0 =	slt.u32 s11, $0xB;
	s20 =	smul.u32 $0x70, s2;
	s2 =	simm.s32 $0x13B0  }
0x19: {  	s2 =	simm.s32 @!p0 $0x1340  }
0x1a: {  	s2 =	sadd.s32 s2, s20  }
0x1b: {  	s8 =	smin.u32 s2, $0x13880  }
0x1c: {  	s26 =	simm.s32 $0x2;
	s2 =	ssub.s32 s8, s20  }
0x1d: {  	s9 =	simm.s32 $0x9;
	s29 =	simm.s32 $0xA;
	p0 =	sgt.s32 s2, $0x0  }
0x1e: {  	s30 =	simm.s32 $0xB;
	s31 =	smul.u32 $0x2710, s10;
	s2 =	simm.s32 @!p0 $0x0  }
0x1f: {  	[dreg:$0x5] =	wrdreg s10;
	s12 =	simm.s32 $0x1;
	s25 =	smulhi.u32 $0x92492493, s2  }
0x20: {  	s24 =	simm.s32 $0x0;
	p1 =	por $0x0, $0x0;
	s18 =	simm.s32 $0x80  }
0x21: {  	s19 =	simm.s32 $0x400;
	s17 =	simm.s32 $0xC;
	s3 =	sshrl.u32 s25, $0x6  }
0x22: {  	s21 =	simm.s32 $0x0;
	s23 =	simm.s32 $0x0;
	s28 =	smul.u32 $0x70, s3  }
.Ltmp1:
0x23: {  	[tilespmem:s5+$0x0] =	vst v0;
	v0 =	vimm.s32 $0xFFFFFFFF;
	[sflag:s26] =	ssyncpa.u1 $0x0;
	s16 =	sshll.u32 s11, $0x9;
	(pc) =	sbr.rel .LBB2_3-.Ltmp1, $4  }
0x24: {  	[tilespmem:$0xE408] =	vst v0;
	[sflag:s9] =	ssyncpa.u1 $0x0;
	p0 =	sne.s32 s2, s28;
	s2 =	simm.s32 $0x1  }
0x25: {  	s14 =	sadd.s32 s31, s4;
	[sflag:s29] =	ssyncpa.u1 $0x0;
	s2 =	simm.s32 @!p0 $0x0  }
0x26: {  	s15 =	sadd.s32 s31, s0;
	[sflag:s30] =	ssyncpa.u1 $0x0;
	s13 =	sadd.s32 s2, s3  }
0x27: {  	v0 =	vlaneseq.u32;
	s22 =	smov.u32 s20;
	p0 =	por $0x1, $0x1;
	s11 =	sadd.s32 $0x1, s13  }
.LBB2_24:
0x28: {  	s2 =	sshrl.u32 s4, $0x2  }
.LBB2_26:
0x29: {  	_ =	swait.ge [sflag:s17], s2  }
0x2a: {  	s31 =	ssub.s32 $0x0, s2;
	v1 =	vmov s26;
	vm0 =	veq.s32 v0, $0x0;
	[sflag:s17] =	ssyncset.done $0x0  }
0x2b: {  	vm15 =	veq.s32 v0, $0x2;
	v1 =	vsel vm0, s0, v1;
	[sflag:s17] =	ssyncadd.s32 s31  }
0x2c: {  	v1 =	vsel vm15, s24, v1;
	[sflag:s17] =	ssyncpa.u1 $0x1  }
0x2d: {  	[tilespmem:$0xE408] =	vst v1  }
.LBB2_27:
0x2e: {  	s0 =	sadd.s32 $0x70, s22  }
0x2f: {  	s2 =	smov.u32 s20;
	p2 =	slt.s32 s0, s8  }
0x30: {  	s2 =	smov.u32 @p2 s0;
	p2 =	sne.s32 s23, s11  }
.Ltmp2:
0x31: {  	_ = 	snop;
	(pc) =	sbr.rel @!p2 .LBB2_28-.Ltmp2, $4  }
0x32: {  	_ = 	snop  }
0x33: {  	s24 =	smov.u32 s21  }
0x34: {  	s31 =	sadd.s32 $0x1, s23;
	s21 =	smov.u32 s22;
	p0 =	por !p0, !p0  }
0x35: {  	p1 =	por !p1, !p1;
	s23 =	smov.u32 s31;
	s22 =	smov.u32 s2  }
.LBB2_3:
0x36: {  	p2 =	sge.u32 s23, s13  }
0x37: {  	s0 =	smulhi.u32 @!p2 $0xAAAAAAAB, s23  }
0x38: {  	s2 =	smov.u32 s22;
	p3 =	sgt.s32 @!p2 s22, $0x13810  }
0x39: {  	s3 =	sshra.s32 @!p2 s22, $0x1F;
	p3 =	por !p3, p2;
	s0 =	sshrl.u32 @!p2 s0, $0x1  }
0x3a: {  	s3 =	sand.u32 @!p2 s3, s22;
	s2 =	simm.s32 @p3 $0x13810;
	s0 =	smul.u32 @!p2 $0x3, s0  }
0x3b: {  	s2 =	ssub.s32 @!p2 s2, s3  }
0x3c: {  	s2 =	sadd.s32 @!p2 $0xFFFEC7F0, s2;
	s0 =	ssub.s32 @!p2 s23, s0  }
0x3d: {  	s3 =	sshll.u32 @!p2 s2, $0x2;
	p3 =	sgt.s32 @!p2 s2, $0x6F;
	s0 =	smul.u32 @!p2 $0x1C0, s0  }
0x3e: {  	s4 =	sand.u32 @!p2 $0x7, s22;
	s2 =	ssub.s32 @!p2 $0x1C0, s3;
	p3 =	por !p3, p2  }
0x3f: {  	s3 =	sshrl.u32 @!p2 s22, $0x3;
	s2 =	sshrl.u32 @!p2 s2, $0x2;
	s0 =	sshrl.u32 @!p2 s0, $0x2  }
0x40: {  	s3 =	sadd.s32 @!p2 s3, s14;
	s2 =	simm.s32 @!p3 $0x0;
	s0 =	sadd.s32 @!p2 $0x10448, s0  }
0x41: {  	[tilespmem:s0], [sflag:$0xA] =	stream.linear.gather @!p2 [hbm4b:s3+s4], s2, $0x38;
	[tilespmem:$0x1E678] =	vst v63  }
0x42: {  	s2 =	sadd.s32 $0xFFFFFFFF, s23  }
0x43: {  	p2 =	sge.u32 s2, s13  }
0x44: {  	p3 =	sgt.s32 @!p2 s21, $0x13810  }
0x45: {  	s0 =	smov.u32 s21;
	s3 =	sshra.s32 @!p2 s21, $0x1F;
	p3 =	por !p3, p2  }
0x46: {  	s3 =	sand.u32 @!p2 s3, s21;
	s0 =	simm.s32 @p3 $0x13810  }
0x47: {  	s0 =	ssub.s32 @!p2 s0, s3  }
0x48: {  	s0 =	sadd.s32 @!p2 $0xFFFEC7F0, s0  }
0x49: {  	s3 =	sshll.u32 @!p2 s0, $0x2  }
0x4a: {  	p3 =	sgt.s32 @!p2 s0, $0x6F;
	s0 =	ssub.s32 @!p2 $0x1C0, s3  }
0x4b: {  	p3 =	por !p3, p2;
	s0 =	sshrl.u32 @!p2 s0, $0x2  }
0x4c: {  	s4 =	simm.s32 @!p2 $0xA;
	s3 =	sand.u32 @!p2 $0x1, s2;
	s0 =	simm.s32 @!p3 $0x0  }
0x4d: {  	s3 =	smul.u32 @!p2 $0x1C0, s3;
	_ =	swait.ge @!p2 [sflag:s4], s0  }
0x4e: {  	s5 =	ssub.s32 @!p2 $0x0, s0;
	[sflag:s4] =	ssyncset.done @!p2 $0x0  }
0x4f: {  	s3 =	sshrl.u32 @!p2 s3, $0x2;
	[sflag:s4] =	ssyncadd.s32 @!p2 s5;
	s4 =	sshrl.u32 @!p2 s21, $0x3  }
0x50: {  	s3 =	sadd.s32 @!p2 $0x10598, s3;
	s5 =	sand.u32 @!p2 $0x7, s21;
	s4 =	sadd.s32 @!p2 s4, s15  }
0x51: {  	[tilespmem:s3], [sflag:$0xB] =	stream.linear.gather @!p2 [hbm4b:s4+s5], s0, $0x38;
	[tilespmem:$0x1E678] =	vst v63  }
0x52: {  	s0 =	ssub.s32 @!p2 $0x13880, s21  }
0x53: {  	p3 =	slt.s32 @!p2 s0, $0x1  }
0x54: {  	p3 =	por p2, p3  }
.Ltmp3:
0x55: {  	_ = 	snop;
	(pc) =	sbr.rel @p3 .LBB2_9-.Ltmp3, $1  }
0x56: {  	_ =	sdelay $0x3  }
0x57: {  	s3 =	smulhi.u32 $0xAAAAAAAB, s2;
	_ =	sdelay $0x1  }
0x58: {  	s3 =	sshrl.u32 s3, $0x1  }
0x59: {  	s3 =	smul.u32 $0x3, s3;
	_ =	sdelay $0x1  }
0x5a: {  	s30 =	ssub.s32 s2, s3  }
0x5b: {  	s4 =	simm.s32 $0x1;
	s2 =	smul.u32 $0x1C0, s30  }
.Ltmp4:
0x5c: {  	s4 =	simm.s32 @!p0 $0x0;
	(pc) =	sbr.rel .LBB2_6-.Ltmp4, $4  }
0x5d: {  	s31 =	smul.u32 $0x1C000, s4  }
0x5e: {  	p3 =	slt.s32 @!p2 s0, $0x70;
	s2 =	sshrl.u32 s2, $0x2  }
0x5f: {  	p2 =	por !p3, p2;
	s3 =	sshrl.u32 s31, $0x2;
	s5 =	sadd.s32 $0x10448, s2  }
0x60: {  	s0 =	simm.s32 @p2 $0x70;
	s4 =	sor.u32 $0x10678, s3;
	s2 =	simm.s32 $0x0;
	v1 =	vmov s5  }
.LBB2_5:
0x61: {  	p2 =	sge.s32 s2, s0  }
.Ltmp5:
0x62: {  	_ = 	snop;
	(pc) =	sbr.rel @p2 .LBB2_9-.Ltmp5, $2  }
0x63: {  	_ =	sdelay $0x2  }
0x64: {  	s4 =	sadd.s32 $0x1000, s4  }
.LBB2_6:
0x65: {  	p2 =	sle.s32 s0, s2  }
.Ltmp6:
0x66: {  	_ = 	snop;
	(pc) =	sbr.rel @p2 .LBB2_5-.Ltmp6, $2  }
0x67: {  	_ =	sdelay $0x2  }
0x68: {  	s5 =	smov.u32 s2;
	s2 =	sadd.s32 $0x10, s2  }
0x69: {  	s3 =	ssub.s32 s0, s5  }
0x6a: {  	p2 =	slt.s32 s3, $0x10  }
0x6b: {  	s3 =	simm.s32 @!p2 $0x10  }
0x6c: {  	v2 =	vmov s3  }
0x6d: {  	vm0 =	vgt.s32 v2, v0;
	_ =	sdelay $0x5  }
0x6e: {  	v2 =	vld.idx.msk [tilespmem:v1+s5+$0x0 ss:$0x1], vm0;
	_ =	sdelay $0x2  }
0x6f: {  	p2 =	slt.s32 s2, s0;
	s3 =	smov.u32 s0  }
0x70: {  	s9 =	smov.u32 s4;
	s25 =	simm.s32 $0x0;
	s3 =	smov.u32 @p2 s2  }
.LBB2_8:
0x71: {  	(v2sf) =	vpush v2, s25;
	_ =	sdelay $0xe  }
0x72: {  	s25 =	sadd.s32 $0x1, s25;
	s10 =	spop (v2sf)  }
0x73: {  	s31 =	sadd.s32 s25, s5;
	s26 =	sshll.u32 s10, $0x8;
	s10 =	sshll.u32 s10, $0x7  }
0x74: {  	p2 =	slt.s32 s31, s3;
	s26 =	sand.u32 $0xFFFFF800, s26;
	s10 =	sand.u32 $0x380, s10  }
.Ltmp7:
0x75: {  	s10 =	sor.u32 s10, s26;
	(pc) =	sbr.rel @p2 .LBB2_8-.Ltmp7, $4  }
0x76: {  	s10 =	sshrl.u32 s10, $0x3  }
0x77: {  	s10 =	sadd.s32 s6, s10  }
0x78: {  	[tilespmem:s9], [sflag:$0x9] =	stream.strided.gather [hbm4b:s10+s18], $0x100, s19, s18, $0x38;
	[tilespmem:$0x1E678] =	vst v63  }
0x79: {  	s9 =	sadd.s32 $0x100, s9  }
.Ltmp8:
0x7a: {  	_ = 	snop;
	(pc) =	sbr.rel .LBB2_5-.Ltmp8, $1  }
0x7b: {  	_ =	sdelay $0x3  }
.LBB2_9:
0x7c: {  	p2 =	slt.u32 s23, $0x2  }
.Ltmp9:
0x7d: {  	_ = 	snop;
	(pc) =	sbr.rel @p2 .LBB2_27-.Ltmp9, $1  }
0x7e: {  	_ =	sdelay $0x3  }
0x7f: {  	p2 =	sgt.s32 s24, $0x13810  }
0x80: {  	s0 =	smov.u32 s24;
	s2 =	sshra.s32 s24, $0x1F;
	s3 =	ssub.s32 $0x13880, s24  }
0x81: {  	s0 =	simm.s32 @!p2 $0x13810;
	s2 =	sand.u32 s2, s24;
	p2 =	slt.s32 s3, $0x70  }
0x82: {  	s0 =	ssub.s32 s0, s2;
	s3 =	simm.s32 @!p2 $0x70  }
0x83: {  	s0 =	sadd.s32 $0xFFFEC7F0, s0;
	s9 =	sshll.u32 s3, $0x8  }
0x84: {  	s26 =	simm.s32 $0x9;
	s10 =	sshll.u32 s0, $0x2;
	s2 =	sand.u32 $0x3FFFFF00, s9  }
0x85: {  	p2 =	sgt.s32 s0, $0x6F;
	s25 =	ssub.s32 $0x1C0, s10;
	_ =	swait.ge [sflag:s26], s2  }
0x86: {  	s2 =	ssub.s32 $0x0, s2;
	[sflag:s26] =	ssyncset.done $0x0;
	s0 =	sshrl.u32 s25, $0x2  }
0x87: {  	s29 =	simm.s32 $0xB;
	[sflag:s26] =	ssyncadd.s32 s2;
	s0 =	simm.s32 @p2 $0x0  }
0x88: {  	_ =	swait.ge [sflag:s29], s0  }
0x89: {  	s0 =	ssub.s32 $0x0, s0;
	[sflag:s29] =	ssyncset.done $0x0  }
0x8a: {  	[sflag:s29] =	ssyncadd.s32 s0  }
0x8b: {  	v1 =	vld [tilespmem:$0xE408];
	_ =	sdelay $0x4  }
0x8c: {  	(v2sf) =	vpush v1, $0x0  }
0x8d: {  	(v2sf) =	vpush v1, $0x1  }
0x8e: {  	(v2sf) =	vpush v1, $0x2;
	_ =	sdelay $0x3  }
0x8f: {  	s0 =	sadd.s32 $0x70, s24  }
0x90: {  	s2 =	ssub.s32 $0x27100, s24;
	p2 =	slt.s32 s8, s0  }
0x91: {  	s0 =	smov.u32 @p2 s8;
	p2 =	sgt.s32 s2, $0x0  }
0x92: {  	s0 =	ssub.s32 s0, s24;
	s2 =	simm.s32 @!p2 $0x0  }
0x93: {  	p2 =	slt.s32 s2, s0  }
0x94: {  	s0 =	smov.u32 @p2 s2  }
0x95: {  	s4 =	simm.s32 $0x1;
	p2 =	slt.s32 s0, $0x1  }
.Ltmp10:
0x96: {  	s4 =	simm.s32 @!p1 $0x0;
	(pc) =	sbr.rel @p2 .LBB2_14-.Ltmp10, $4  }
0x97: {  	s30 =	smul.u32 $0x1C0, s4  }
0x98: {  	s5 =	spop (v2sf)  }
0x99: {  	s31 =	sshrl.u32 s30, $0x2;
	s28 =	spop (v2sf)  }
0x9a: {  	s25 =	sadd.s32 $0x10598, s31;
	s24 =	spop (v2sf)  }
0x9b: {  	s2 =	smin.u32 s0, $0x10  }
0x9c: {  	v1 =	vmov s2  }
0x9d: {  	vm1 =	vgt.u32 v1, v0  }
0x9e: {  	p3 =	sgt.s32 s0, $0x10  }
.Ltmp11:
0x9f: {  	_ = 	snop;
	(pc) =	sbr.rel @!p3 .LBB2_13-.Ltmp11, $2  }
0xa0: {  	_ =	sdelay $0x2  }
0xa1: {  	s26 =	simm.s32 $0x10;
	s29 =	sadd.s32 $0xFFFFFFF0, s0;
	s2 =	smov.u32 s25;
	vm0 =	vmmov vm1;
	v1 =	vld.msk [tilespmem:s25+$0x0 ss:$0x1], vm1  }
.LBB2_12:
0xa2: {  	s3 =	smin.u32 s29, $0x10;
	s26 =	sadd.s32 $0x10, s26  }
0xa3: {  	v2 =	vmov s3;
	p3 =	slt.s32 s26, s0  }
0xa4: {  	vm1 =	vgt.u32 v2, v0;
	_ =	sdelay $0x1  }
0xa5: {  	v2 =	vshll.u32 v1, $0x5;
	v1 =	vshll.u32 v1, $0x4  }
.Ltmp12:
0xa6: {  	v2 =	vand.u32 $0xFFFFFF00, v2;
	v1 =	vand.u32 $0x70, v1;
	(pc) =	sbr.rel @p3 .LBB2_12-.Ltmp12, $4  }
0xa7: {  	v1 =	vor.u32 v1, v2  }
0xa8: {  	[tilespmem:s2+$0x0] =	vst.msk vm0, v1;
	s2 =	sadd.s32 $0x10, s2;
	vm0 =	vmmov vm1  }
0xa9: {  	v1 =	vld.msk [tilespmem:s2+$0x0 ss:$0x1], vm1  }
0xaa: {  	s29 =	sadd.s32 $0xFFFFFFF0, s29  }
.LBB2_13:
0xab: {  	_ =	sdelay $0x3  }
0xac: {  	v2 =	vshll.u32 v1, $0x5;
	v1 =	vshll.u32 v1, $0x4  }
0xad: {  	v2 =	vand.u32 $0xFFFFFF00, v2;
	v1 =	vand.u32 $0x70, v1  }
0xae: {  	v1 =	vor.u32 v1, v2  }
0xaf: {  	[tilespmem:s2+$0x0] =	vst.msk vm0, v1  }
.LBB2_14:
0xb0: {  	s2 =	sand.u32 $0x1, s23  }
0xb1: {  	s2 =	smul.u32 $0x70, s2  }
0xb2: {  	p3 =	sne.s32 s28, $0xFFFFFFFF  }
0xb3: {  	v1 =	vld.msk @!p3 [tilespmem:s2+$0x10598], $0x1;
	_ =	sdelay $0x4  }
0xb4: {  	(v2sf) =	vpush @!p3 v1, $0x0;
	_ =	sdelay $0xc  }
.Ltmp13:
0xb5: {  	_ = 	snop;
	(pc) =	sbr.rel @p2 .LBB2_25-.Ltmp13, $4  }
0xb6: {  	_ = 	snop  }
0xb7: {  	s31 =	spop @!p3 (v2sf)  }
0xb8: {  	s24 =	simm.s32 @!p3 $0x0;
	s26 =	smov.u32 s31  }
0xb9: {  	[sflag:s17] =	ssyncpa.u1 $0x0;
	s31 =	smov.u32 @p3 s5;
	s26 =	smov.u32 @p3 s28  }
0xba: {  	v1 =	vld.msk [tilespmem:s25+$0x0], $0x1;
	_ =	sdelay $0x4  }
0xbb: {  	(v2sf) =	vpush v1, $0x0;
	_ =	sdelay $0xe  }
0xbc: {  	s7 =	smov.u32 s11;
	s5 =	spop (v2sf)  }
0xbd: {  	s17 =	smov.u32 s15;
	s2 =	smul.u32 $0x1C000, s4;
	p2 =	seq.s32 s31, s5  }
0xbe: {  	s3 =	smov.u32 s31;
	s29 =	ssub.s32 $0x0, s0;
	p3 =	sgt.s32 @!p2 s31, $0x0  }
0xbf: {  	s30 =	simm.s32 $0x0;
	s2 =	sshrl.u32 s2, $0x2;
	p3 =	por !p3, p2  }
0xc0: {  	s0 =	sadd.s32 $0x1, s29;
	s28 =	sor.u32 $0x106F8, s2;
	s3 =	simm.s32 @p3 $0x0  }
0xc1: {  	s2 =	simm.s32 @!p2 $0x1;
	p3 =	seq.s32 s0, $0x0;
	s3 =	smin.u32 @!p2 s3, $0x4E170  }
.Ltmp14:
0xc2: {  	s4 =	simm.s32 @!p2 $0x7308;
	s9 =	sand.u32 @!p2 $0x7FFF8, s3;
	(pc) =	sbr.rel @p3 .LBB2_17-.Ltmp14, $4  }
0xc3: {  	s10 =	sadd.s32 @!p2 $0x80, s3;
	s11 =	sadd.s32 @!p2 s1, s9;
	s9 =	sand.u32 @!p2 $0x7, s3  }
0xc4: {  	[tilespmem:s4], [sflag:$0x2] =	stream.linear.gather @!p2 [hbm4b:s11+s9], $0x80, $0x38;
	[tilespmem:$0x1E678] =	vst v63  }
0xc5: {  	s15 =	smov.u32 s14;
	s2 =	smov.u32 @p2 s30;
	s4 =	sand.u32 @!p2 $0xFFFF8, s10  }
0xc6: {  	s3 =	simm.s32 @!p2 $0x7388;
	s10 =	sadd.s32 @!p2 s1, s4;
	s4 =	sadd.s32 $0x1, s25  }
.LBB2_16:
0xc7: {  	s11 =	smov.u32 s2  }
0xc8: {  	[tilespmem:s3], [sflag:$0x2] =	stream.linear.gather @!p2 [hbm4b:s10+s9], $0x80, $0x38;
	[tilespmem:$0x1E678] =	vst v63  }
0xc9: {  	s0 =	sadd.s32 $0x1, s0;
	s9 =	smov.u32 s5;
	v1 =	vld.msk [tilespmem:s4+$0x0], $0x1  }
0xca: {  	p3 =	seq.s32 s0, $0x0;
	_ =	sdelay $0x3  }
0xcb: {  	(v2sf) =	vpush v1, $0x0;
	_ =	sdelay $0xe  }
0xcc: {  	s5 =	spop (v2sf)  }
0xcd: {  	p2 =	seq.s32 s9, s5  }
0xce: {  	p4 =	sgt.s32 @!p2 s9, $0x0;
	s3 =	sshll.u32 @!p2 s2, $0xA;
	s2 =	sadd.s32 @!p2 $0x1, s2  }
0xcf: {  	p4 =	por !p4, p2;
	s3 =	sshra.s32 @!p2 s3, $0x2;
	s2 =	smov.u32 @p2 s11  }
0xd0: {  	s9 =	simm.s32 @p4 $0x0;
	s10 =	sadd.s32 @!p2 $0x7308, s3;
	s3 =	sadd.s32 @!p2 $0x7388, s3  }
.Ltmp15:
0xd1: {  	s9 =	smin.u32 @!p2 s9, $0x4E170;
	(pc) =	sbr.rel @!p3 .LBB2_16-.Ltmp15, $4  }
0xd2: {  	s11 =	sand.u32 @!p2 $0x7FFF8, s9;
	s14 =	sadd.s32 @!p2 $0x80, s9  }
0xd3: {  	s9 =	sand.u32 @!p2 $0x7, s9;
	s11 =	sadd.s32 @!p2 s1, s11;
	s14 =	sand.u32 @!p2 $0xFFFF8, s14  }
0xd4: {  	[tilespmem:s10], [sflag:$0x2] =	stream.linear.gather @!p2 [hbm4b:s11+s9], $0x80, $0x38;
	[tilespmem:$0x1E678] =	vst v63  }
0xd5: {  	s4 =	sadd.s32 $0x1, s4;
	s10 =	sadd.s32 @!p2 s1, s14  }
.LBB2_17:
0xd6: {  	[tilespmem:s3], [sflag:$0x2] =	stream.linear.gather @!p2 [hbm4b:s10+s9], $0x80, $0x38;
	[tilespmem:$0x1E678] =	vst v63  }
0xd7: {  	s0 =	sshll.u32 s2, $0x8  }
.Ltmp16:
0xd8: {  	s14 =	simm.s32 $0x2;
	s0 =	sand.u32 $0x3FFFFF00, s0;
	(pc) =	sbr.rel .LBB2_18-.Ltmp16, $4  }
0xd9: {  	_ =	swait.ge [sflag:s14], s0  }
0xda: {  	s0 =	ssub.s32 $0x0, s0;
	[sflag:s14] =	ssyncset.done $0x0  }
0xdb: {  	s4 =	simm.s32 $0x0;
	s11 =	smov.u32 s7;
	[sflag:s14] =	ssyncadd.s32 s0  }
0xdc: {  	s14 =	smov.u32 s15;
	s15 =	smov.u32 s17;
	s17 =	simm.s32 $0xC  }
.LBB2_19:
0xdd: {  	v1 =	vld [tilespmem:s28+$0xFFFFFF80];
	_ =	sdelay $0x4  }
0xde: {  	[tilespmem:s5+$0x208] =	vst.add.f32.msk $0xffff, v1  }
0xdf: {  	v1 =	vld [tilespmem:s28+$0xFFFFFF90];
	_ =	sdelay $0x4  }
0xe0: {  	[tilespmem:s5+$0x218] =	vst.add.f32.msk $0xffff, v1  }
0xe1: {  	v1 =	vld [tilespmem:s28+$0xFFFFFFA0];
	_ =	sdelay $0x4  }
0xe2: {  	[tilespmem:s5+$0x228] =	vst.add.f32.msk $0xffff, v1  }
0xe3: {  	v1 =	vld [tilespmem:s28+$0xFFFFFFB0];
	_ =	sdelay $0x4  }
0xe4: {  	[tilespmem:s5+$0x238] =	vst.add.f32.msk $0xffff, v1  }
0xe5: {  	v1 =	vld [tilespmem:s28+$0xFFFFFFC0];
	_ =	sdelay $0x4  }
0xe6: {  	[tilespmem:s5+$0x248] =	vst.add.f32.msk $0xffff, v1  }
0xe7: {  	v1 =	vld [tilespmem:s28+$0xFFFFFFD0];
	_ =	sdelay $0x4  }
0xe8: {  	[tilespmem:s5+$0x258] =	vst.add.f32.msk $0xffff, v1  }
0xe9: {  	v1 =	vld [tilespmem:s28+$0xFFFFFFE0];
	_ =	sdelay $0x4  }
0xea: {  	[tilespmem:s5+$0x268] =	vst.add.f32.msk $0xffff, v1  }
0xeb: {  	v1 =	vld [tilespmem:s28+$0xFFFFFFF0];
	_ =	sdelay $0x4  }
0xec: {  	[tilespmem:s5+$0x278] =	vst.add.f32.msk $0xffff, v1  }
0xed: {  	v1 =	vld [tilespmem:s28+$0x0];
	_ =	sdelay $0x4  }
0xee: {  	[tilespmem:s5+$0x288] =	vst.add.f32.msk $0xffff, v1  }
0xef: {  	v1 =	vld [tilespmem:s28+$0x10];
	_ =	sdelay $0x4  }
0xf0: {  	[tilespmem:s5+$0x298] =	vst.add.f32.msk $0xffff, v1  }
0xf1: {  	v1 =	vld [tilespmem:s28+$0x20];
	_ =	sdelay $0x4  }
0xf2: {  	[tilespmem:s5+$0x2A8] =	vst.add.f32.msk $0xffff, v1  }
0xf3: {  	v1 =	vld [tilespmem:s28+$0x30];
	_ =	sdelay $0x4  }
0xf4: {  	[tilespmem:s5+$0x2B8] =	vst.add.f32.msk $0xffff, v1  }
0xf5: {  	v1 =	vld [tilespmem:s28+$0x40];
	_ =	sdelay $0x4  }
0xf6: {  	[tilespmem:s5+$0x2C8] =	vst.add.f32.msk $0xffff, v1  }
0xf7: {  	v1 =	vld [tilespmem:s28+$0x50];
	_ =	sdelay $0x4  }
0xf8: {  	[tilespmem:s5+$0x2D8] =	vst.add.f32.msk $0xffff, v1  }
0xf9: {  	v1 =	vld [tilespmem:s28+$0x60];
	_ =	sdelay $0x4  }
0xfa: {  	[tilespmem:s5+$0x2E8] =	vst.add.f32.msk $0xffff, v1  }
0xfb: {  	v1 =	vld [tilespmem:s28+$0x70];
	_ =	sdelay $0x4  }
0xfc: {  	[tilespmem:s5+$0x2F8] =	vst.add.f32.msk $0xffff, v1  }
.LBB2_23:
0xfd: {  	s29 =	sadd.s32 $0x1, s29  }
0xfe: {  	p2 =	seq.s32 s29, $0x0  }
.Ltmp17:
0xff: {  	_ = 	snop;
	(pc) =	sbr.rel @p2 .LBB2_24-.Ltmp17, $2  }
0x100: {  	_ =	sdelay $0x2  }
0x101: {  	s25 =	sadd.s32 $0x1, s25;
	s28 =	sadd.s32 $0x100, s28;
	s31 =	smov.u32 s0  }
.LBB2_18:
0x102: {  	v1 =	vld.msk [tilespmem:s25+$0x0], $0x1;
	_ =	sdelay $0x4  }
0x103: {  	(v2sf) =	vpush v1, $0x0;
	_ =	sdelay $0xe  }
0x104: {  	s0 =	spop (v2sf)  }
0x105: {  	p2 =	sne.s32 s31, s0  }
.Ltmp18:
0x106: {  	_ = 	snop;
	(pc) =	sbr.rel @!p2 .LBB2_19-.Ltmp18, $3  }
0x107: {  	_ =	sdelay $0x1  }
0x108: {  	s2 =	sshll.u32 s24, $0xA  }
0x109: {  	s5 =	sshra.s32 s2, $0x2  }
0x10a: {  	p2 =	seq.s32 s31, s26  }
.Ltmp19:
0x10b: {  	_ = 	snop;
	(pc) =	sbr.rel @!p2 .LBB2_21-.Ltmp19, $1  }
0x10c: {  	_ =	sdelay $0x3  }
.Ltmp20:
0x10d: {  	s2 =	sadd.s32 $0x208, s5;
	(pc) =	sbr.rel .LBB2_22-.Ltmp20, $4  }
0x10e: {  	[spmem:s16] =	stream.linear.scatter [tilespmem:s2], [sflag:$0x1], $0x100, $0x38;
	[tilespmem:$0x1E678] =	vst v63  }
0x10f: {  	_ =	swait.ge [sflag:s12], $0x100  }
0x110: {  	[sflag:s12] =	ssyncset.done $0x0  }
0x111: {  	[sflag:s12] =	ssyncadd.s32 $0xFFFFFF00  }
.LBB2_21:
0x112: {  	s2 =	sshll.u32 s30, $0xA  }
0x113: {  	s2 =	sshra.s32 s2, $0x2  }
0x114: {  	v1 =	vld [tilespmem:s2+$0x7308];
	_ =	sdelay $0x4  }
0x115: {  	[tilespmem:s5+$0x208] =	vst.add.f32.msk $0xffff, v1  }
0x116: {  	v1 =	vld [tilespmem:s2+$0x7318];
	_ =	sdelay $0x4  }
0x117: {  	[tilespmem:s5+$0x218] =	vst.add.f32.msk $0xffff, v1  }
0x118: {  	v1 =	vld [tilespmem:s2+$0x7328];
	_ =	sdelay $0x4  }
0x119: {  	[tilespmem:s5+$0x228] =	vst.add.f32.msk $0xffff, v1  }
0x11a: {  	v1 =	vld [tilespmem:s2+$0x7338];
	_ =	sdelay $0x4  }
0x11b: {  	[tilespmem:s5+$0x238] =	vst.add.f32.msk $0xffff, v1  }
0x11c: {  	v1 =	vld [tilespmem:s2+$0x7348];
	_ =	sdelay $0x4  }
0x11d: {  	[tilespmem:s5+$0x248] =	vst.add.f32.msk $0xffff, v1  }
0x11e: {  	v1 =	vld [tilespmem:s2+$0x7358];
	_ =	sdelay $0x4  }
0x11f: {  	[tilespmem:s5+$0x258] =	vst.add.f32.msk $0xffff, v1  }
0x120: {  	v1 =	vld [tilespmem:s2+$0x7368];
	_ =	sdelay $0x4  }
0x121: {  	[tilespmem:s5+$0x268] =	vst.add.f32.msk $0xffff, v1  }
0x122: {  	v1 =	vld [tilespmem:s2+$0x7378];
	_ =	sdelay $0x4  }
0x123: {  	[tilespmem:s5+$0x278] =	vst.add.f32.msk $0xffff, v1  }
0x124: {  	v1 =	vld [tilespmem:s2+$0x7388];
	_ =	sdelay $0x4  }
0x125: {  	[tilespmem:s5+$0x288] =	vst.add.f32.msk $0xffff, v1  }
0x126: {  	v1 =	vld [tilespmem:s2+$0x7398];
	_ =	sdelay $0x4  }
0x127: {  	[tilespmem:s5+$0x298] =	vst.add.f32.msk $0xffff, v1  }
0x128: {  	v1 =	vld [tilespmem:s2+$0x73A8];
	_ =	sdelay $0x4  }
0x129: {  	[tilespmem:s5+$0x2A8] =	vst.add.f32.msk $0xffff, v1  }
0x12a: {  	v1 =	vld [tilespmem:s2+$0x73B8];
	_ =	sdelay $0x4  }
0x12b: {  	[tilespmem:s5+$0x2B8] =	vst.add.f32.msk $0xffff, v1  }
0x12c: {  	v1 =	vld [tilespmem:s2+$0x73C8];
	_ =	sdelay $0x4  }
0x12d: {  	[tilespmem:s5+$0x2C8] =	vst.add.f32.msk $0xffff, v1  }
0x12e: {  	v1 =	vld [tilespmem:s2+$0x73D8];
	_ =	sdelay $0x4  }
0x12f: {  	[tilespmem:s5+$0x2D8] =	vst.add.f32.msk $0xffff, v1  }
0x130: {  	v1 =	vld [tilespmem:s2+$0x73E8];
	_ =	sdelay $0x4  }
0x131: {  	[tilespmem:s5+$0x2E8] =	vst.add.f32.msk $0xffff, v1  }
0x132: {  	v1 =	vld [tilespmem:s2+$0x73F8];
	_ =	sdelay $0x2  }
0x133: {  	p2 =	sgt.u32 s31, $0x4E170  }
0x134: {  	s2 =	sand.u32 @!p2 $0x7FFF8, s31  }
0x135: {  	s3 =	sadd.s32 $0x208, s5;
	s9 =	sand.u32 @!p2 $0x7, s31;
	s2 =	sadd.s32 @!p2 s1, s2;
	[tilespmem:s5+$0x2F8] =	vst.add.f32.msk $0xffff, v1  }
0x136: {  	[hbm4b:s2+s9] =	stream.linear.scatter @!p2 [tilespmem:s3], [sflag:$0xC], $0x80, $0x38;
	[tilespmem:$0x1E678] =	vst v63  }
0x137: {  	s2 =	sadd.s32 @!p2 $0x80, s31  }
0x138: {  	s2 =	sand.u32 @!p2 $0xFFFF8, s2  }
0x139: {  	s3 =	sadd.s32 $0x288, s5;
	s2 =	sadd.s32 @!p2 s1, s2  }
0x13a: {  	[hbm4b:s2+s9] =	stream.linear.scatter @!p2 [tilespmem:s3], [sflag:$0xC], $0x80, $0x38;
	[tilespmem:$0x1E678] =	vst v63  }
0x13b: {  	s2 =	simm.s32 $0x0  }
0x13c: {  	s2 =	simm.s32 @!p2 $0x400  }
0x13d: {  	s4 =	sadd.s32 s2, s4  }
.LBB2_22:
0x13e: {  	s2 =	sadd.s32 $0x1, s24  }
0x13f: {  	s3 =	sshrl.u32 s2, $0x4  }
0x140: {  	s3 =	smulhi.u32 $0x24924925, s3  }
0x141: {  	v1 =	vld [tilespmem:s28+$0xFFFFFF80]  }
0x142: {  	s3 =	smul.u32 $0x70, s3;
	_ =	sdelay $0x1  }
0x143: {  	s24 =	ssub.s32 s2, s3  }
0x144: {  	s2 =	sshll.u32 s24, $0x8  }
0x145: {  	[tilespmem:s2+$0x208] =	vst v1  }
0x146: {  	v1 =	vld [tilespmem:s28+$0xFFFFFF90];
	_ =	sdelay $0x4  }
0x147: {  	[tilespmem:s2+$0x218] =	vst v1  }
0x148: {  	v1 =	vld [tilespmem:s28+$0xFFFFFFA0];
	_ =	sdelay $0x4  }
0x149: {  	[tilespmem:s2+$0x228] =	vst v1  }
0x14a: {  	v1 =	vld [tilespmem:s28+$0xFFFFFFB0];
	_ =	sdelay $0x4  }
0x14b: {  	[tilespmem:s2+$0x238] =	vst v1  }
0x14c: {  	v1 =	vld [tilespmem:s28+$0xFFFFFFC0];
	_ =	sdelay $0x4  }
0x14d: {  	[tilespmem:s2+$0x248] =	vst v1  }
0x14e: {  	v1 =	vld [tilespmem:s28+$0xFFFFFFD0];
	_ =	sdelay $0x4  }
0x14f: {  	[tilespmem:s2+$0x258] =	vst v1  }
0x150: {  	v1 =	vld [tilespmem:s28+$0xFFFFFFE0];
	_ =	sdelay $0x4  }
0x151: {  	[tilespmem:s2+$0x268] =	vst v1  }
0x152: {  	v1 =	vld [tilespmem:s28+$0xFFFFFFF0];
	_ =	sdelay $0x4  }
0x153: {  	[tilespmem:s2+$0x278] =	vst v1  }
0x154: {  	v1 =	vld [tilespmem:s28+$0x0];
	_ =	sdelay $0x4  }
0x155: {  	[tilespmem:s2+$0x288] =	vst v1  }
0x156: {  	v1 =	vld [tilespmem:s28+$0x10];
	_ =	sdelay $0x4  }
0x157: {  	[tilespmem:s2+$0x298] =	vst v1  }
0x158: {  	v1 =	vld [tilespmem:s28+$0x20];
	_ =	sdelay $0x4  }
0x159: {  	[tilespmem:s2+$0x2A8] =	vst v1  }
0x15a: {  	v1 =	vld [tilespmem:s28+$0x30];
	_ =	sdelay $0x4  }
0x15b: {  	[tilespmem:s2+$0x2B8] =	vst v1  }
0x15c: {  	v1 =	vld [tilespmem:s28+$0x40];
	_ =	sdelay $0x4  }
0x15d: {  	[tilespmem:s2+$0x2C8] =	vst v1  }
0x15e: {  	v1 =	vld [tilespmem:s28+$0x50];
	_ =	sdelay $0x4  }
0x15f: {  	[tilespmem:s2+$0x2D8] =	vst v1  }
0x160: {  	v1 =	vld [tilespmem:s28+$0x60];
	_ =	sdelay $0x4  }
0x161: {  	[tilespmem:s2+$0x2E8] =	vst v1  }
0x162: {  	v1 =	vld [tilespmem:s28+$0x70]  }
.Ltmp21:
0x163: {  	_ = 	snop;
	(pc) =	sbr.rel .LBB2_23-.Ltmp21, $2  }
0x164: {  	_ =	sdelay $0x2  }
0x165: {  	s30 =	sadd.s32 $0x1, s30;
	[tilespmem:s2+$0x2F8] =	vst v1  }
.LBB2_25:
.Ltmp22:
0x166: {  	(pc) =	sbr.rel .LBB2_26-.Ltmp22, $4  }
0x167: {  	_ = 	snop  }
0x168: {  	s0 =	simm.s32 $0x2  }
0x169: {  	_ =	swait.ge [sflag:s0], $0x0  }
0x16a: {  	s2 =	simm.s32 $0x0;
	[sflag:s0] =	ssyncset.done $0x0;
	s0 =	smov.u32 s31  }
.LBB2_28:
0x16b: {  	_ =	sfence.sel $0x180000  }
0x16c: {  	s0 =	simm.s32 $0x9;
	[bflag:$0x0] =	sbarrier.arrive $0xFFFF  }
0x16d: {  	s24 =	simm.s32 $0xA;
	[sflag:s0] =	ssyncpa.u1 $0x1  }
0x16e: {  	s25 =	simm.s32 $0xB;
	[sflag:s24] =	ssyncpa.u1 $0x1  }
0x16f: {  	s26 =	simm.s32 $0x2;
	[sflag:s25] =	ssyncpa.u1 $0x1  }
0x170: {  	[sflag:s26] =	ssyncpa.u1 $0x1  }
0x171: {  	v0 =	vld [tilespmem:$0xE408];
	_ =	sdelay $0x4  }
0x172: {  	(v2sf) =	vpush v0, $0x0  }
0x173: {  	(v2sf) =	vpush v0, $0x1;
	_ =	sdelay $0x1  }
0x174: {  	(v2sf) =	vpush v0, $0x2;
	_ =	sdelay $0xb  }
0x175: {  	s0 =	spop (v2sf)  }
0x176: {  	s2 =	spop (v2sf)  }
0x177: {  	s3 =	smov.u32 s0;
	p0 =	sne.s32 s0, s2  }
0x178: {  	s4 =	spop (v2sf);
	s3 =	simm.s32 @!p0 $0xFFFFFFFF  }
0x179: {  	v2 =	vimm.s32 $0x1;
	v3 =	vlaneseq.u32;
	p0 =	seq.s32 s4, $0xFFFFFFFF;
	v1 =	vmov s3  }
0x17a: {  	s15 =	stileid.u32;
	v0 =	vperm.xlane v0, v2;
	p1 =	sne.s32 @!p0 s0, s2;
	v1 =	vperm.xlane v1, v3  }
0x17b: {  	vm0 =	vcmask $0x3F04;
	s6 =	simm.s32 $0xE408;
	s0 =	simm.s32 @!p0 $0x1;
	p1 =	por !p1, p0  }
0x17c: {  	s3 =	sshll.u32 s15, $0x1;
	s2 =	sshll.u32 @!p0 s4, $0xA;
	s0 =	simm.s32 @p1 $0x0;
	v0 =	vsel vm0, v1, v0  }
0x17d: {  	s5 =	sor.u32 $0x2000, s3;
	s2 =	sshra.s32 @!p0 s2, $0x2;
	s0 =	sor.u32 @!p0 s0, s3;
	[tilespmem:$0xE408] =	vst v0  }
0x17e: {  	[spmem:s5] =	stream.linear.scatter [tilespmem:s6], [sflag:$0x1], $0x2, $0x38;
	[tilespmem:$0x1E678] =	vst v63  }
0x17f: {  	s2 =	sadd.s32 @!p0 $0x208, s2;
	s0 =	sshll.u32 @!p0 s0, $0x8  }
0x180: {  	[spmem:s0] =	stream.linear.scatter @!p0 [tilespmem:s2], [sflag:$0x1], $0x100, $0x38;
	[tilespmem:$0x1E678] =	vst v63  }
0x181: {  	s0 =	simm.s32 @!p0 $0x102  }
0x182: {  	s28 =	simm.s32 $0x1;
	s0 =	simm.s32 @p0 $0x2  }
0x183: {  	_ =	swait.ge [sflag:s28], s0  }
0x184: {  	s0 =	ssub.s32 $0x0, s0;
	[sflag:s28] =	ssyncset.done $0x0  }
0x185: {  	p0 =	sne.s32 s15, $0x0;
	[sflag:s28] =	ssyncadd.s32 s0  }
.Ltmp23:
0x186: {  	_ =	sfence.stream.spmem;
	(pc) =	sbr.rel @p0 .LBB2_45-.Ltmp23, $4  }
0x187: {  	s29 =	simm.s32 $0x3;
	[bflag:$0x0] =	sbarrier.arrive $0xFFFF  }
0x188: {  	s30 =	simm.s32 $0x4;
	[sflag:s29] =	ssyncpa.u1 $0x1  }
0x189: {  	s31 =	simm.s32 $0x3C;
	[sflag:s30] =	ssyncpa.u1 $0x1  }
0x18a: {  	s14 =	rddreg [dreg:$0x5];
	[sflag:s31] =	ssyncpa.u1 $0x1  }
0x18b: {  	_ =	sfence.stream.spmem;
	s0 =	simm.s32 $0x5  }
0x18c: {  	s2 =	simm.s32 $0x2000;
	s3 =	simm.s32 $0xE418;
	[sflag:s0] =	ssyncpa.u1 $0x0  }
0x18d: {  	[tilespmem:s3], [sflag:$0x5] =	stream.linear.gather [spmem:s2], $0x20, $0x38;
	[tilespmem:$0x1E678] =	vst v63  }
0x18e: {  	s26 =	simm.s32 $0x0;
	s28 =	simm.s32 $0xE438  }
0x18f: {  	[tilespmem:s28], [sflag:$0x5] =	stream.linear.gather [spmem:s26], $0x2000, $0x38;
	[tilespmem:$0x1E678] =	vst v63  }
0x190: {  	_ =	swait.ge [sflag:s0], $0x2020  }
0x191: {  	[sflag:s0] =	ssyncset.done $0x0  }
0x192: {  	s29 =	simm.s32 $0x0;
	[sflag:s0] =	ssyncadd.s32 $0xFFFFDFE0  }
0x193: {  	v0 =	vld.msk [tilespmem:s29+$0xE418], $0x1;
	_ =	sdelay $0x1  }
0x194: {  	s30 =	simm.s32 $0x1  }
0x195: {  	v1 =	vld.msk [tilespmem:s30+$0xE418], $0x1;
	_ =	sdelay $0x1  }
0x196: {  	(v2sf) =	vpush v0, $0x0;
	_ =	sdelay $0x2  }
0x197: {  	(v2sf) =	vpush v1, $0x0;
	_ =	sdelay $0x2  }
0x198: {  	s31 =	simm.s32 $0x2  }
0x199: {  	v0 =	vld.msk [tilespmem:s31+$0xE418], $0x1;
	_ =	sdelay $0x2  }
0x19a: {  	s2 =	simm.s32 $0xFFFFFFFF;
	s3 =	simm.s32 $0xFFFFFFFF;
	s0 =	simm.s32 $0xC  }
.LBB2_30:
0x19b: {  	s4 =	smov.u32 s3;
	s5 =	smov.u32 s2  }
0x19c: {  	s2 =	sshra.s32 s0, $0x2;
	p1 =	sne.s32 s0, $0x7C;
	s0 =	sadd.s32 $0x4, s0;
	(v2sf) =	vpush v0, $0x0  }
0x19d: {  	v0 =	vld.msk [tilespmem:s2+$0xE418], $0x1  }
.Ltmp24:
0x19e: {  	(pc) =	sbr.rel @p1 .LBB2_30-.Ltmp24, $4  }
0x19f: {  	s3 =	spop (v2sf)  }
0x1a0: {  	p2 =	sne.s32 s5, $0xFFFFFFFF;
	s2 =	smov.u32 s3  }
0x1a1: {  	p3 =	seq.s32 s3, $0xFFFFFFFF;
	s2 =	smov.u32 @p2 s5  }
0x1a2: {  	s3 =	smov.u32 @p3 s4;
	s2 =	smov.u32 @p3 s5  }
0x1a3: {  	(v2sf) =	vpush v0, $0x0;
	_ =	sdelay $0x8  }
0x1a4: {  	s0 =	spop (v2sf)  }
0x1a5: {  	p1 =	sne.s32 s2, $0xFFFFFFFF;
	s9 =	simm.s32 $0x6;
	s4 =	smov.u32 s0  }
0x1a6: {  	s6 =	simm.s32 $0x0;
	p2 =	seq.s32 s0, $0xFFFFFFFF;
	s4 =	smov.u32 @p1 s2  }
0x1a7: {  	s10 =	simm.s32 $0xE308;
	s4 =	smov.u32 @p2 s2;
	s2 =	spop (v2sf)  }
0x1a8: {  	s0 =	smov.u32 @p2 s3;
	p1 =	sne.s32 s4, $0xFFFFFFFF;
	s5 =	smov.u32 s2  }
.Ltmp25:
0x1a9: {  	p2 =	seq.s32 s2, $0xFFFFFFFF;
	s5 =	smov.u32 @p1 s4;
	(pc) =	sbr.rel .LBB2_32-.Ltmp25, $4  }
0x1aa: {  	s11 =	simm.s32 $0xE388;
	s5 =	smov.u32 @p2 s4;
	s7 =	spop (v2sf)  }
0x1ab: {  	s12 =	simm.s32 $0x0;
	p1 =	sne.s32 s5, $0xFFFFFFFF;
	s8 =	smov.u32 s7  }
0x1ac: {  	s2 =	smov.u32 @p2 s0;
	p2 =	seq.s32 s7, $0xFFFFFFFF;
	s8 =	smov.u32 @p1 s5  }
0x1ad: {  	[sflag:s9] =	ssyncpa.u1 $0x0;
	s7 =	smov.u32 @p2 s2;
	s8 =	smov.u32 @p2 s5  }
.LBB2_38:
0x1ae: {  	p1 =	sgt.u32 s0, $0x4E170  }
0x1af: {  	p2 =	seq.s32 @!p1 s0, s8  }
0x1b0: {  	p1 =	por p1, p2  }
0x1b1: {  	p2 =	sne.s32 @!p1 s0, s7  }
0x1b2: {  	p1 =	por p1, !p2  }
0x1b3: {  	s0 =	sshll.u32 @p1 s12, $0xA  }
0x1b4: {  	s2 =	sand.u32 @!p1 $0x7FFF8, s0;
	s3 =	sand.u32 @!p1 $0x7, s0;
	s0 =	sadd.s32 @!p1 $0x80, s0  }
0x1b5: {  	s2 =	sadd.s32 @!p1 s1, s2;
	s0 =	sand.u32 @!p1 $0xFFFF8, s0  }
0x1b6: {  	[tilespmem:s10], [sflag:$0x6] =	stream.linear.gather @!p1 [hbm4b:s2+s3], $0x80, $0x38;
	[tilespmem:$0x1E678] =	vst v63  }
0x1b7: {  	s0 =	sadd.s32 @!p1 s1, s0  }
0x1b8: {  	[tilespmem:s11], [sflag:$0x6] =	stream.linear.gather @!p1 [hbm4b:s0+s3], $0x80, $0x38;
	[tilespmem:$0x1E678] =	vst v63  }
0x1b9: {  	_ =	swait.ge @!p1 [sflag:s9], $0x100  }
0x1ba: {  	[sflag:s9] =	ssyncset.done @!p1 $0x0  }
0x1bb: {  	[sflag:s9] =	ssyncadd.s32 @!p1 $0xFFFFFF00  }
0x1bc: {  	v1 =	vld @!p1 [tilespmem:$0xE308];
	_ =	sdelay $0x2  }
0x1bd: {  	s0 =	sshll.u32 @!p1 s12, $0xA  }
0x1be: {  	s2 =	sshrl.u32 @!p1 s0, $0x2  }
0x1bf: {  	[tilespmem:s2+$0xE438] =	vst.add.f32.msk @!p1 $0xffff, v1  }
0x1c0: {  	v1 =	vld @!p1 [tilespmem:$0xE318];
	_ =	sdelay $0x4  }
0x1c1: {  	[tilespmem:s2+$0xE448] =	vst.add.f32.msk @!p1 $0xffff, v1  }
0x1c2: {  	v1 =	vld @!p1 [tilespmem:$0xE328];
	_ =	sdelay $0x4  }
0x1c3: {  	[tilespmem:s2+$0xE458] =	vst.add.f32.msk @!p1 $0xffff, v1  }
0x1c4: {  	v1 =	vld @!p1 [tilespmem:$0xE338];
	_ =	sdelay $0x4  }
0x1c5: {  	[tilespmem:s2+$0xE468] =	vst.add.f32.msk @!p1 $0xffff, v1  }
0x1c6: {  	v1 =	vld @!p1 [tilespmem:$0xE348];
	_ =	sdelay $0x4  }
0x1c7: {  	[tilespmem:s2+$0xE478] =	vst.add.f32.msk @!p1 $0xffff, v1  }
0x1c8: {  	v1 =	vld @!p1 [tilespmem:$0xE358];
	_ =	sdelay $0x4  }
0x1c9: {  	[tilespmem:s2+$0xE488] =	vst.add.f32.msk @!p1 $0xffff, v1  }
0x1ca: {  	v1 =	vld @!p1 [tilespmem:$0xE368];
	_ =	sdelay $0x4  }
0x1cb: {  	[tilespmem:s2+$0xE498] =	vst.add.f32.msk @!p1 $0xffff, v1  }
0x1cc: {  	v1 =	vld @!p1 [tilespmem:$0xE378];
	_ =	sdelay $0x4  }
0x1cd: {  	[tilespmem:s2+$0xE4A8] =	vst.add.f32.msk @!p1 $0xffff, v1  }
0x1ce: {  	v1 =	vld @!p1 [tilespmem:$0xE388];
	_ =	sdelay $0x4  }
0x1cf: {  	[tilespmem:s2+$0xE4B8] =	vst.add.f32.msk @!p1 $0xffff, v1  }
0x1d0: {  	v1 =	vld @!p1 [tilespmem:$0xE398];
	_ =	sdelay $0x4  }
0x1d1: {  	[tilespmem:s2+$0xE4C8] =	vst.add.f32.msk @!p1 $0xffff, v1  }
0x1d2: {  	v1 =	vld @!p1 [tilespmem:$0xE3A8];
	_ =	sdelay $0x4  }
0x1d3: {  	[tilespmem:s2+$0xE4D8] =	vst.add.f32.msk @!p1 $0xffff, v1  }
0x1d4: {  	v1 =	vld @!p1 [tilespmem:$0xE3B8];
	_ =	sdelay $0x4  }
0x1d5: {  	[tilespmem:s2+$0xE4E8] =	vst.add.f32.msk @!p1 $0xffff, v1  }
0x1d6: {  	v1 =	vld @!p1 [tilespmem:$0xE3C8];
	_ =	sdelay $0x4  }
0x1d7: {  	[tilespmem:s2+$0xE4F8] =	vst.add.f32.msk @!p1 $0xffff, v1  }
0x1d8: {  	v1 =	vld @!p1 [tilespmem:$0xE3D8];
	_ =	sdelay $0x4  }
0x1d9: {  	[tilespmem:s2+$0xE508] =	vst.add.f32.msk @!p1 $0xffff, v1  }
0x1da: {  	v1 =	vld @!p1 [tilespmem:$0xE3E8];
	_ =	sdelay $0x4  }
0x1db: {  	[tilespmem:s2+$0xE518] =	vst.add.f32.msk @!p1 $0xffff, v1  }
0x1dc: {  	v1 =	vld @!p1 [tilespmem:$0xE3F8];
	_ =	sdelay $0x4  }
0x1dd: {  	[tilespmem:s2+$0xE528] =	vst.add.f32.msk @!p1 $0xffff, v1  }
0x1de: {  	s0 =	sshrl.u32 s0, $0x2;
	[tilespmem:s6+$0xE418] =	vst.msk $0x1, v0  }
0x1df: {  	v0 =	vld [tilespmem:s0+$0xE438];
	_ =	sdelay $0x2  }
0x1e0: {  	s31 =	sshll.u32 s6, $0xA  }
0x1e1: {  	s2 =	sshra.s32 s31, $0x2  }
0x1e2: {  	[tilespmem:s2+$0xE438] =	vst v0  }
0x1e3: {  	v0 =	vld [tilespmem:s0+$0xE448];
	_ =	sdelay $0x4  }
0x1e4: {  	[tilespmem:s2+$0xE448] =	vst v0  }
0x1e5: {  	v0 =	vld [tilespmem:s0+$0xE458];
	_ =	sdelay $0x4  }
0x1e6: {  	[tilespmem:s2+$0xE458] =	vst v0  }
0x1e7: {  	v0 =	vld [tilespmem:s0+$0xE468];
	_ =	sdelay $0x4  }
0x1e8: {  	[tilespmem:s2+$0xE468] =	vst v0  }
0x1e9: {  	v0 =	vld [tilespmem:s0+$0xE478];
	_ =	sdelay $0x4  }
0x1ea: {  	[tilespmem:s2+$0xE478] =	vst v0  }
0x1eb: {  	v0 =	vld [tilespmem:s0+$0xE488];
	_ =	sdelay $0x4  }
0x1ec: {  	[tilespmem:s2+$0xE488] =	vst v0  }
0x1ed: {  	v0 =	vld [tilespmem:s0+$0xE498];
	_ =	sdelay $0x4  }
0x1ee: {  	[tilespmem:s2+$0xE498] =	vst v0  }
0x1ef: {  	v0 =	vld [tilespmem:s0+$0xE4A8];
	_ =	sdelay $0x4  }
0x1f0: {  	[tilespmem:s2+$0xE4A8] =	vst v0  }
0x1f1: {  	v0 =	vld [tilespmem:s0+$0xE4B8];
	_ =	sdelay $0x4  }
0x1f2: {  	[tilespmem:s2+$0xE4B8] =	vst v0  }
0x1f3: {  	v0 =	vld [tilespmem:s0+$0xE4C8];
	_ =	sdelay $0x4  }
0x1f4: {  	[tilespmem:s2+$0xE4C8] =	vst v0  }
0x1f5: {  	v0 =	vld [tilespmem:s0+$0xE4D8];
	_ =	sdelay $0x4  }
0x1f6: {  	[tilespmem:s2+$0xE4D8] =	vst v0  }
0x1f7: {  	v0 =	vld [tilespmem:s0+$0xE4E8];
	_ =	sdelay $0x4  }
0x1f8: {  	[tilespmem:s2+$0xE4E8] =	vst v0  }
0x1f9: {  	v0 =	vld [tilespmem:s0+$0xE4F8];
	_ =	sdelay $0x4  }
0x1fa: {  	[tilespmem:s2+$0xE4F8] =	vst v0  }
0x1fb: {  	v0 =	vld [tilespmem:s0+$0xE508];
	_ =	sdelay $0x4  }
0x1fc: {  	[tilespmem:s2+$0xE508] =	vst v0  }
0x1fd: {  	v0 =	vld [tilespmem:s0+$0xE518];
	_ =	sdelay $0x4  }
0x1fe: {  	[tilespmem:s2+$0xE518] =	vst v0  }
0x1ff: {  	v0 =	vld [tilespmem:s0+$0xE528];
	_ =	sdelay $0x4  }
0x200: {  	s6 =	sadd.s32 $0x1, s6;
	[tilespmem:s2+$0xE528] =	vst v0  }
.LBB2_39:
0x201: {  	s12 =	sadd.s32 $0x1, s12  }
0x202: {  	p1 =	sne.s32 s12, $0x20  }
.Ltmp26:
0x203: {  	_ = 	snop;
	(pc) =	sbr.rel @!p1 .LBB2_40-.Ltmp26, $1  }
0x204: {  	_ =	sdelay $0x3  }
.LBB2_32:
0x205: {  	v0 =	vld.msk [tilespmem:s12+$0xE418], $0x1;
	_ =	sdelay $0x4  }
0x206: {  	(v2sf) =	vpush v0, $0x0;
	_ =	sdelay $0xe  }
0x207: {  	s0 =	spop (v2sf)  }
0x208: {  	p1 =	seq.s32 s0, $0xFFFFFFFF  }
.Ltmp27:
0x209: {  	_ = 	snop;
	(pc) =	sbr.rel @p1 .LBB2_39-.Ltmp27, $1  }
0x20a: {  	_ =	sdelay $0x3  }
0x20b: {  	p1 =	slt.s32 s6, $0x1  }
.Ltmp28:
0x20c: {  	_ = 	snop;
	(pc) =	sbr.rel @p1 .LBB2_38-.Ltmp28, $1  }
0x20d: {  	_ =	sdelay $0x3  }
0x20e: {  	s4 =	simm.s32 $0xE418;
	p1 =	por $0x0, $0x0  }
0x20f: {  	v1 =	vld.msk @!p1 [tilespmem:s4+$0x0], $0x1;
	_ =	sdelay $0x4  }
0x210: {  	(v2sf) =	vpush @!p1 v1, $0x0;
	_ =	sdelay $0xd  }
0x211: {  	p3 =	sne.s32 s6, $0x1  }
.Ltmp29:
0x212: {  	s2 =	spop @!p1 (v2sf);
	(pc) =	sbr.rel @!p3 .LBB2_36-.Ltmp29, $4  }
0x213: {  	p2 =	seq.s32 @!p1 s0, s2  }
0x214: {  	s5 =	simm.s32 $0x0;
	p2 =	por !p2, p1  }
0x215: {  	s2 =	simm.s32 $0xFFFFFFFF;
	s5 =	simm.s32 @p2 $0xFFFFFFFF  }
0x216: {  	s13 =	simm.s32 $0x1;
	s5 =	smov.u32 @p1 s2  }
.LBB2_35:
0x217: {  	s2 =	smov.u32 s5;
	p1 =	sne.s32 s5, $0xFFFFFFFF  }
0x218: {  	s4 =	sadd.s32 $0x1, s4;
	s5 =	smov.u32 s13;
	s13 =	sadd.s32 $0x1, s13  }
0x219: {  	p2 =	sne.s32 s6, s13;
	v1 =	vld.msk @!p1 [tilespmem:s4+$0x0], $0x1;
	_ =	sdelay $0x4  }
0x21a: {  	(v2sf) =	vpush @!p1 v1, $0x0;
	_ =	sdelay $0xe  }
.Ltmp30:
0x21b: {  	s3 =	spop @!p1 (v2sf);
	(pc) =	sbr.rel @p2 .LBB2_35-.Ltmp30, $4  }
0x21c: {  	p3 =	seq.s32 @!p1 s0, s3  }
0x21d: {  	p3 =	por !p3, p1  }
0x21e: {  	s5 =	simm.s32 @p3 $0xFFFFFFFF  }
0x21f: {  	s5 =	smov.u32 @p1 s2  }
.LBB2_36:
0x220: {  	p1 =	seq.s32 s5, $0xFFFFFFFF  }
.Ltmp31:
0x221: {  	_ = 	snop;
	(pc) =	sbr.rel @p1 .LBB2_38-.Ltmp31, $1  }
0x222: {  	_ =	sdelay $0x3  }
0x223: {  	s0 =	sshll.u32 s12, $0x8  }
0x224: {  	s0 =	sand.u32 $0x3FFFFF00, s0  }
0x225: {  	v0 =	vld [tilespmem:s0+$0xE438];
	_ =	sdelay $0x2  }
0x226: {  	s2 =	sshll.u32 s5, $0xA  }
0x227: {  	s2 =	sshra.s32 s2, $0x2  }
0x228: {  	[tilespmem:s2+$0xE438] =	vst.add.f32.msk $0xffff, v0  }
0x229: {  	v0 =	vld [tilespmem:s0+$0xE448];
	_ =	sdelay $0x4  }
0x22a: {  	[tilespmem:s2+$0xE448] =	vst.add.f32.msk $0xffff, v0  }
0x22b: {  	v0 =	vld [tilespmem:s0+$0xE458];
	_ =	sdelay $0x4  }
0x22c: {  	[tilespmem:s2+$0xE458] =	vst.add.f32.msk $0xffff, v0  }
0x22d: {  	v0 =	vld [tilespmem:s0+$0xE468];
	_ =	sdelay $0x4  }
0x22e: {  	[tilespmem:s2+$0xE468] =	vst.add.f32.msk $0xffff, v0  }
0x22f: {  	v0 =	vld [tilespmem:s0+$0xE478];
	_ =	sdelay $0x4  }
0x230: {  	[tilespmem:s2+$0xE478] =	vst.add.f32.msk $0xffff, v0  }
0x231: {  	v0 =	vld [tilespmem:s0+$0xE488];
	_ =	sdelay $0x4  }
0x232: {  	[tilespmem:s2+$0xE488] =	vst.add.f32.msk $0xffff, v0  }
0x233: {  	v0 =	vld [tilespmem:s0+$0xE498];
	_ =	sdelay $0x4  }
0x234: {  	[tilespmem:s2+$0xE498] =	vst.add.f32.msk $0xffff, v0  }
0x235: {  	v0 =	vld [tilespmem:s0+$0xE4A8];
	_ =	sdelay $0x4  }
0x236: {  	[tilespmem:s2+$0xE4A8] =	vst.add.f32.msk $0xffff, v0  }
0x237: {  	v0 =	vld [tilespmem:s0+$0xE4B8];
	_ =	sdelay $0x4  }
0x238: {  	[tilespmem:s2+$0xE4B8] =	vst.add.f32.msk $0xffff, v0  }
0x239: {  	v0 =	vld [tilespmem:s0+$0xE4C8];
	_ =	sdelay $0x4  }
0x23a: {  	[tilespmem:s2+$0xE4C8] =	vst.add.f32.msk $0xffff, v0  }
0x23b: {  	v0 =	vld [tilespmem:s0+$0xE4D8];
	_ =	sdelay $0x4  }
0x23c: {  	[tilespmem:s2+$0xE4D8] =	vst.add.f32.msk $0xffff, v0  }
0x23d: {  	v0 =	vld [tilespmem:s0+$0xE4E8];
	_ =	sdelay $0x4  }
0x23e: {  	[tilespmem:s2+$0xE4E8] =	vst.add.f32.msk $0xffff, v0  }
0x23f: {  	v0 =	vld [tilespmem:s0+$0xE4F8];
	_ =	sdelay $0x4  }
0x240: {  	[tilespmem:s2+$0xE4F8] =	vst.add.f32.msk $0xffff, v0  }
0x241: {  	v0 =	vld [tilespmem:s0+$0xE508];
	_ =	sdelay $0x4  }
0x242: {  	[tilespmem:s2+$0xE508] =	vst.add.f32.msk $0xffff, v0  }
0x243: {  	v0 =	vld [tilespmem:s0+$0xE518];
	_ =	sdelay $0x4  }
0x244: {  	[tilespmem:s2+$0xE518] =	vst.add.f32.msk $0xffff, v0  }
0x245: {  	v0 =	vld [tilespmem:s0+$0xE528]  }
.Ltmp32:
0x246: {  	_ = 	snop;
	(pc) =	sbr.rel .LBB2_39-.Ltmp32, $2  }
0x247: {  	_ =	sdelay $0x2  }
0x248: {  	[tilespmem:s2+$0xE528] =	vst.add.f32.msk $0xffff, v0  }
.LBB2_40:
0x249: {  	s0 =	simm.s32 $0x6;
	p1 =	seq.s32 s6, $0x0  }
0x24a: {  	[sflag:s0] =	ssyncpa.u1 $0x1;
	v0 =	vimm.s32 @p1 $0xFFFFFFFF  }
0x24b: {  	s0 =	sadd.s32 $0xFFFFFFFF, s6;
	[tilespmem:$0x10438] =	vst @p1 v0  }
0x24c: {  	v0 =	vld.msk @!p1 [tilespmem:s0+$0xE418], $0x1;
	_ =	sdelay $0x1  }
0x24d: {  	v1 =	vld.msk @!p1 [tilespmem:$0xE418], $0x1;
	_ =	sdelay $0x2  }
0x24e: {  	p2 =	seq.s32 @!p1 s0, $0x0;
	v0 =	vbroadcast @!p1 v0, $0x0  }
0x24f: {  	vm0 =	vmmov @!p1 $0x1;
	p2 =	por !p2, p1  }
0x250: {  	v1 =	vnsel @!p1 vm0, $0xFFFFFFFF, v1;
	vm0 =	vcmask @!p1 $0x308;
	v0 =	vpsel !p2, $0xFFFFFFFF, v0  }
0x251: {  	p2 =	sne.s32 @!p1 s8, s7;
	v0 =	vsel @!p1 vm0, v1, v0  }
0x252: {  	s2 =	simm.s32 @!p1 $0xE438;
	s3 =	simm.s32 @!p1 $0x0;
	p3 =	por !p2, p1;
	[tilespmem:$0x10438] =	vst @!p1 v0  }
0x253: {  	[spmem:s3] =	stream.linear.scatter @!p1 [tilespmem:s2], [sflag:$0x1], $0x100, $0x38;
	[tilespmem:$0x1E678] =	vst v63  }
0x254: {  	s2 =	sshll.u32 @!p3 s0, $0xA  }
0x255: {  	s2 =	sshra.s32 @!p3 s2, $0x2  }
0x256: {  	s3 =	simm.s32 @!p3 $0x100;
	s2 =	sadd.s32 @!p3 $0xE438, s2  }
0x257: {  	[spmem:s3] =	stream.linear.scatter @!p3 [tilespmem:s2], [sflag:$0x1], $0x100, $0x38;
	[tilespmem:$0x1E678] =	vst v63  }
0x258: {  	s2 =	simm.s32 @!p3 $0x1  }
0x259: {  	_ =	swait.ge @!p3 [sflag:s2], $0x200  }
0x25a: {  	p1 =	por p2, p1;
	[sflag:s2] =	ssyncset.done @!p3 $0x0  }
0x25b: {  	[sflag:s2] =	ssyncadd.s32 @!p3 $0xFFFFFE00;
	s2 =	simm.s32 @!p1 $0x1  }
0x25c: {  	_ =	swait.ge @!p1 [sflag:s2], $0x100  }
0x25d: {  	s29 =	simm.s32 $0x10438;
	[sflag:s2] =	ssyncset.done @!p1 $0x0  }
0x25e: {  	s30 =	simm.s32 $0x2000;
	s31 =	simm.s32 $0x1;
	[sflag:s2] =	ssyncadd.s32 @!p1 $0xFFFFFF00  }
0x25f: {  	[spmem:s30] =	stream.linear.scatter [tilespmem:s29], [sflag:$0x1], $0x10, $0x38;
	[tilespmem:$0x1E678] =	vst v63  }
0x260: {  	_ =	swait.ge [sflag:s31], $0x10  }
0x261: {  	[sflag:s31] =	ssyncset.done $0x0  }
0x262: {  	p1 =	seq.s32 s14, $0x0;
	s9 =	rddreg [dreg:$0x2];
	[sflag:s31] =	ssyncadd.s32 $0xFFFFFFF0  }
0x263: {  	s3 =	sshll.u32 @p1 s9, $0xE;
	s8 =	rddreg [dreg:$0x3]  }
0x264: {  	s2 =	sadd.s32 @p1 $0x15C3C, s3;
	s3 =	sshll.u32 @p1 s8, $0x11  }
0x265: {  	_ =	sfence.stream.spmem;
	s2 =	sor.u32 @p1 s3, s2  }
0x266: {  	[sflag:s2] =	ssyncadd.remote.s32 @p1 $0x1;
	s2 =	simm.s32 @p1 $0x4  }
0x267: {  	s4 =	simm.s32 @!p1 $0x3C;
	s3 =	sand.u32 $0xFFFFFFFE, s9;
	_ =	swait.ge @p1 [sflag:s2], $0x42  }
0x268: {  	s5 =	simm.s32 @!p1 $0x0;
	s3 =	sadd.s32 @!p1 $0x4, s3;
	[sflag:s2] =	ssyncset.done @p1 $0x0  }
0x269: {  	s7 =	simm.s32 @!p1 $0x200;
	[sflag:s2] =	ssyncadd.s32 @p1 $0xFFFFFFBE;
	s2 =	sshll.u32 @!p1 s3, $0x1A  }
0x26a: {  	s3 =	sshll.u32 @!p1 s3, $0xD;
	s2 =	sor.u32 @!p1 s2, s8;
	_ =	swait.eq @!p1 [sflag:s4], $0x1  }
0x26b: {  	s3 =	sor.u32 @!p1 $0x1C04, s3;
	s4 =	simm.s32 @!p1 $0x1C03;
	s2 =	sor.u32 @!p1 $0x80004000, s2  }
0x26c: {  	[spmem:s7], [sflag:s3] =	dma.general @!p1 [spmem:s5], [sflag:s4], length:$0x40, [dreg:$0x0], stride_count:$0x0, ici_dest:s2, dma_misc:DstOpCode:WRITE  }
0x26d: {  	p2 =	slt.s32 s0, $0x2;
	s5 =	simm.s32 @!p1 $0x400;
	s7 =	simm.s32 @!p1 $0x402  }
0x26e: {  	[spmem:s7], [sflag:s3] =	dma.general @!p1 [spmem:s5], [sflag:s4], length:$0x2, [dreg:$0x0], stride_count:$0x0, ici_dest:s2, dma_misc:DstOpCode:WRITE  }
.Ltmp33:
0x26f: {  	s2 =	simm.s32 @!p1 $0x3;
	(pc) =	sbr.rel @p2 .LBB2_44-.Ltmp33, $4  }
0x270: {  	s3 =	sshll.u32 @!p1 s9, $0xE;
	_ =	swait.ge @!p1 [sflag:s2], $0x42  }
0x271: {  	s4 =	sshll.u32 @!p1 s8, $0x11;
	s3 =	sadd.s32 @!p1 $0x11C3C, s3;
	[sflag:s2] =	ssyncset.done @!p1 $0x0  }
0x272: {  	[sflag:s2] =	ssyncadd.s32 @!p1 $0xFFFFFFBE;
	s2 =	sor.u32 @!p1 s4, s3  }
0x273: {  	s0 =	simm.s32 $0x0;
	[sflag:s2] =	ssyncadd.remote.s32 @!p1 $0xFFFFFFFF  }
0x274: {  	s0 =	simm.s32 $0xE419  }
0x275: {  	v0 =	vld.msk [tilespmem:s0+$0x0], $0x1;
	_ =	sdelay $0x4  }
0x276: {  	(v2sf) =	vpush v0, $0x0;
	_ =	sdelay $0xd  }
0x277: {  	s31 =	sadd.s32 $0xFFFFFFFE, s6  }
0x278: {  	s6 =	simm.s32 $0x0;
	s0 =	sadd.s32 $0xFFFFFFFF, s31;
	s2 =	spop (v2sf)  }
0x279: {  	s3 =	simm.s32 $0xE538;
	p1 =	sne.s32 s0, $0x0;
	p2 =	sgt.u32 s2, $0x4E170  }
.Ltmp34:
0x27a: {  	s4 =	simm.s32 $0xE638;
	s5 =	sand.u32 @!p2 $0x7FFF8, s2;
	(pc) =	sbr.rel @!p1 .LBB2_43-.Ltmp34, $4  }
0x27b: {  	s7 =	sadd.s32 @!p2 $0x80, s2;
	s2 =	sand.u32 @!p2 $0x7, s2;
	s6 =	simm.s32 @!p2 $0x400  }
0x27c: {  	s5 =	sadd.s32 @!p2 s1, s5;
	s7 =	sand.u32 @!p2 $0xFFFF8, s7;
	s6 =	sadd.s32 $0x0, s6  }
0x27d: {  	[hbm4b:s5+s2] =	stream.linear.scatter @!p2 [tilespmem:s3], [sflag:$0x5], $0x80, $0x38;
	[tilespmem:$0x1E678] =	vst v63  }
0x27e: {  	s5 =	simm.s32 $0xE41A;
	s3 =	simm.s32 @!p2 $0xE5B8;
	s7 =	sadd.s32 @!p2 s1, s7  }
.LBB2_42:
0x27f: {  	[hbm4b:s7+s2] =	stream.linear.scatter @!p2 [tilespmem:s3], [sflag:$0x5], $0x80, $0x38;
	[tilespmem:$0x1E678] =	vst v63  }
0x280: {  	s0 =	sadd.s32 $0xFFFFFFFF, s0;
	s3 =	smov.u32 s4;
	v0 =	vld.msk [tilespmem:s5+$0x0], $0x1  }
0x281: {  	p1 =	sne.s32 s0, $0x0;
	_ =	sdelay $0x3  }
0x282: {  	(v2sf) =	vpush v0, $0x0;
	_ =	sdelay $0xe  }
0x283: {  	s4 =	sadd.s32 $0x100, s4;
	s8 =	simm.s32 $0x0;
	s2 =	spop (v2sf)  }
.Ltmp35:
0x284: {  	s5 =	sadd.s32 $0x1, s5;
	p2 =	sgt.u32 s2, $0x4E170;
	(pc) =	sbr.rel @p1 .LBB2_42-.Ltmp35, $4  }
0x285: {  	s8 =	simm.s32 @!p2 $0x400;
	s7 =	sand.u32 @!p2 $0x7FFF8, s2;
	s9 =	sadd.s32 @!p2 $0x80, s2  }
0x286: {  	s2 =	sand.u32 @!p2 $0x7, s2;
	s7 =	sadd.s32 @!p2 s1, s7;
	s9 =	sand.u32 @!p2 $0xFFFF8, s9  }
0x287: {  	[hbm4b:s7+s2] =	stream.linear.scatter @!p2 [tilespmem:s3], [sflag:$0x5], $0x80, $0x38;
	[tilespmem:$0x1E678] =	vst v63  }
0x288: {  	s6 =	sadd.s32 s6, s8;
	s3 =	sadd.s32 @!p2 $0x80, s3;
	s7 =	sadd.s32 @!p2 s1, s9  }
.LBB2_43:
0x289: {  	[hbm4b:s7+s2] =	stream.linear.scatter @!p2 [tilespmem:s3], [sflag:$0x5], $0x80, $0x38;
	[tilespmem:$0x1E678] =	vst v63  }
0x28a: {  	s0 =	sshrl.u32 s6, $0x2  }
.LBB2_44:
0x28b: {  	s2 =	simm.s32 $0x5  }
0x28c: {  	_ =	swait.ge [sflag:s2], s0  }
0x28d: {  	s31 =	ssub.s32 $0x0, s0;
	[sflag:s2] =	ssyncset.done $0x0  }
0x28e: {  	[sflag:s2] =	ssyncadd.s32 s31  }
0x28f: {  	[sflag:s2] =	ssyncpa.u1 $0x1  }
.LBB2_45:
0x290: {  	s0 =	sor.u32 s14, s15  }
0x291: {  	p1 =	sne.s32 s0, $0x0  }
.Ltmp36:
0x292: {  	_ = 	snop;
	(pc) =	sbr.rel @p1 .LBB2_60-.Ltmp36, $3  }
0x293: {  	_ =	sdelay $0x1  }
0x294: {  	[bflag:$0x0] =	sbarrier.arrive $0xFFFF  }
0x295: {  	_ =	sfence  }
0x296: {  	s0 =	simm.s32 $0x7  }
0x297: {  	s2 =	simm.s32 $0x2000;
	s3 =	simm.s32 $0xE418;
	[sflag:s0] =	ssyncpa.u1 $0x0  }
0x298: {  	[tilespmem:s3], [sflag:$0x7] =	stream.linear.gather [spmem:s2], $0x20, $0x38;
	[tilespmem:$0x1E678] =	vst v63  }
0x299: {  	s30 =	simm.s32 $0xE438;
	s2 =	simm.s32 $0x0  }
0x29a: {  	[tilespmem:s30], [sflag:$0x7] =	stream.linear.gather [spmem:s2], $0x2000, $0x38;
	[tilespmem:$0x1E678] =	vst v63  }
.Ltmp37:
0x29b: {  	_ = 	snop;
	(pc) =	sbr.rel .LBB2_47-.Ltmp37, $4  }
0x29c: {  	_ =	swait.ge [sflag:s0], $0x2020  }
0x29d: {  	[sflag:s0] =	ssyncset.done $0x0  }
0x29e: {  	s31 =	simm.s32 $0x8;
	[sflag:s0] =	ssyncadd.s32 $0xFFFFDFE0  }
0x29f: {  	s3 =	simm.s32 $0x0;
	[sflag:s31] =	ssyncpa.u1 $0x0  }
.LBB2_53:
0x2a0: {  	p1 =	slt.u32 s0, $0x4E171  }
0x2a1: {  	s4 =	sand.u32 @p1 $0x7FFF8, s0;
	s5 =	sand.u32 @p1 $0x7, s0;
	s0 =	sadd.s32 @p1 $0x80, s0  }
0x2a2: {  	s6 =	simm.s32 @p1 $0xE308;
	s4 =	sadd.s32 @p1 s1, s4;
	s0 =	sand.u32 @p1 $0xFFFF8, s0  }
0x2a3: {  	[tilespmem:s6], [sflag:$0x8] =	stream.linear.gather @p1 [hbm4b:s4+s5], $0x80, $0x38;
	[tilespmem:$0x1E678] =	vst v63  }
0x2a4: {  	s0 =	sadd.s32 @p1 s1, s0;
	s4 =	simm.s32 @p1 $0xE388  }
0x2a5: {  	[tilespmem:s4], [sflag:$0x8] =	stream.linear.gather @p1 [hbm4b:s0+s5], $0x80, $0x38;
	[tilespmem:$0x1E678] =	vst v63  }
0x2a6: {  	s0 =	simm.s32 @p1 $0x8  }
0x2a7: {  	_ =	swait.ge @p1 [sflag:s0], $0x100  }
0x2a8: {  	[sflag:s0] =	ssyncset.done @p1 $0x0  }
0x2a9: {  	[sflag:s0] =	ssyncadd.s32 @p1 $0xFFFFFF00  }
0x2aa: {  	v1 =	vld @p1 [tilespmem:$0xE308];
	_ =	sdelay $0x2  }
0x2ab: {  	s0 =	sshll.u32 @p1 s3, $0xA  }
0x2ac: {  	s4 =	sshrl.u32 @p1 s0, $0x2  }
0x2ad: {  	[tilespmem:s4+$0xE438] =	vst.add.f32.msk @p1 $0xffff, v1  }
0x2ae: {  	v1 =	vld @p1 [tilespmem:$0xE318];
	_ =	sdelay $0x4  }
0x2af: {  	[tilespmem:s4+$0xE448] =	vst.add.f32.msk @p1 $0xffff, v1  }
0x2b0: {  	v1 =	vld @p1 [tilespmem:$0xE328];
	_ =	sdelay $0x4  }
0x2b1: {  	[tilespmem:s4+$0xE458] =	vst.add.f32.msk @p1 $0xffff, v1  }
0x2b2: {  	v1 =	vld @p1 [tilespmem:$0xE338];
	_ =	sdelay $0x4  }
0x2b3: {  	[tilespmem:s4+$0xE468] =	vst.add.f32.msk @p1 $0xffff, v1  }
0x2b4: {  	v1 =	vld @p1 [tilespmem:$0xE348];
	_ =	sdelay $0x4  }
0x2b5: {  	[tilespmem:s4+$0xE478] =	vst.add.f32.msk @p1 $0xffff, v1  }
0x2b6: {  	v1 =	vld @p1 [tilespmem:$0xE358];
	_ =	sdelay $0x4  }
0x2b7: {  	[tilespmem:s4+$0xE488] =	vst.add.f32.msk @p1 $0xffff, v1  }
0x2b8: {  	v1 =	vld @p1 [tilespmem:$0xE368];
	_ =	sdelay $0x4  }
0x2b9: {  	[tilespmem:s4+$0xE498] =	vst.add.f32.msk @p1 $0xffff, v1  }
0x2ba: {  	v1 =	vld @p1 [tilespmem:$0xE378];
	_ =	sdelay $0x4  }
0x2bb: {  	[tilespmem:s4+$0xE4A8] =	vst.add.f32.msk @p1 $0xffff, v1  }
0x2bc: {  	v1 =	vld @p1 [tilespmem:$0xE388];
	_ =	sdelay $0x4  }
0x2bd: {  	[tilespmem:s4+$0xE4B8] =	vst.add.f32.msk @p1 $0xffff, v1  }
0x2be: {  	v1 =	vld @p1 [tilespmem:$0xE398];
	_ =	sdelay $0x4  }
0x2bf: {  	[tilespmem:s4+$0xE4C8] =	vst.add.f32.msk @p1 $0xffff, v1  }
0x2c0: {  	v1 =	vld @p1 [tilespmem:$0xE3A8];
	_ =	sdelay $0x4  }
0x2c1: {  	[tilespmem:s4+$0xE4D8] =	vst.add.f32.msk @p1 $0xffff, v1  }
0x2c2: {  	v1 =	vld @p1 [tilespmem:$0xE3B8];
	_ =	sdelay $0x4  }
0x2c3: {  	[tilespmem:s4+$0xE4E8] =	vst.add.f32.msk @p1 $0xffff, v1  }
0x2c4: {  	v1 =	vld @p1 [tilespmem:$0xE3C8];
	_ =	sdelay $0x4  }
0x2c5: {  	[tilespmem:s4+$0xE4F8] =	vst.add.f32.msk @p1 $0xffff, v1  }
0x2c6: {  	v1 =	vld @p1 [tilespmem:$0xE3D8];
	_ =	sdelay $0x4  }
0x2c7: {  	[tilespmem:s4+$0xE508] =	vst.add.f32.msk @p1 $0xffff, v1  }
0x2c8: {  	v1 =	vld @p1 [tilespmem:$0xE3E8];
	_ =	sdelay $0x4  }
0x2c9: {  	[tilespmem:s4+$0xE518] =	vst.add.f32.msk @p1 $0xffff, v1  }
0x2ca: {  	v1 =	vld @p1 [tilespmem:$0xE3F8];
	_ =	sdelay $0x3  }
0x2cb: {  	s5 =	sshll.u32 @!p1 s3, $0xA  }
0x2cc: {  	s5 =	smov.u32 @p1 s0;
	[tilespmem:s4+$0xE528] =	vst.add.f32.msk @p1 $0xffff, v1  }
0x2cd: {  	s0 =	sshrl.u32 s5, $0x2;
	[tilespmem:s2+$0xE418] =	vst.msk $0x1, v0  }
0x2ce: {  	v0 =	vld [tilespmem:s0+$0xE438];
	_ =	sdelay $0x2  }
0x2cf: {  	s31 =	sshll.u32 s2, $0xA  }
0x2d0: {  	s4 =	sshra.s32 s31, $0x2  }
0x2d1: {  	[tilespmem:s4+$0xE438] =	vst v0  }
0x2d2: {  	v0 =	vld [tilespmem:s0+$0xE448];
	_ =	sdelay $0x4  }
0x2d3: {  	[tilespmem:s4+$0xE448] =	vst v0  }
0x2d4: {  	v0 =	vld [tilespmem:s0+$0xE458];
	_ =	sdelay $0x4  }
0x2d5: {  	[tilespmem:s4+$0xE458] =	vst v0  }
0x2d6: {  	v0 =	vld [tilespmem:s0+$0xE468];
	_ =	sdelay $0x4  }
0x2d7: {  	[tilespmem:s4+$0xE468] =	vst v0  }
0x2d8: {  	v0 =	vld [tilespmem:s0+$0xE478];
	_ =	sdelay $0x4  }
0x2d9: {  	[tilespmem:s4+$0xE478] =	vst v0  }
0x2da: {  	v0 =	vld [tilespmem:s0+$0xE488];
	_ =	sdelay $0x4  }
0x2db: {  	[tilespmem:s4+$0xE488] =	vst v0  }
0x2dc: {  	v0 =	vld [tilespmem:s0+$0xE498];
	_ =	sdelay $0x4  }
0x2dd: {  	[tilespmem:s4+$0xE498] =	vst v0  }
0x2de: {  	v0 =	vld [tilespmem:s0+$0xE4A8];
	_ =	sdelay $0x4  }
0x2df: {  	[tilespmem:s4+$0xE4A8] =	vst v0  }
0x2e0: {  	v0 =	vld [tilespmem:s0+$0xE4B8];
	_ =	sdelay $0x4  }
0x2e1: {  	[tilespmem:s4+$0xE4B8] =	vst v0  }
0x2e2: {  	v0 =	vld [tilespmem:s0+$0xE4C8];
	_ =	sdelay $0x4  }
0x2e3: {  	[tilespmem:s4+$0xE4C8] =	vst v0  }
0x2e4: {  	v0 =	vld [tilespmem:s0+$0xE4D8];
	_ =	sdelay $0x4  }
0x2e5: {  	[tilespmem:s4+$0xE4D8] =	vst v0  }
0x2e6: {  	v0 =	vld [tilespmem:s0+$0xE4E8];
	_ =	sdelay $0x4  }
0x2e7: {  	[tilespmem:s4+$0xE4E8] =	vst v0  }
0x2e8: {  	v0 =	vld [tilespmem:s0+$0xE4F8];
	_ =	sdelay $0x4  }
0x2e9: {  	[tilespmem:s4+$0xE4F8] =	vst v0  }
0x2ea: {  	v0 =	vld [tilespmem:s0+$0xE508];
	_ =	sdelay $0x4  }
0x2eb: {  	[tilespmem:s4+$0xE508] =	vst v0  }
0x2ec: {  	v0 =	vld [tilespmem:s0+$0xE518];
	_ =	sdelay $0x4  }
0x2ed: {  	[tilespmem:s4+$0xE518] =	vst v0  }
0x2ee: {  	v0 =	vld [tilespmem:s0+$0xE528];
	_ =	sdelay $0x4  }
0x2ef: {  	s2 =	sadd.s32 $0x1, s2;
	[tilespmem:s4+$0xE528] =	vst v0  }
.LBB2_54:
0x2f0: {  	s3 =	sadd.s32 $0x1, s3  }
0x2f1: {  	p1 =	sne.s32 s3, $0x20  }
.Ltmp38:
0x2f2: {  	_ = 	snop;
	(pc) =	sbr.rel @!p1 .LBB2_55-.Ltmp38, $1  }
0x2f3: {  	_ =	sdelay $0x3  }
.LBB2_47:
0x2f4: {  	v0 =	vld.msk [tilespmem:s3+$0xE418], $0x1;
	_ =	sdelay $0x4  }
0x2f5: {  	(v2sf) =	vpush v0, $0x0;
	_ =	sdelay $0xe  }
0x2f6: {  	s0 =	spop (v2sf)  }
0x2f7: {  	p1 =	seq.s32 s0, $0xFFFFFFFF  }
.Ltmp39:
0x2f8: {  	_ = 	snop;
	(pc) =	sbr.rel @p1 .LBB2_54-.Ltmp39, $1  }
0x2f9: {  	_ =	sdelay $0x3  }
0x2fa: {  	p1 =	slt.s32 s2, $0x1  }
.Ltmp40:
0x2fb: {  	_ = 	snop;
	(pc) =	sbr.rel @p1 .LBB2_53-.Ltmp40, $1  }
0x2fc: {  	_ =	sdelay $0x3  }
0x2fd: {  	s4 =	simm.s32 $0xE418;
	p1 =	por $0x0, $0x0  }
0x2fe: {  	v1 =	vld.msk @!p1 [tilespmem:s4+$0x0], $0x1;
	_ =	sdelay $0x4  }
0x2ff: {  	(v2sf) =	vpush @!p1 v1, $0x0;
	_ =	sdelay $0xd  }
0x300: {  	p3 =	sne.s32 s2, $0x1  }
.Ltmp41:
0x301: {  	s5 =	spop @!p1 (v2sf);
	(pc) =	sbr.rel @!p3 .LBB2_51-.Ltmp41, $4  }
0x302: {  	p2 =	seq.s32 @!p1 s0, s5  }
0x303: {  	s5 =	simm.s32 $0x0;
	p2 =	por !p2, p1  }
0x304: {  	s7 =	simm.s32 $0xFFFFFFFF;
	s5 =	simm.s32 @p2 $0xFFFFFFFF  }
0x305: {  	s6 =	simm.s32 $0x1;
	s5 =	smov.u32 @p1 s7  }
.LBB2_50:
0x306: {  	s7 =	smov.u32 s5;
	p1 =	sne.s32 s5, $0xFFFFFFFF  }
0x307: {  	s4 =	sadd.s32 $0x1, s4;
	s5 =	smov.u32 s6;
	s6 =	sadd.s32 $0x1, s6  }
0x308: {  	p2 =	sne.s32 s2, s6;
	v1 =	vld.msk @!p1 [tilespmem:s4+$0x0], $0x1;
	_ =	sdelay $0x4  }
0x309: {  	(v2sf) =	vpush @!p1 v1, $0x0;
	_ =	sdelay $0xe  }
.Ltmp42:
0x30a: {  	s8 =	spop @!p1 (v2sf);
	(pc) =	sbr.rel @p2 .LBB2_50-.Ltmp42, $4  }
0x30b: {  	p3 =	seq.s32 @!p1 s0, s8  }
0x30c: {  	p3 =	por !p3, p1  }
0x30d: {  	s5 =	simm.s32 @p3 $0xFFFFFFFF  }
0x30e: {  	s5 =	smov.u32 @p1 s7  }
.LBB2_51:
0x30f: {  	p1 =	seq.s32 s5, $0xFFFFFFFF  }
.Ltmp43:
0x310: {  	_ = 	snop;
	(pc) =	sbr.rel @p1 .LBB2_53-.Ltmp43, $1  }
0x311: {  	_ =	sdelay $0x3  }
0x312: {  	s0 =	sshll.u32 s3, $0x8  }
0x313: {  	s0 =	sand.u32 $0x3FFFFF00, s0  }
0x314: {  	v0 =	vld [tilespmem:s0+$0xE438];
	_ =	sdelay $0x2  }
0x315: {  	s4 =	sshll.u32 s5, $0xA  }
0x316: {  	s4 =	sshra.s32 s4, $0x2  }
0x317: {  	[tilespmem:s4+$0xE438] =	vst.add.f32.msk $0xffff, v0  }
0x318: {  	v0 =	vld [tilespmem:s0+$0xE448];
	_ =	sdelay $0x4  }
0x319: {  	[tilespmem:s4+$0xE448] =	vst.add.f32.msk $0xffff, v0  }
0x31a: {  	v0 =	vld [tilespmem:s0+$0xE458];
	_ =	sdelay $0x4  }
0x31b: {  	[tilespmem:s4+$0xE458] =	vst.add.f32.msk $0xffff, v0  }
0x31c: {  	v0 =	vld [tilespmem:s0+$0xE468];
	_ =	sdelay $0x4  }
0x31d: {  	[tilespmem:s4+$0xE468] =	vst.add.f32.msk $0xffff, v0  }
0x31e: {  	v0 =	vld [tilespmem:s0+$0xE478];
	_ =	sdelay $0x4  }
0x31f: {  	[tilespmem:s4+$0xE478] =	vst.add.f32.msk $0xffff, v0  }
0x320: {  	v0 =	vld [tilespmem:s0+$0xE488];
	_ =	sdelay $0x4  }
0x321: {  	[tilespmem:s4+$0xE488] =	vst.add.f32.msk $0xffff, v0  }
0x322: {  	v0 =	vld [tilespmem:s0+$0xE498];
	_ =	sdelay $0x4  }
0x323: {  	[tilespmem:s4+$0xE498] =	vst.add.f32.msk $0xffff, v0  }
0x324: {  	v0 =	vld [tilespmem:s0+$0xE4A8];
	_ =	sdelay $0x4  }
0x325: {  	[tilespmem:s4+$0xE4A8] =	vst.add.f32.msk $0xffff, v0  }
0x326: {  	v0 =	vld [tilespmem:s0+$0xE4B8];
	_ =	sdelay $0x4  }
0x327: {  	[tilespmem:s4+$0xE4B8] =	vst.add.f32.msk $0xffff, v0  }
0x328: {  	v0 =	vld [tilespmem:s0+$0xE4C8];
	_ =	sdelay $0x4  }
0x329: {  	[tilespmem:s4+$0xE4C8] =	vst.add.f32.msk $0xffff, v0  }
0x32a: {  	v0 =	vld [tilespmem:s0+$0xE4D8];
	_ =	sdelay $0x4  }
0x32b: {  	[tilespmem:s4+$0xE4D8] =	vst.add.f32.msk $0xffff, v0  }
0x32c: {  	v0 =	vld [tilespmem:s0+$0xE4E8];
	_ =	sdelay $0x4  }
0x32d: {  	[tilespmem:s4+$0xE4E8] =	vst.add.f32.msk $0xffff, v0  }
0x32e: {  	v0 =	vld [tilespmem:s0+$0xE4F8];
	_ =	sdelay $0x4  }
0x32f: {  	[tilespmem:s4+$0xE4F8] =	vst.add.f32.msk $0xffff, v0  }
0x330: {  	v0 =	vld [tilespmem:s0+$0xE508];
	_ =	sdelay $0x4  }
0x331: {  	[tilespmem:s4+$0xE508] =	vst.add.f32.msk $0xffff, v0  }
0x332: {  	v0 =	vld [tilespmem:s0+$0xE518];
	_ =	sdelay $0x4  }
0x333: {  	[tilespmem:s4+$0xE518] =	vst.add.f32.msk $0xffff, v0  }
0x334: {  	v0 =	vld [tilespmem:s0+$0xE528]  }
.Ltmp44:
0x335: {  	_ = 	snop;
	(pc) =	sbr.rel .LBB2_54-.Ltmp44, $2  }
0x336: {  	_ =	sdelay $0x2  }
0x337: {  	[tilespmem:s4+$0xE528] =	vst.add.f32.msk $0xffff, v0  }
.LBB2_55:
0x338: {  	p1 =	slt.s32 s2, $0x1  }
.Ltmp45:
0x339: {  	_ = 	snop;
	(pc) =	sbr.rel @p1 .LBB2_59-.Ltmp45, $3  }
0x33a: {  	_ =	sdelay $0x1  }
0x33b: {  	s0 =	simm.s32 $0x8  }
0x33c: {  	s4 =	simm.s32 $0x0;
	[sflag:s0] =	ssyncpa.u1 $0x1  }
0x33d: {  	s0 =	simm.s32 $0xE418  }
0x33e: {  	v0 =	vld.msk [tilespmem:s0+$0x0], $0x1;
	_ =	sdelay $0x4  }
0x33f: {  	(v2sf) =	vpush v0, $0x0;
	_ =	sdelay $0xe  }
0x340: {  	s0 =	sadd.s32 $0xFFFFFFFF, s2;
	s3 =	spop (v2sf)  }
0x341: {  	s6 =	simm.s32 $0xE438;
	p1 =	sne.s32 s0, $0x0;
	p2 =	sgt.u32 s3, $0x4E170  }
.Ltmp46:
0x342: {  	s2 =	simm.s32 $0xE538;
	s5 =	sand.u32 @!p2 $0x7FFF8, s3;
	(pc) =	sbr.rel @!p1 .LBB2_58-.Ltmp46, $4  }
0x343: {  	s7 =	sadd.s32 @!p2 $0x80, s3;
	s4 =	simm.s32 @!p2 $0x400;
	s8 =	sadd.s32 @!p2 s1, s5  }
0x344: {  	s5 =	sand.u32 @!p2 $0x7, s3;
	s3 =	simm.s32 $0xE419;
	s7 =	sand.u32 @!p2 $0xFFFF8, s7  }
0x345: {  	[hbm4b:s8+s5] =	stream.linear.scatter @!p2 [tilespmem:s6], [sflag:$0x7], $0x80, $0x38;
	[tilespmem:$0x1E678] =	vst v63  }
0x346: {  	s4 =	sadd.s32 $0x0, s4;
	s6 =	simm.s32 @!p2 $0xE4B8;
	s7 =	sadd.s32 @!p2 s1, s7  }
.LBB2_57:
0x347: {  	[hbm4b:s7+s5] =	stream.linear.scatter @!p2 [tilespmem:s6], [sflag:$0x7], $0x80, $0x38;
	[tilespmem:$0x1E678] =	vst v63  }
0x348: {  	s0 =	sadd.s32 $0xFFFFFFFF, s0;
	s6 =	smov.u32 s2;
	v0 =	vld.msk [tilespmem:s3+$0x0], $0x1  }
0x349: {  	p1 =	sne.s32 s0, $0x0;
	_ =	sdelay $0x3  }
0x34a: {  	(v2sf) =	vpush v0, $0x0;
	_ =	sdelay $0xe  }
0x34b: {  	s2 =	sadd.s32 $0x100, s2;
	s8 =	simm.s32 $0x0;
	s5 =	spop (v2sf)  }
.Ltmp47:
0x34c: {  	s3 =	sadd.s32 $0x1, s3;
	p2 =	sgt.u32 s5, $0x4E170;
	(pc) =	sbr.rel @p1 .LBB2_57-.Ltmp47, $4  }
0x34d: {  	s8 =	simm.s32 @!p2 $0x400;
	s7 =	sand.u32 @!p2 $0x7FFF8, s5;
	s9 =	sadd.s32 @!p2 $0x80, s5  }
0x34e: {  	s5 =	sand.u32 @!p2 $0x7, s5;
	s7 =	sadd.s32 @!p2 s1, s7;
	s9 =	sand.u32 @!p2 $0xFFFF8, s9  }
0x34f: {  	[hbm4b:s7+s5] =	stream.linear.scatter @!p2 [tilespmem:s6], [sflag:$0x7], $0x80, $0x38;
	[tilespmem:$0x1E678] =	vst v63  }
0x350: {  	s4 =	sadd.s32 s4, s8;
	s6 =	sadd.s32 @!p2 $0x80, s6;
	s7 =	sadd.s32 @!p2 s1, s9  }
.LBB2_58:
0x351: {  	[hbm4b:s7+s5] =	stream.linear.scatter @!p2 [tilespmem:s6], [sflag:$0x7], $0x80, $0x38;
	[tilespmem:$0x1E678] =	vst v63  }
0x352: {  	s4 =	sshrl.u32 s4, $0x2  }
.LBB2_59:
0x353: {  	s0 =	simm.s32 $0x7  }
0x354: {  	_ =	swait.ge [sflag:s0], s4  }
0x355: {  	s1 =	ssub.s32 $0x0, s4;
	[sflag:s0] =	ssyncset.done $0x0  }
0x356: {  	[sflag:s0] =	ssyncadd.s32 s1  }
0x357: {  	[sflag:s0] =	ssyncpa.u1 $0x1  }
.LBB2_60:
0x358: {  	_ =	sfence;
	s0 =	simm.s32 $0x1  }
0x359: {  	[sflag:s0] =	ssyncpa.u1 $0x1  }
0x35a: {  	_ =	strace $0x9000004A  }
0x35b: {  	[bflag:$0x2] =	sbarrier.arrive $0xFFFF  }
0x35c: {  	s0 =	rddreg [dreg:$0x4]  }
0x35d: {  	s0 =	sadd.s32 @!p0 $0x100000, s0  }
0x35e: {  	[sflag:s0] =	ssyncadd.tile.s32 @!p0 $0x1;
	_ =	shalt  }
.Lfunc_end2:
_tile_overlayer_lowered:
.L_overlay_start_2:
0x35f: {  	(tag) =	ssettag $0x2  }
0x360: {  	s0 =	rddreg [dreg:$0x0];
	s2 =	stileid.u32  }
0x361: {  	s1 =	rddreg [dreg:$0x1];
	p0 =	sne.s32 s2, $0x0  }
0x362: {  	s3 =	rddreg [dreg:$0x2];
	[bflag:$0x3] =	sbarrier.arrive $0xFFFF;
	s2 =	simm.s32 @!p0 $0x1C01  }
0x363: {  	[timem:s3], [sflag:s2] =	dma.local @!p0 [hbm:s0], s1  }
0x364: {  	s0 =	simm.s32 @!p0 $0x1  }
0x365: {  	_ =	swait.ge @!p0 [sflag:s0], s1  }
0x366: {  	s1 =	ssub.s32 @!p0 $0x0, s1;
	[sflag:s0] =	ssyncset.done @!p0 $0x0  }
0x367: {  	[sflag:s0] =	ssyncadd.s32 @!p0 s1  }
0x368: {  	[bflag:$0x3] =	sbarrier.arrive $0xFFFF  }
0x369: {  	_ =	shalt  }

</sc_bundles>
